<compile_context>
chip_gen: v7x
topology: tpu7x:2x2x1
jax: 0.10.2.dev20260603
libtpu: 0.0.44.dev20260713+nightly
codegen_flags: <defaults>
</compile_context>

<pallas_src>
import functools

import numpy as np

import jax
import jax.numpy as jnp
from jax import lax
from jax.experimental import pallas as pl
from jax.experimental.pallas import tpu as pltpu
from jax.experimental.pallas import tpu_sc as plsc

_NT = (((1,), (1,)), ((), ()))


def _make_sc_agg(n_nodes, n_edges, width, nc, ns, k, nbuf, n_phases, split,
                 dtype=jnp.float32, deg_width=0):
    edges_per_worker = n_edges // (ns if split else nc * ns)
    n_chunks = edges_per_worker // k
    assert edges_per_worker % k == 0 and n_chunks % n_phases == 0
    pchunks = n_chunks // n_phases
    assert pchunks % nbuf == 0
    rows_per_tile = n_nodes // ns
    mesh = plsc.VectorSubcoreMesh(core_axis_name="c", subcore_axis_name="s")

    out_type = [jax.ShapeDtypeStruct((nc, n_nodes, width), dtype)]
    scratch = [
        pltpu.VMEM((pchunks, k), jnp.int32),
        pltpu.VMEM((pchunks, k), jnp.int32),
        pltpu.VMEM((nbuf, k, width), dtype),
        pltpu.VMEM_SHARED((n_nodes, width), dtype),
        pltpu.SemaphoreType.DMA((nbuf,)),
        pltpu.SemaphoreType.DMA((nbuf,)),
    ]
    if deg_width:
        out_type.append(
            jax.ShapeDtypeStruct((n_nodes, deg_width), jnp.float32))
        scratch += [
            pltpu.VMEM((k, deg_width), jnp.float32),
            pltpu.VMEM_SHARED((n_nodes, deg_width), jnp.float32),
            pltpu.SemaphoreType.DMA((nbuf,)),
        ]

    @functools.partial(pl.kernel, mesh=mesh, out_type=out_type,
                       compiler_params=pltpu.CompilerParams(
                           use_tc_tiling_on_sc=False,
                           skip_device_barrier=True),
                       scratch_types=scratch)
    def agg(*refs):
        if deg_width:
            (table_hbm, ei_hbm, zeros_hbm, zdeg_hbm, ones_hbm,
             out_hbm, deg_hbm, src_v, dst_v, rows_v, acc_sh, gsem, ssem,
             ones_v, deg_sh, dsem) = refs
        else:
            (table_hbm, ei_hbm, zeros_hbm, out_hbm,
             src_v, dst_v, rows_v, acc_sh, gsem, ssem) = refs
        c = lax.axis_index("c")
        s = lax.axis_index("s")
        tile_rows = pl.ds(s * rows_per_tile, rows_per_tile)
        pltpu.sync_copy(zeros_hbm, acc_sh.at[tile_rows])
        if deg_width:

            @pl.when(c == 0)
            def _():
                pltpu.sync_copy(zdeg_hbm, deg_sh.at[tile_rows])
                pltpu.sync_copy(ones_hbm, ones_v)

        plsc.subcore_barrier()

        for phase in range(n_phases):
            if split:
                base = s * n_chunks + phase * pchunks
                pltpu.sync_copy(ei_hbm.at[0, pl.ds(base, pchunks)], src_v)
                pltpu.sync_copy(ei_hbm.at[1, pl.ds(base, pchunks)], dst_v)
                kq = k // 16

                def fix(i, carry):
                    r = lax.div(i, kq)
                    q = lax.rem(i, kq)
                    v = src_v[r, pl.ds(q * 16, 16)]
                    src_v[r, pl.ds(q * 16, 16)] = v + v + c
                    return carry

                lax.fori_loop(0, pchunks * kq, fix, 0)
                sidx = lambda j: src_v.at[j]
            else:
                base = (s * nc + c) * n_chunks + phase * pchunks
                pltpu.sync_copy(ei_hbm.at[0, pl.ds(base, pchunks)], src_v)
                pltpu.sync_copy(ei_hbm.at[1, pl.ds(base, pchunks)], dst_v)
                sidx = lambda j: src_v.at[j]

            for b in range(nbuf):
                pltpu.async_copy(table_hbm.at[sidx(b)], rows_v.at[b],
                                 gsem.at[b])

            def body(g, carry):
                j0 = g * nbuf
                for b in range(nbuf):
                    j = j0 + b
                    pltpu.make_async_copy(
                        table_hbm.at[sidx(j)], rows_v.at[b], gsem.at[b]).wait()
                    pltpu.async_copy(
                        rows_v.at[b], acc_sh.at[dst_v.at[j]], ssem.at[b], add=True)
                    if deg_width:

                        @pl.when(c == 0)
                        def _():
                            pltpu.async_copy(
                                ones_v, deg_sh.at[dst_v.at[j]], dsem.at[b],
                                add=True)
                for b in range(nbuf):
                    j2 = j0 + nbuf + b

                    @pl.when(j2 < pchunks)
                    def _():
                        pltpu.make_async_copy(
                            rows_v.at[b], acc_sh.at[dst_v.at[j0 + b]],
                            ssem.at[b]).wait()
                        if deg_width:

                            @pl.when(c == 0)
                            def _():
                                pltpu.make_async_copy(
                                    ones_v, deg_sh.at[dst_v.at[j0 + b]],
                                    dsem.at[b]).wait()

                        pltpu.async_copy(
                            table_hbm.at[sidx(j2)], rows_v.at[b], gsem.at[b])

                return carry

            lax.fori_loop(0, pchunks // nbuf, body, 0)
            for b in range(nbuf):
                pltpu.make_async_copy(
                    rows_v.at[b], acc_sh.at[dst_v.at[pchunks - nbuf + b]],
                    ssem.at[b]).wait()
                if deg_width:

                    @pl.when(c == 0)
                    def _():
                        pltpu.make_async_copy(
                            ones_v, deg_sh.at[dst_v.at[pchunks - nbuf + b]],
                            dsem.at[b]).wait()

        plsc.subcore_barrier()
        pltpu.sync_copy(acc_sh.at[tile_rows], out_hbm.at[c, tile_rows])
        if deg_width:

            @pl.when(c == 0)
            def _():
                pltpu.sync_copy(deg_sh.at[tile_rows], deg_hbm.at[tile_rows])

    return agg


def _dense_mid(x, xagg, dego, ws1, wn1, b1, ws2, wn2, bn):
    n, d = x.shape
    h = ws1.shape[0]
    cdim = ws2.shape[0]
    hw = xagg.shape[-1]
    dw = dego.shape[-1]
    grid = n // bn

    def body(x_ref, agg_ref, deg_ref, ws1_ref, wn1_ref, b1_ref, ws2_ref,
             wn2_ref, h1_ref, h1r_ref, z2a_ref, hs2_ref):
        xagg_b = jnp.concatenate(
            [agg_ref[0].astype(jnp.float32), agg_ref[1].astype(jnp.float32)],
            axis=1)
        deg = jnp.maximum(deg_ref[:, 0:1], 1.0)
        mean = xagg_b / deg
        h1 = (lax.dot_general(x_ref[...], ws1_ref[...], _NT,
                              preferred_element_type=jnp.float32)
              + lax.dot_general(mean, wn1_ref[...], _NT,
                                preferred_element_type=jnp.float32)
              + b1_ref[...])
        h1_ref[...] = h1
        h1r = jnp.maximum(h1, 0.0)
        h1r_ref[...] = h1r
        z2 = lax.dot_general(h1r, wn2_ref[...], _NT,
                             preferred_element_type=jnp.float32)
        hs2_ref[...] = lax.dot_general(h1r, ws2_ref[...], _NT,
                                       preferred_element_type=jnp.float32)
        z2a_ref[...] = jnp.concatenate(
            [z2, jnp.ones((bn, cdim), jnp.float32)], axis=1)

    return pl.pallas_call(
        body,
        grid=(grid,),
        in_specs=[
            pl.BlockSpec((bn, d), lambda i: (i, 0)),
            pl.BlockSpec((2, bn, hw), lambda i: (0, i, 0)),
            pl.BlockSpec((bn, dw), lambda i: (i, 0)),
            pl.BlockSpec((h, d), lambda i: (0, 0)),
            pl.BlockSpec((h, d), lambda i: (0, 0)),
            pl.BlockSpec((1, h), lambda i: (0, 0)),
            pl.BlockSpec((cdim, h), lambda i: (0, 0)),
            pl.BlockSpec((cdim, h), lambda i: (0, 0)),
        ],
        out_specs=[
            pl.BlockSpec((bn, h), lambda i: (i, 0)),
            pl.BlockSpec((bn, h), lambda i: (i, 0)),
            pl.BlockSpec((bn, 2 * cdim), lambda i: (i, 0)),
            pl.BlockSpec((bn, cdim), lambda i: (i, 0)),
        ],
        out_shape=[
            jax.ShapeDtypeStruct((n, h), jnp.float32),
            jax.ShapeDtypeStruct((n, h), jnp.float32),
            jax.ShapeDtypeStruct((n, 2 * cdim), jnp.float32),
            jax.ShapeDtypeStruct((n, cdim), jnp.float32),
        ],
    )(x, xagg, dego, ws1, wn1, b1, ws2, wn2)


def _dense_final(hs2, agg2, b2, bn):
    n, cdim = hs2.shape
    wa = agg2.shape[-1]
    grid = n // bn

    def body(hs2_ref, agg_ref, b2_ref, h2_ref):
        a = agg_ref[0] + agg_ref[1]
        deg = jnp.maximum(a[:, cdim:cdim + 1], 1.0)
        h2_ref[...] = hs2_ref[...] + a[:, :cdim] / deg + b2_ref[...]

    return pl.pallas_call(
        body,
        grid=(grid,),
        in_specs=[
            pl.BlockSpec((bn, cdim), lambda i: (i, 0)),
            pl.BlockSpec((2, bn, wa), lambda i: (0, i, 0)),
            pl.BlockSpec((1, cdim), lambda i: (0, 0)),
        ],
        out_specs=pl.BlockSpec((bn, cdim), lambda i: (i, 0)),
        out_shape=jax.ShapeDtypeStruct((n, cdim), jnp.float32),
    )(hs2, agg2, b2)


def kernel(x, edge_index, W_self1, W_neigh1, b1, W_self2, W_neigh2, b2):
    n, d = x.shape
    e = edge_index.shape[1]
    h = W_self1.shape[0]
    cdim = W_self2.shape[0]
    info = plsc.get_sparse_core_info()
    nc, ns = info.num_cores, info.num_subcores

    hw = d // 2
    dw = 8
    tab = x.astype(jnp.bfloat16).reshape(nc * n, hw)

    k1, k2 = 160, 200
    ei3a = edge_index.reshape(2, e // k1, k1)
    ei3c = edge_index.reshape(2, e // k2, k2)
    agg_fn1 = _make_sc_agg(n, e, hw, nc, ns, k=k1, nbuf=5, n_phases=1,
                           split=True, dtype=jnp.bfloat16, deg_width=dw)
    xagg, dego = agg_fn1(
        tab, ei3a,
        jnp.zeros((n // ns, hw), jnp.bfloat16),
        jnp.zeros((n // ns, dw), jnp.float32),
        jnp.ones((k1, dw), jnp.float32))

    h1, h1r, z2a, hs2 = _dense_mid(
        x, xagg, dego, W_self1, W_neigh1, b1.reshape(1, h),
        W_self2, W_neigh2, bn=2000)

    w2 = 2 * cdim
    agg_fn2 = _make_sc_agg(n, e, w2, nc, ns, k=k2, nbuf=5, n_phases=1,
                           split=False)
    (agg2,) = agg_fn2(z2a, ei3c, jnp.zeros((n // ns, w2), jnp.float32))

    h2 = _dense_final(hs2, agg2, b2.reshape(1, cdim), bn=2000)
    return (h2, h1, h1r)

# --- scband reference (transcript-rebuilt; emitter-appended) ---
"""Pipeline reference for scband-sage-8899172237857 (READ-ONLY COPY).

The authoritative reference and input builder live on the scoring server;
editing this copy changes nothing except your own understanding.
"""

import jax, jax.numpy as jnp
import numpy as np

N = 10000
E = 320000
D = 128
H = 128
C = 16


def setup_inputs(seed: int = 0) -> dict:
    key = jax.random.key(seed)
    ks = jax.random.split(key, 8)
    x = jax.random.normal(ks[0], (N, D), dtype=jnp.float32)
    edge_index = jax.random.randint(ks[1], (2, E), 0, N, dtype=jnp.int32)
    s1 = 1.0 / np.sqrt(D)
    s2 = 1.0 / np.sqrt(H)
    W_self1 = jax.random.uniform(ks[2], (H, D), dtype=jnp.float32, minval=-s1, maxval=s1)
    W_neigh1 = jax.random.uniform(ks[3], (H, D), dtype=jnp.float32, minval=-s1, maxval=s1)
    b1 = jnp.zeros((H,), dtype=jnp.float32)
    W_self2 = jax.random.uniform(ks[4], (C, H), dtype=jnp.float32, minval=-s2, maxval=s2)
    W_neigh2 = jax.random.uniform(ks[5], (C, H), dtype=jnp.float32, minval=-s2, maxval=s2)
    b2 = jnp.zeros((C,), dtype=jnp.float32)
    return {
        "x": x,
        "edge_index": edge_index,
        "W_self1": W_self1,
        "W_neigh1": W_neigh1,
        "b1": b1,
        "W_self2": W_self2,
        "W_neigh2": W_neigh2,
        "b2": b2,
    }


def _sage_conv_mean(h, src, dst, W_self, W_neigh, b):
    # DGL SAGEConv, aggregator_type='mean':
    # h_out = fc_self(h_dst) + fc_neigh(mean_{src->dst} h_src) + bias
    msg = jnp.take(h, src, axis=0)  # gather over edges [E, d]
    agg = jax.ops.segment_sum(msg, dst, num_segments=N)  # scatter-add [N, d]
    deg = jax.ops.segment_sum(jnp.ones((src.shape[0],), dtype=h.dtype), dst, num_segments=N)
    mean = agg / jnp.clip(deg, 1.0)[:, None]
    return h @ W_self.T + mean @ W_neigh.T + b


def reference(x, edge_index, W_self1, W_neigh1, b1, W_self2, W_neigh2, b2):
    src = edge_index[0]
    dst = edge_index[1]
    h1 = _sage_conv_mean(x, src, dst, W_self1, W_neigh1, b1)
    h1r = jax.nn.relu(h1)
    h2 = _sage_conv_mean(h1r, src, dst, W_self2, W_neigh2, b2)
    # original returns (h, [h1, relu(h1), h2])
    return (h2, h1, h1r)

if __name__ == "__main__":
    import jax
    _d = setup_inputs()
    print(jax.jit(kernel)(*tuple(_d.values())))

</pallas_src>

<mosaic_0001>
#map = affine_map<(d0, d1) -> (0, 0)>
#map1 = affine_map<(d0, d1) -> (0, 0, 0)>
module attributes {stable_mosaic.version = 14 : i64} {
  func.func @agg(%arg0: i32, %arg1: i32, %arg2: memref<20000x64xbf16, #tpu.memory_space<hbm>>, %arg3: memref<2x2000x160xi32, #tpu.memory_space<hbm>>, %arg4: memref<625x64xbf16, #tpu.memory_space<hbm>>, %arg5: memref<625x8xf32, #tpu.memory_space<hbm>>, %arg6: memref<160x8xf32, #tpu.memory_space<hbm>>, %arg7: memref<2x10000x64xbf16, #tpu.memory_space<hbm>>, %arg8: memref<10000x8xf32, #tpu.memory_space<hbm>>, %arg9: memref<125x160xi32, #tpu.memory_space<vmem>>, %arg10: memref<125x160xi32, #tpu.memory_space<vmem>>, %arg11: memref<5x160x64xbf16, #tpu.memory_space<vmem>>, %arg12: memref<10000x64xbf16, #tpu.memory_space<vmem_shared>>, %arg13: memref<5x!tpu.dma_semaphore, #tpu.memory_space<semaphore_mem>>, %arg14: memref<5x!tpu.dma_semaphore, #tpu.memory_space<semaphore_mem>>, %arg15: memref<160x8xf32, #tpu.memory_space<vmem>>, %arg16: memref<10000x8xf32, #tpu.memory_space<vmem_shared>>, %arg17: memref<5x!tpu.dma_semaphore, #tpu.memory_space<semaphore_mem>>) attributes {dimension_semantics = [#tpu.dimension_semantics<core_parallel>, #tpu.dimension_semantics<subcore_parallel>], iteration_bounds = array<i64: 2, 16>, scalar_prefetch = 0 : i64, scratch_operands = 9 : i64, tpu.core_type = #tpu.core_type<sc_vector_subcore>, window_params = [{transform_indices = #map}, {transform_indices = #map1}, {transform_indices = #map}, {transform_indices = #map}, {transform_indices = #map}, {transform_indices = #map1}, {transform_indices = #map}]} {
    %mul3A = arith.constant 625 : i32
    %mul3A_0 = arith.muli %arg1, %mul3A : i32
    "tpu.region"() ({
      %run_scoped3A_197 = tpu.sem_alloc : memref<!tpu.dma_semaphore, #tpu.memory_space<semaphore_mem>>
      %dma_start3A_198 = arith.constant 0 : i32
      %dma_start3A_199 = tpu.memref_slice %arg12[%mul3A_0, %dma_start3A_198] : memref<10000x64xbf16, #tpu.memory_space<vmem_shared>> -> memref<625x64xbf16, #tpu.memory_space<vmem_shared>>
      tpu.enqueue_dma source(%arg4 : memref<625x64xbf16, #tpu.memory_space<hbm>>) target(%dma_start3A_199 : memref<625x64xbf16, #tpu.memory_space<vmem_shared>>) target_semaphore(%run_scoped3A_197 : memref<!tpu.dma_semaphore, #tpu.memory_space<semaphore_mem>>)
      %dma_wait3A_200 = arith.constant 0 : i32
      %dma_wait3A_201 = tpu.memref_slice %arg12[%mul3A_0, %dma_wait3A_200] : memref<10000x64xbf16, #tpu.memory_space<vmem_shared>> -> memref<625x64xbf16, #tpu.memory_space<vmem_shared>>
      tpu.wait_dma2 semaphore(%run_scoped3A_197 : memref<!tpu.dma_semaphore, #tpu.memory_space<semaphore_mem>>) src(%arg4 : memref<625x64xbf16, #tpu.memory_space<hbm>>) dst(%dma_wait3A_201 : memref<625x64xbf16, #tpu.memory_space<vmem_shared>>)
      tpu.yield
    }) : () -> ()
    %eq3A = arith.constant 0 : i32
    %eq3A_1 = arith.cmpi eq, %arg0, %eq3A : i32
    %convert_element_type3A = arith.extui %eq3A_1 : i1 to i32
    %cond3A = arith.constant 0 : i32
    %cond3A_2 = arith.cmpi ne, %convert_element_type3A, %cond3A : i32
    scf.if %cond3A_2 {
      "tpu.region"() ({
        %run_scoped3A_197 = tpu.sem_alloc : memref<!tpu.dma_semaphore, #tpu.memory_space<semaphore_mem>>
        %dma_start3A_198 = arith.constant 0 : i32
        %dma_start3A_199 = tpu.memref_slice %arg16[%mul3A_0, %dma_start3A_198] : memref<10000x8xf32, #tpu.memory_space<vmem_shared>> -> memref<625x8xf32, #tpu.memory_space<vmem_shared>>
        tpu.enqueue_dma source(%arg5 : memref<625x8xf32, #tpu.memory_space<hbm>>) target(%dma_start3A_199 : memref<625x8xf32, #tpu.memory_space<vmem_shared>>) target_semaphore(%run_scoped3A_197 : memref<!tpu.dma_semaphore, #tpu.memory_space<semaphore_mem>>)
        %dma_wait3A_200 = arith.constant 0 : i32
        %dma_wait3A_201 = tpu.memref_slice %arg16[%mul3A_0, %dma_wait3A_200] : memref<10000x8xf32, #tpu.memory_space<vmem_shared>> -> memref<625x8xf32, #tpu.memory_space<vmem_shared>>
        tpu.wait_dma2 semaphore(%run_scoped3A_197 : memref<!tpu.dma_semaphore, #tpu.memory_space<semaphore_mem>>) src(%arg5 : memref<625x8xf32, #tpu.memory_space<hbm>>) dst(%dma_wait3A_201 : memref<625x8xf32, #tpu.memory_space<vmem_shared>>)
        tpu.yield
      }) : () -> ()
      "tpu.region"() ({
        %run_scoped3A_197 = tpu.sem_alloc : memref<!tpu.dma_semaphore, #tpu.memory_space<semaphore_mem>>
        tpu.enqueue_dma source(%arg6 : memref<160x8xf32, #tpu.memory_space<hbm>>) target(%arg15 : memref<160x8xf32, #tpu.memory_space<vmem>>) target_semaphore(%run_scoped3A_197 : memref<!tpu.dma_semaphore, #tpu.memory_space<semaphore_mem>>)
        tpu.wait_dma2 semaphore(%run_scoped3A_197 : memref<!tpu.dma_semaphore, #tpu.memory_space<semaphore_mem>>) src(%arg6 : memref<160x8xf32, #tpu.memory_space<hbm>>) dst(%arg15 : memref<160x8xf32, #tpu.memory_space<vmem>>)
        tpu.yield
      }) : () -> ()
    } else {
    }
    %barrier3A = arith.constant 0 : index
    tpu.barrier barrier_id(%barrier3A)
    %mul3A_3 = arith.constant 125 : i32
    %mul3A_4 = arith.muli %arg1, %mul3A_3 : i32
    %add3A = arith.constant 0 : i32
    %add3A_5 = arith.addi %mul3A_4, %add3A : i32
    %run_scoped3A = arith.constant 0 : i32
    "tpu.region"() ({
      %run_scoped3A_197 = tpu.sem_alloc : memref<!tpu.dma_semaphore, #tpu.memory_space<semaphore_mem>>
      %dma_start3A_198 = arith.constant 0 : i32
      %dma_start3A_199 = tpu.memref_slice %arg3[%run_scoped3A, %add3A_5, %dma_start3A_198] : memref<2x2000x160xi32, #tpu.memory_space<hbm>> -> memref<1x125x160xi32, #tpu.memory_space<hbm>>
      %dma_start3A_200 = tpu.memref_squeeze %dma_start3A_199 : memref<1x125x160xi32, #tpu.memory_space<hbm>> -> memref<125x160xi32, #tpu.memory_space<hbm>>
      %dma_start3A_201 = arith.constant 0 : i32
      %dma_start3A_202 = tpu.memref_slice %arg3[%run_scoped3A, %add3A_5, %dma_start3A_201] : memref<2x2000x160xi32, #tpu.memory_space<hbm>> -> memref<1x125x160xi32, #tpu.memory_space<hbm>>
      %dma_start3A_203 = tpu.memref_squeeze %dma_start3A_202 : memref<1x125x160xi32, #tpu.memory_space<hbm>> -> memref<125x160xi32, #tpu.memory_space<hbm>>
      tpu.enqueue_dma source(%dma_start3A_203 : memref<125x160xi32, #tpu.memory_space<hbm>>) target(%arg9 : memref<125x160xi32, #tpu.memory_space<vmem>>) target_semaphore(%run_scoped3A_197 : memref<!tpu.dma_semaphore, #tpu.memory_space<semaphore_mem>>)
      %dma_wait3A_204 = arith.constant 0 : i32
      %dma_wait3A_205 = tpu.memref_slice %arg3[%run_scoped3A, %add3A_5, %dma_wait3A_204] : memref<2x2000x160xi32, #tpu.memory_space<hbm>> -> memref<1x125x160xi32, #tpu.memory_space<hbm>>
      %dma_wait3A_206 = tpu.memref_squeeze %dma_wait3A_205 : memref<1x125x160xi32, #tpu.memory_space<hbm>> -> memref<125x160xi32, #tpu.memory_space<hbm>>
      %dma_wait3A_207 = arith.constant 0 : i32
      %dma_wait3A_208 = tpu.memref_slice %arg3[%run_scoped3A, %add3A_5, %dma_wait3A_207] : memref<2x2000x160xi32, #tpu.memory_space<hbm>> -> memref<1x125x160xi32, #tpu.memory_space<hbm>>
      %dma_wait3A_209 = tpu.memref_squeeze %dma_wait3A_208 : memref<1x125x160xi32, #tpu.memory_space<hbm>> -> memref<125x160xi32, #tpu.memory_space<hbm>>
      tpu.wait_dma2 semaphore(%run_scoped3A_197 : memref<!tpu.dma_semaphore, #tpu.memory_space<semaphore_mem>>) src(%dma_wait3A_209 : memref<125x160xi32, #tpu.memory_space<hbm>>) dst(%arg9 : memref<125x160xi32, #tpu.memory_space<vmem>>)
      tpu.yield
    }) : () -> ()
    %run_scoped3A_6 = arith.constant 1 : i32
    "tpu.region"() ({
      %run_scoped3A_197 = tpu.sem_alloc : memref<!tpu.dma_semaphore, #tpu.memory_space<semaphore_mem>>
      %dma_start3A_198 = arith.constant 0 : i32
      %dma_start3A_199 = tpu.memref_slice %arg3[%run_scoped3A_6, %add3A_5, %dma_start3A_198] : memref<2x2000x160xi32, #tpu.memory_space<hbm>> -> memref<1x125x160xi32, #tpu.memory_space<hbm>>
      %dma_start3A_200 = tpu.memref_squeeze %dma_start3A_199 : memref<1x125x160xi32, #tpu.memory_space<hbm>> -> memref<125x160xi32, #tpu.memory_space<hbm>>
      %dma_start3A_201 = arith.constant 0 : i32
      %dma_start3A_202 = tpu.memref_slice %arg3[%run_scoped3A_6, %add3A_5, %dma_start3A_201] : memref<2x2000x160xi32, #tpu.memory_space<hbm>> -> memref<1x125x160xi32, #tpu.memory_space<hbm>>
      %dma_start3A_203 = tpu.memref_squeeze %dma_start3A_202 : memref<1x125x160xi32, #tpu.memory_space<hbm>> -> memref<125x160xi32, #tpu.memory_space<hbm>>
      tpu.enqueue_dma source(%dma_start3A_203 : memref<125x160xi32, #tpu.memory_space<hbm>>) target(%arg10 : memref<125x160xi32, #tpu.memory_space<vmem>>) target_semaphore(%run_scoped3A_197 : memref<!tpu.dma_semaphore, #tpu.memory_space<semaphore_mem>>)
      %dma_wait3A_204 = arith.constant 0 : i32
      %dma_wait3A_205 = tpu.memref_slice %arg3[%run_scoped3A_6, %add3A_5, %dma_wait3A_204] : memref<2x2000x160xi32, #tpu.memory_space<hbm>> -> memref<1x125x160xi32, #tpu.memory_space<hbm>>
      %dma_wait3A_206 = tpu.memref_squeeze %dma_wait3A_205 : memref<1x125x160xi32, #tpu.memory_space<hbm>> -> memref<125x160xi32, #tpu.memory_space<hbm>>
      %dma_wait3A_207 = arith.constant 0 : i32
      %dma_wait3A_208 = tpu.memref_slice %arg3[%run_scoped3A_6, %add3A_5, %dma_wait3A_207] : memref<2x2000x160xi32, #tpu.memory_space<hbm>> -> memref<1x125x160xi32, #tpu.memory_space<hbm>>
      %dma_wait3A_209 = tpu.memref_squeeze %dma_wait3A_208 : memref<1x125x160xi32, #tpu.memory_space<hbm>> -> memref<125x160xi32, #tpu.memory_space<hbm>>
      tpu.wait_dma2 semaphore(%run_scoped3A_197 : memref<!tpu.dma_semaphore, #tpu.memory_space<semaphore_mem>>) src(%dma_wait3A_209 : memref<125x160xi32, #tpu.memory_space<hbm>>) dst(%arg10 : memref<125x160xi32, #tpu.memory_space<vmem>>)
      tpu.yield
    }) : () -> ()
    %scan3A = arith.constant 0 : i32
    %scan3A_7 = arith.constant 0 : i32
    %scan3A_8 = arith.constant 1250 : i32
    %scan3A_9 = arith.addi %scan3A_7, %scan3A_8 : i32
    %scan3A_10 = arith.constant 1 : i32
    scf.for %scan3A_197 = %scan3A_7 to %scan3A_9 step %scan3A_10  : i32 {
      %div3A = arith.constant 10 : i32
      %div3A_198 = arith.divsi %scan3A_197, %div3A : i32
      %rem3A = arith.constant 10 : i32
      %rem3A_199 = arith.remsi %scan3A_197, %rem3A : i32
      %mul3A_200 = arith.constant 16 : i32
      %mul3A_201 = arith.muli %rem3A_199, %mul3A_200 : i32
      %get3A = arith.index_cast %div3A_198 : i32 to index
      %get3A_202 = arith.index_cast %mul3A_201 : i32 to index
      %get3A_203 = tpu.vector_load %arg9[%get3A, %get3A_202] {strides = array<i32>} : memref<125x160xi32, #tpu.memory_space<vmem>>, vector<1x16xi32>,
      %get3A_204 = vector.shape_cast %get3A_203 : vector<1x16xi32> to vector<16xi32>
      %add3A_205 = arith.addi %get3A_204, %get3A_204 : vector<16xi32>
      %add3A_206 = vector.broadcast %arg0 : i32 to vector<16xi32>
      %add3A_207 = arith.addi %add3A_205, %add3A_206 : vector<16xi32>
      %mul3A_208 = arith.constant 16 : i32
      %mul3A_209 = arith.muli %rem3A_199, %mul3A_208 : i32
      %swap3A = arith.index_cast %div3A_198 : i32 to index
      %swap3A_210 = arith.index_cast %mul3A_209 : i32 to index
      %swap3A_211 = tpu.vector_load %arg9[%swap3A, %swap3A_210] {strides = array<i32>} : memref<125x160xi32, #tpu.memory_space<vmem>>, vector<1x16xi32>,
      %swap3A_212 = vector.shape_cast %swap3A_211 : vector<1x16xi32> to vector<16xi32>
      %swap3A_213 = vector.shape_cast %add3A_207 : vector<16xi32> to vector<1x16xi32>
      tpu.vector_store %arg9[%swap3A, %swap3A_210], %swap3A_213 {strides = array<i32>} : memref<125x160xi32, #tpu.memory_space<vmem>>, vector<1x16xi32>,
    }
    %scan3A_11 = arith.constant 1250 : i32
    %dma_start3A = arith.constant 0 : i32
    %dma_start3A_12 = arith.constant 0 : i32
    %dma_start3A_13 = arith.constant 0 : i32
    %dma_start3A_14 = arith.constant 0 : i32
    %dma_start3A_15 = arith.constant 0 : i32
    %dma_start3A_16 = tpu.memref_slice %arg11[%dma_start3A_12, %dma_start3A_14, %dma_start3A_15] : memref<5x160x64xbf16, #tpu.memory_space<vmem>> -> memref<1x160x64xbf16, #tpu.memory_space<vmem>>
    %dma_start3A_17 = tpu.memref_squeeze %dma_start3A_16 : memref<1x160x64xbf16, #tpu.memory_space<vmem>> -> memref<160x64xbf16, #tpu.memory_space<vmem>>
    %dma_start3A_18 = arith.constant 0 : i32
    %dma_start3A_19 = tpu.memref_slice %arg9[%dma_start3A, %dma_start3A_18] : memref<125x160xi32, #tpu.memory_space<vmem>> -> memref<1x160xi32, #tpu.memory_space<vmem>>
    %dma_start3A_20 = tpu.memref_squeeze %dma_start3A_19 : memref<1x160xi32, #tpu.memory_space<vmem>> -> memref<160xi32, #tpu.memory_space<vmem>>
    %dma_start3A_21 = arith.constant 0 : i32
    %dma_start3A_22 = arith.constant 0 : i32
    %dma_start3A_23 = tpu.memref_slice %arg2[%dma_start3A_21, %dma_start3A_22] : memref<20000x64xbf16, #tpu.memory_space<hbm>> -> memref<20000x64xbf16, #tpu.memory_space<hbm>>
    %dma_start3A_24 = tpu.memref_slice %arg13[%dma_start3A_13] : memref<5x!tpu.dma_semaphore, #tpu.memory_space<semaphore_mem>> -> memref<1x!tpu.dma_semaphore, #tpu.memory_space<semaphore_mem>>
    %dma_start3A_25 = tpu.memref_squeeze %dma_start3A_24 : memref<1x!tpu.dma_semaphore, #tpu.memory_space<semaphore_mem>> -> memref<!tpu.dma_semaphore, #tpu.memory_space<semaphore_mem>>
    tpu.enqueue_indirect_dma source(%dma_start3A_23 : memref<20000x64xbf16, #tpu.memory_space<hbm>>) target(%dma_start3A_17 : memref<160x64xbf16, #tpu.memory_space<vmem>>) offsets(%dma_start3A_20 : memref<160xi32, #tpu.memory_space<vmem>>) semaphore(%dma_start3A_25 : memref<!tpu.dma_semaphore, #tpu.memory_space<semaphore_mem>>)
    %dma_start3A_26 = arith.constant 1 : i32
    %dma_start3A_27 = arith.constant 1 : i32
    %dma_start3A_28 = arith.constant 1 : i32
    %dma_start3A_29 = arith.constant 0 : i32
    %dma_start3A_30 = arith.constant 0 : i32
    %dma_start3A_31 = tpu.memref_slice %arg11[%dma_start3A_27, %dma_start3A_29, %dma_start3A_30] : memref<5x160x64xbf16, #tpu.memory_space<vmem>> -> memref<1x160x64xbf16, #tpu.memory_space<vmem>>
    %dma_start3A_32 = tpu.memref_squeeze %dma_start3A_31 : memref<1x160x64xbf16, #tpu.memory_space<vmem>> -> memref<160x64xbf16, #tpu.memory_space<vmem>>
    %dma_start3A_33 = arith.constant 0 : i32
    %dma_start3A_34 = tpu.memref_slice %arg9[%dma_start3A_26, %dma_start3A_33] : memref<125x160xi32, #tpu.memory_space<vmem>> -> memref<1x160xi32, #tpu.memory_space<vmem>>
    %dma_start3A_35 = tpu.memref_squeeze %dma_start3A_34 : memref<1x160xi32, #tpu.memory_space<vmem>> -> memref<160xi32, #tpu.memory_space<vmem>>
    %dma_start3A_36 = arith.constant 0 : i32
    %dma_start3A_37 = arith.constant 0 : i32
    %dma_start3A_38 = tpu.memref_slice %arg2[%dma_start3A_36, %dma_start3A_37] : memref<20000x64xbf16, #tpu.memory_space<hbm>> -> memref<20000x64xbf16, #tpu.memory_space<hbm>>
    %dma_start3A_39 = tpu.memref_slice %arg13[%dma_start3A_28] : memref<5x!tpu.dma_semaphore, #tpu.memory_space<semaphore_mem>> -> memref<1x!tpu.dma_semaphore, #tpu.memory_space<semaphore_mem>>
    %dma_start3A_40 = tpu.memref_squeeze %dma_start3A_39 : memref<1x!tpu.dma_semaphore, #tpu.memory_space<semaphore_mem>> -> memref<!tpu.dma_semaphore, #tpu.memory_space<semaphore_mem>>
    tpu.enqueue_indirect_dma source(%dma_start3A_38 : memref<20000x64xbf16, #tpu.memory_space<hbm>>) target(%dma_start3A_32 : memref<160x64xbf16, #tpu.memory_space<vmem>>) offsets(%dma_start3A_35 : memref<160xi32, #tpu.memory_space<vmem>>) semaphore(%dma_start3A_40 : memref<!tpu.dma_semaphore, #tpu.memory_space<semaphore_mem>>)
    %dma_start3A_41 = arith.constant 2 : i32
    %dma_start3A_42 = arith.constant 2 : i32
    %dma_start3A_43 = arith.constant 2 : i32
    %dma_start3A_44 = arith.constant 0 : i32
    %dma_start3A_45 = arith.constant 0 : i32
    %dma_start3A_46 = tpu.memref_slice %arg11[%dma_start3A_42, %dma_start3A_44, %dma_start3A_45] : memref<5x160x64xbf16, #tpu.memory_space<vmem>> -> memref<1x160x64xbf16, #tpu.memory_space<vmem>>
    %dma_start3A_47 = tpu.memref_squeeze %dma_start3A_46 : memref<1x160x64xbf16, #tpu.memory_space<vmem>> -> memref<160x64xbf16, #tpu.memory_space<vmem>>
    %dma_start3A_48 = arith.constant 0 : i32
    %dma_start3A_49 = tpu.memref_slice %arg9[%dma_start3A_41, %dma_start3A_48] : memref<125x160xi32, #tpu.memory_space<vmem>> -> memref<1x160xi32, #tpu.memory_space<vmem>>
    %dma_start3A_50 = tpu.memref_squeeze %dma_start3A_49 : memref<1x160xi32, #tpu.memory_space<vmem>> -> memref<160xi32, #tpu.memory_space<vmem>>
    %dma_start3A_51 = arith.constant 0 : i32
    %dma_start3A_52 = arith.constant 0 : i32
    %dma_start3A_53 = tpu.memref_slice %arg2[%dma_start3A_51, %dma_start3A_52] : memref<20000x64xbf16, #tpu.memory_space<hbm>> -> memref<20000x64xbf16, #tpu.memory_space<hbm>>
    %dma_start3A_54 = tpu.memref_slice %arg13[%dma_start3A_43] : memref<5x!tpu.dma_semaphore, #tpu.memory_space<semaphore_mem>> -> memref<1x!tpu.dma_semaphore, #tpu.memory_space<semaphore_mem>>
    %dma_start3A_55 = tpu.memref_squeeze %dma_start3A_54 : memref<1x!tpu.dma_semaphore, #tpu.memory_space<semaphore_mem>> -> memref<!tpu.dma_semaphore, #tpu.memory_space<semaphore_mem>>
    tpu.enqueue_indirect_dma source(%dma_start3A_53 : memref<20000x64xbf16, #tpu.memory_space<hbm>>) target(%dma_start3A_47 : memref<160x64xbf16, #tpu.memory_space<vmem>>) offsets(%dma_start3A_50 : memref<160xi32, #tpu.memory_space<vmem>>) semaphore(%dma_start3A_55 : memref<!tpu.dma_semaphore, #tpu.memory_space<semaphore_mem>>)
    %dma_start3A_56 = arith.constant 3 : i32
    %dma_start3A_57 = arith.constant 3 : i32
    %dma_start3A_58 = arith.constant 3 : i32
    %dma_start3A_59 = arith.constant 0 : i32
    %dma_start3A_60 = arith.constant 0 : i32
    %dma_start3A_61 = tpu.memref_slice %arg11[%dma_start3A_57, %dma_start3A_59, %dma_start3A_60] : memref<5x160x64xbf16, #tpu.memory_space<vmem>> -> memref<1x160x64xbf16, #tpu.memory_space<vmem>>
    %dma_start3A_62 = tpu.memref_squeeze %dma_start3A_61 : memref<1x160x64xbf16, #tpu.memory_space<vmem>> -> memref<160x64xbf16, #tpu.memory_space<vmem>>
    %dma_start3A_63 = arith.constant 0 : i32
    %dma_start3A_64 = tpu.memref_slice %arg9[%dma_start3A_56, %dma_start3A_63] : memref<125x160xi32, #tpu.memory_space<vmem>> -> memref<1x160xi32, #tpu.memory_space<vmem>>
    %dma_start3A_65 = tpu.memref_squeeze %dma_start3A_64 : memref<1x160xi32, #tpu.memory_space<vmem>> -> memref<160xi32, #tpu.memory_space<vmem>>
    %dma_start3A_66 = arith.constant 0 : i32
    %dma_start3A_67 = arith.constant 0 : i32
    %dma_start3A_68 = tpu.memref_slice %arg2[%dma_start3A_66, %dma_start3A_67] : memref<20000x64xbf16, #tpu.memory_space<hbm>> -> memref<20000x64xbf16, #tpu.memory_space<hbm>>
    %dma_start3A_69 = tpu.memref_slice %arg13[%dma_start3A_58] : memref<5x!tpu.dma_semaphore, #tpu.memory_space<semaphore_mem>> -> memref<1x!tpu.dma_semaphore, #tpu.memory_space<semaphore_mem>>
    %dma_start3A_70 = tpu.memref_squeeze %dma_start3A_69 : memref<1x!tpu.dma_semaphore, #tpu.memory_space<semaphore_mem>> -> memref<!tpu.dma_semaphore, #tpu.memory_space<semaphore_mem>>
    tpu.enqueue_indirect_dma source(%dma_start3A_68 : memref<20000x64xbf16, #tpu.memory_space<hbm>>) target(%dma_start3A_62 : memref<160x64xbf16, #tpu.memory_space<vmem>>) offsets(%dma_start3A_65 : memref<160xi32, #tpu.memory_space<vmem>>) semaphore(%dma_start3A_70 : memref<!tpu.dma_semaphore, #tpu.memory_space<semaphore_mem>>)
    %dma_start3A_71 = arith.constant 4 : i32
    %dma_start3A_72 = arith.constant 4 : i32
    %dma_start3A_73 = arith.constant 4 : i32
    %dma_start3A_74 = arith.constant 0 : i32
    %dma_start3A_75 = arith.constant 0 : i32
    %dma_start3A_76 = tpu.memref_slice %arg11[%dma_start3A_72, %dma_start3A_74, %dma_start3A_75] : memref<5x160x64xbf16, #tpu.memory_space<vmem>> -> memref<1x160x64xbf16, #tpu.memory_space<vmem>>
    %dma_start3A_77 = tpu.memref_squeeze %dma_start3A_76 : memref<1x160x64xbf16, #tpu.memory_space<vmem>> -> memref<160x64xbf16, #tpu.memory_space<vmem>>
    %dma_start3A_78 = arith.constant 0 : i32
    %dma_start3A_79 = tpu.memref_slice %arg9[%dma_start3A_71, %dma_start3A_78] : memref<125x160xi32, #tpu.memory_space<vmem>> -> memref<1x160xi32, #tpu.memory_space<vmem>>
    %dma_start3A_80 = tpu.memref_squeeze %dma_start3A_79 : memref<1x160xi32, #tpu.memory_space<vmem>> -> memref<160xi32, #tpu.memory_space<vmem>>
    %dma_start3A_81 = arith.constant 0 : i32
    %dma_start3A_82 = arith.constant 0 : i32
    %dma_start3A_83 = tpu.memref_slice %arg2[%dma_start3A_81, %dma_start3A_82] : memref<20000x64xbf16, #tpu.memory_space<hbm>> -> memref<20000x64xbf16, #tpu.memory_space<hbm>>
    %dma_start3A_84 = tpu.memref_slice %arg13[%dma_start3A_73] : memref<5x!tpu.dma_semaphore, #tpu.memory_space<semaphore_mem>> -> memref<1x!tpu.dma_semaphore, #tpu.memory_space<semaphore_mem>>
    %dma_start3A_85 = tpu.memref_squeeze %dma_start3A_84 : memref<1x!tpu.dma_semaphore, #tpu.memory_space<semaphore_mem>> -> memref<!tpu.dma_semaphore, #tpu.memory_space<semaphore_mem>>
    tpu.enqueue_indirect_dma source(%dma_start3A_83 : memref<20000x64xbf16, #tpu.memory_space<hbm>>) target(%dma_start3A_77 : memref<160x64xbf16, #tpu.memory_space<vmem>>) offsets(%dma_start3A_80 : memref<160xi32, #tpu.memory_space<vmem>>) semaphore(%dma_start3A_85 : memref<!tpu.dma_semaphore, #tpu.memory_space<semaphore_mem>>)
    %scan3A_86 = arith.constant 0 : i32
    %scan3A_87 = arith.constant 0 : i32
    %scan3A_88 = arith.constant 25 : i32
    %scan3A_89 = arith.addi %scan3A_87, %scan3A_88 : i32
    %scan3A_90 = arith.constant 1 : i32
    scf.for %scan3A_197 = %scan3A_87 to %scan3A_89 step %scan3A_90  : i32 {
      %mul3A_198 = arith.constant 5 : i32
      %mul3A_199 = arith.muli %scan3A_197, %mul3A_198 : i32
      %add3A_200 = arith.constant 0 : i32
      %add3A_201 = arith.addi %mul3A_199, %add3A_200 : i32
      %dma_wait3A_202 = arith.constant 0 : i32
      %dma_wait3A_203 = arith.constant 0 : i32
      %dma_wait3A_204 = arith.constant 0 : i32
      %dma_wait3A_205 = arith.constant 0 : i32
      %dma_wait3A_206 = tpu.memref_slice %arg11[%dma_wait3A_202, %dma_wait3A_204, %dma_wait3A_205] : memref<5x160x64xbf16, #tpu.memory_space<vmem>> -> memref<1x160x64xbf16, #tpu.memory_space<vmem>>
      %dma_wait3A_207 = tpu.memref_squeeze %dma_wait3A_206 : memref<1x160x64xbf16, #tpu.memory_space<vmem>> -> memref<160x64xbf16, #tpu.memory_space<vmem>>
      %dma_wait3A_208 = arith.constant 0 : i32
      %dma_wait3A_209 = tpu.memref_slice %arg9[%add3A_201, %dma_wait3A_208] : memref<125x160xi32, #tpu.memory_space<vmem>> -> memref<1x160xi32, #tpu.memory_space<vmem>>
      %dma_wait3A_210 = tpu.memref_squeeze %dma_wait3A_209 : memref<1x160xi32, #tpu.memory_space<vmem>> -> memref<160xi32, #tpu.memory_space<vmem>>
      %dma_wait3A_211 = arith.constant 0 : i32
      %dma_wait3A_212 = arith.constant 0 : i32
      %dma_wait3A_213 = tpu.memref_slice %arg2[%dma_wait3A_211, %dma_wait3A_212] : memref<20000x64xbf16, #tpu.memory_space<hbm>> -> memref<20000x64xbf16, #tpu.memory_space<hbm>>
      %dma_wait3A_214 = tpu.memref_slice %arg13[%dma_wait3A_203] : memref<5x!tpu.dma_semaphore, #tpu.memory_space<semaphore_mem>> -> memref<1x!tpu.dma_semaphore, #tpu.memory_space<semaphore_mem>>
      %dma_wait3A_215 = tpu.memref_squeeze %dma_wait3A_214 : memref<1x!tpu.dma_semaphore, #tpu.memory_space<semaphore_mem>> -> memref<!tpu.dma_semaphore, #tpu.memory_space<semaphore_mem>>
      tpu.wait_indirect_dma semaphore(%dma_wait3A_215 : memref<!tpu.dma_semaphore, #tpu.memory_space<semaphore_mem>>) src(%dma_wait3A_213 : memref<20000x64xbf16, #tpu.memory_space<hbm>>) dst(%dma_wait3A_207 : memref<160x64xbf16, #tpu.memory_space<vmem>>)
      %dma_start3A_216 = arith.constant 0 : i32
      %dma_start3A_217 = arith.constant 0 : i32
      %dma_start3A_218 = arith.constant 0 : i32
      %dma_start3A_219 = arith.constant 0 : i32
      %dma_start3A_220 = tpu.memref_slice %arg11[%dma_start3A_216, %dma_start3A_218, %dma_start3A_219] : memref<5x160x64xbf16, #tpu.memory_space<vmem>> -> memref<1x160x64xbf16, #tpu.memory_space<vmem>>
      %dma_start3A_221 = tpu.memref_squeeze %dma_start3A_220 : memref<1x160x64xbf16, #tpu.memory_space<vmem>> -> memref<160x64xbf16, #tpu.memory_space<vmem>>
      %dma_start3A_222 = arith.constant 0 : i32
      %dma_start3A_223 = tpu.memref_slice %arg10[%add3A_201, %dma_start3A_222] : memref<125x160xi32, #tpu.memory_space<vmem>> -> memref<1x160xi32, #tpu.memory_space<vmem>>
      %dma_start3A_224 = tpu.memref_squeeze %dma_start3A_223 : memref<1x160xi32, #tpu.memory_space<vmem>> -> memref<160xi32, #tpu.memory_space<vmem>>
      %dma_start3A_225 = arith.constant 0 : i32
      %dma_start3A_226 = arith.constant 0 : i32
      %dma_start3A_227 = tpu.memref_slice %arg12[%dma_start3A_225, %dma_start3A_226] : memref<10000x64xbf16, #tpu.memory_space<vmem_shared>> -> memref<10000x64xbf16, #tpu.memory_space<vmem_shared>>
      %dma_start3A_228 = tpu.memref_slice %arg14[%dma_start3A_217] : memref<5x!tpu.dma_semaphore, #tpu.memory_space<semaphore_mem>> -> memref<1x!tpu.dma_semaphore, #tpu.memory_space<semaphore_mem>>
      %dma_start3A_229 = tpu.memref_squeeze %dma_start3A_228 : memref<1x!tpu.dma_semaphore, #tpu.memory_space<semaphore_mem>> -> memref<!tpu.dma_semaphore, #tpu.memory_space<semaphore_mem>>
      tpu.enqueue_indirect_dma source(%dma_start3A_221 : memref<160x64xbf16, #tpu.memory_space<vmem>>) target(%dma_start3A_227 : memref<10000x64xbf16, #tpu.memory_space<vmem_shared>>) offsets(%dma_start3A_224 : memref<160xi32, #tpu.memory_space<vmem>>) semaphore(%dma_start3A_229 : memref<!tpu.dma_semaphore, #tpu.memory_space<semaphore_mem>>) {add = true}
      %eq3A_230 = arith.constant 0 : i32
      %eq3A_231 = arith.cmpi eq, %arg0, %eq3A_230 : i32
      %convert_element_type3A_232 = arith.extui %eq3A_231 : i1 to i32
      %cond3A_233 = arith.constant 0 : i32
      %cond3A_234 = arith.cmpi ne, %convert_element_type3A_232, %cond3A_233 : i32
      scf.if %cond3A_234 {
        %dma_start3A_419 = arith.constant 0 : i32
        %dma_start3A_420 = arith.constant 0 : i32
        %dma_start3A_421 = tpu.memref_slice %arg10[%add3A_201, %dma_start3A_420] : memref<125x160xi32, #tpu.memory_space<vmem>> -> memref<1x160xi32, #tpu.memory_space<vmem>>
        %dma_start3A_422 = tpu.memref_squeeze %dma_start3A_421 : memref<1x160xi32, #tpu.memory_space<vmem>> -> memref<160xi32, #tpu.memory_space<vmem>>
        %dma_start3A_423 = arith.constant 0 : i32
        %dma_start3A_424 = arith.constant 0 : i32
        %dma_start3A_425 = tpu.memref_slice %arg16[%dma_start3A_423, %dma_start3A_424] : memref<10000x8xf32, #tpu.memory_space<vmem_shared>> -> memref<10000x8xf32, #tpu.memory_space<vmem_shared>>
        %dma_start3A_426 = tpu.memref_slice %arg17[%dma_start3A_419] : memref<5x!tpu.dma_semaphore, #tpu.memory_space<semaphore_mem>> -> memref<1x!tpu.dma_semaphore, #tpu.memory_space<semaphore_mem>>
        %dma_start3A_427 = tpu.memref_squeeze %dma_start3A_426 : memref<1x!tpu.dma_semaphore, #tpu.memory_space<semaphore_mem>> -> memref<!tpu.dma_semaphore, #tpu.memory_space<semaphore_mem>>
        tpu.enqueue_indirect_dma source(%arg15 : memref<160x8xf32, #tpu.memory_space<vmem>>) target(%dma_start3A_425 : memref<10000x8xf32, #tpu.memory_space<vmem_shared>>) offsets(%dma_start3A_422 : memref<160xi32, #tpu.memory_space<vmem>>) semaphore(%dma_start3A_427 : memref<!tpu.dma_semaphore, #tpu.memory_space<semaphore_mem>>) {add = true}
      } else {
      }
      %add3A_235 = arith.constant 1 : i32
      %add3A_236 = arith.addi %mul3A_199, %add3A_235 : i32
      %dma_wait3A_237 = arith.constant 1 : i32
      %dma_wait3A_238 = arith.constant 1 : i32
      %dma_wait3A_239 = arith.constant 0 : i32
      %dma_wait3A_240 = arith.constant 0 : i32
      %dma_wait3A_241 = tpu.memref_slice %arg11[%dma_wait3A_237, %dma_wait3A_239, %dma_wait3A_240] : memref<5x160x64xbf16, #tpu.memory_space<vmem>> -> memref<1x160x64xbf16, #tpu.memory_space<vmem>>
      %dma_wait3A_242 = tpu.memref_squeeze %dma_wait3A_241 : memref<1x160x64xbf16, #tpu.memory_space<vmem>> -> memref<160x64xbf16, #tpu.memory_space<vmem>>
      %dma_wait3A_243 = arith.constant 0 : i32
      %dma_wait3A_244 = tpu.memref_slice %arg9[%add3A_236, %dma_wait3A_243] : memref<125x160xi32, #tpu.memory_space<vmem>> -> memref<1x160xi32, #tpu.memory_space<vmem>>
      %dma_wait3A_245 = tpu.memref_squeeze %dma_wait3A_244 : memref<1x160xi32, #tpu.memory_space<vmem>> -> memref<160xi32, #tpu.memory_space<vmem>>
      %dma_wait3A_246 = arith.constant 0 : i32
      %dma_wait3A_247 = arith.constant 0 : i32
      %dma_wait3A_248 = tpu.memref_slice %arg2[%dma_wait3A_246, %dma_wait3A_247] : memref<20000x64xbf16, #tpu.memory_space<hbm>> -> memref<20000x64xbf16, #tpu.memory_space<hbm>>
      %dma_wait3A_249 = tpu.memref_slice %arg13[%dma_wait3A_238] : memref<5x!tpu.dma_semaphore, #tpu.memory_space<semaphore_mem>> -> memref<1x!tpu.dma_semaphore, #tpu.memory_space<semaphore_mem>>
      %dma_wait3A_250 = tpu.memref_squeeze %dma_wait3A_249 : memref<1x!tpu.dma_semaphore, #tpu.memory_space<semaphore_mem>> -> memref<!tpu.dma_semaphore, #tpu.memory_space<semaphore_mem>>
      tpu.wait_indirect_dma semaphore(%dma_wait3A_250 : memref<!tpu.dma_semaphore, #tpu.memory_space<semaphore_mem>>) src(%dma_wait3A_248 : memref<20000x64xbf16, #tpu.memory_space<hbm>>) dst(%dma_wait3A_242 : memref<160x64xbf16, #tpu.memory_space<vmem>>)
      %dma_start3A_251 = arith.constant 1 : i32
      %dma_start3A_252 = arith.constant 1 : i32
      %dma_start3A_253 = arith.constant 0 : i32
      %dma_start3A_254 = arith.constant 0 : i32
      %dma_start3A_255 = tpu.memref_slice %arg11[%dma_start3A_251, %dma_start3A_253, %dma_start3A_254] : memref<5x160x64xbf16, #tpu.memory_space<vmem>> -> memref<1x160x64xbf16, #tpu.memory_space<vmem>>
      %dma_start3A_256 = tpu.memref_squeeze %dma_start3A_255 : memref<1x160x64xbf16, #tpu.memory_space<vmem>> -> memref<160x64xbf16, #tpu.memory_space<vmem>>
      %dma_start3A_257 = arith.constant 0 : i32
      %dma_start3A_258 = tpu.memref_slice %arg10[%add3A_236, %dma_start3A_257] : memref<125x160xi32, #tpu.memory_space<vmem>> -> memref<1x160xi32, #tpu.memory_space<vmem>>
      %dma_start3A_259 = tpu.memref_squeeze %dma_start3A_258 : memref<1x160xi32, #tpu.memory_space<vmem>> -> memref<160xi32, #tpu.memory_space<vmem>>
      %dma_start3A_260 = arith.constant 0 : i32
      %dma_start3A_261 = arith.constant 0 : i32
      %dma_start3A_262 = tpu.memref_slice %arg12[%dma_start3A_260, %dma_start3A_261] : memref<10000x64xbf16, #tpu.memory_space<vmem_shared>> -> memref<10000x64xbf16, #tpu.memory_space<vmem_shared>>
      %dma_start3A_263 = tpu.memref_slice %arg14[%dma_start3A_252] : memref<5x!tpu.dma_semaphore, #tpu.memory_space<semaphore_mem>> -> memref<1x!tpu.dma_semaphore, #tpu.memory_space<semaphore_mem>>
      %dma_start3A_264 = tpu.memref_squeeze %dma_start3A_263 : memref<1x!tpu.dma_semaphore, #tpu.memory_space<semaphore_mem>> -> memref<!tpu.dma_semaphore, #tpu.memory_space<semaphore_mem>>
      tpu.enqueue_indirect_dma source(%dma_start3A_256 : memref<160x64xbf16, #tpu.memory_space<vmem>>) target(%dma_start3A_262 : memref<10000x64xbf16, #tpu.memory_space<vmem_shared>>) offsets(%dma_start3A_259 : memref<160xi32, #tpu.memory_space<vmem>>) semaphore(%dma_start3A_264 : memref<!tpu.dma_semaphore, #tpu.memory_space<semaphore_mem>>) {add = true}
      %eq3A_265 = arith.constant 0 : i32
      %eq3A_266 = arith.cmpi eq, %arg0, %eq3A_265 : i32
      %convert_element_type3A_267 = arith.extui %eq3A_266 : i1 to i32
      %cond3A_268 = arith.constant 0 : i32
      %cond3A_269 = arith.cmpi ne, %convert_element_type3A_267, %cond3A_268 : i32
      scf.if %cond3A_269 {
        %dma_start3A_419 = arith.constant 1 : i32
        %dma_start3A_420 = arith.constant 0 : i32
        %dma_start3A_421 = tpu.memref_slice %arg10[%add3A_236, %dma_start3A_420] : memref<125x160xi32, #tpu.memory_space<vmem>> -> memref<1x160xi32, #tpu.memory_space<vmem>>
        %dma_start3A_422 = tpu.memref_squeeze %dma_start3A_421 : memref<1x160xi32, #tpu.memory_space<vmem>> -> memref<160xi32, #tpu.memory_space<vmem>>
        %dma_start3A_423 = arith.constant 0 : i32
        %dma_start3A_424 = arith.constant 0 : i32
        %dma_start3A_425 = tpu.memref_slice %arg16[%dma_start3A_423, %dma_start3A_424] : memref<10000x8xf32, #tpu.memory_space<vmem_shared>> -> memref<10000x8xf32, #tpu.memory_space<vmem_shared>>
        %dma_start3A_426 = tpu.memref_slice %arg17[%dma_start3A_419] : memref<5x!tpu.dma_semaphore, #tpu.memory_space<semaphore_mem>> -> memref<1x!tpu.dma_semaphore, #tpu.memory_space<semaphore_mem>>
        %dma_start3A_427 = tpu.memref_squeeze %dma_start3A_426 : memref<1x!tpu.dma_semaphore, #tpu.memory_space<semaphore_mem>> -> memref<!tpu.dma_semaphore, #tpu.memory_space<semaphore_mem>>
        tpu.enqueue_indirect_dma source(%arg15 : memref<160x8xf32, #tpu.memory_space<vmem>>) target(%dma_start3A_425 : memref<10000x8xf32, #tpu.memory_space<vmem_shared>>) offsets(%dma_start3A_422 : memref<160xi32, #tpu.memory_space<vmem>>) semaphore(%dma_start3A_427 : memref<!tpu.dma_semaphore, #tpu.memory_space<semaphore_mem>>) {add = true}
      } else {
      }
      %add3A_270 = arith.constant 2 : i32
      %add3A_271 = arith.addi %mul3A_199, %add3A_270 : i32
      %dma_wait3A_272 = arith.constant 2 : i32
      %dma_wait3A_273 = arith.constant 2 : i32
      %dma_wait3A_274 = arith.constant 0 : i32
      %dma_wait3A_275 = arith.constant 0 : i32
      %dma_wait3A_276 = tpu.memref_slice %arg11[%dma_wait3A_272, %dma_wait3A_274, %dma_wait3A_275] : memref<5x160x64xbf16, #tpu.memory_space<vmem>> -> memref<1x160x64xbf16, #tpu.memory_space<vmem>>
      %dma_wait3A_277 = tpu.memref_squeeze %dma_wait3A_276 : memref<1x160x64xbf16, #tpu.memory_space<vmem>> -> memref<160x64xbf16, #tpu.memory_space<vmem>>
      %dma_wait3A_278 = arith.constant 0 : i32
      %dma_wait3A_279 = tpu.memref_slice %arg9[%add3A_271, %dma_wait3A_278] : memref<125x160xi32, #tpu.memory_space<vmem>> -> memref<1x160xi32, #tpu.memory_space<vmem>>
      %dma_wait3A_280 = tpu.memref_squeeze %dma_wait3A_279 : memref<1x160xi32, #tpu.memory_space<vmem>> -> memref<160xi32, #tpu.memory_space<vmem>>
      %dma_wait3A_281 = arith.constant 0 : i32
      %dma_wait3A_282 = arith.constant 0 : i32
      %dma_wait3A_283 = tpu.memref_slice %arg2[%dma_wait3A_281, %dma_wait3A_282] : memref<20000x64xbf16, #tpu.memory_space<hbm>> -> memref<20000x64xbf16, #tpu.memory_space<hbm>>
      %dma_wait3A_284 = tpu.memref_slice %arg13[%dma_wait3A_273] : memref<5x!tpu.dma_semaphore, #tpu.memory_space<semaphore_mem>> -> memref<1x!tpu.dma_semaphore, #tpu.memory_space<semaphore_mem>>
      %dma_wait3A_285 = tpu.memref_squeeze %dma_wait3A_284 : memref<1x!tpu.dma_semaphore, #tpu.memory_space<semaphore_mem>> -> memref<!tpu.dma_semaphore, #tpu.memory_space<semaphore_mem>>
      tpu.wait_indirect_dma semaphore(%dma_wait3A_285 : memref<!tpu.dma_semaphore, #tpu.memory_space<semaphore_mem>>) src(%dma_wait3A_283 : memref<20000x64xbf16, #tpu.memory_space<hbm>>) dst(%dma_wait3A_277 : memref<160x64xbf16, #tpu.memory_space<vmem>>)
      %dma_start3A_286 = arith.constant 2 : i32
      %dma_start3A_287 = arith.constant 2 : i32
      %dma_start3A_288 = arith.constant 0 : i32
      %dma_start3A_289 = arith.constant 0 : i32
      %dma_start3A_290 = tpu.memref_slice %arg11[%dma_start3A_286, %dma_start3A_288, %dma_start3A_289] : memref<5x160x64xbf16, #tpu.memory_space<vmem>> -> memref<1x160x64xbf16, #tpu.memory_space<vmem>>
      %dma_start3A_291 = tpu.memref_squeeze %dma_start3A_290 : memref<1x160x64xbf16, #tpu.memory_space<vmem>> -> memref<160x64xbf16, #tpu.memory_space<vmem>>
      %dma_start3A_292 = arith.constant 0 : i32
      %dma_start3A_293 = tpu.memref_slice %arg10[%add3A_271, %dma_start3A_292] : memref<125x160xi32, #tpu.memory_space<vmem>> -> memref<1x160xi32, #tpu.memory_space<vmem>>
      %dma_start3A_294 = tpu.memref_squeeze %dma_start3A_293 : memref<1x160xi32, #tpu.memory_space<vmem>> -> memref<160xi32, #tpu.memory_space<vmem>>
      %dma_start3A_295 = arith.constant 0 : i32
      %dma_start3A_296 = arith.constant 0 : i32
      %dma_start3A_297 = tpu.memref_slice %arg12[%dma_start3A_295, %dma_start3A_296] : memref<10000x64xbf16, #tpu.memory_space<vmem_shared>> -> memref<10000x64xbf16, #tpu.memory_space<vmem_shared>>
      %dma_start3A_298 = tpu.memref_slice %arg14[%dma_start3A_287] : memref<5x!tpu.dma_semaphore, #tpu.memory_space<semaphore_mem>> -> memref<1x!tpu.dma_semaphore, #tpu.memory_space<semaphore_mem>>
      %dma_start3A_299 = tpu.memref_squeeze %dma_start3A_298 : memref<1x!tpu.dma_semaphore, #tpu.memory_space<semaphore_mem>> -> memref<!tpu.dma_semaphore, #tpu.memory_space<semaphore_mem>>
      tpu.enqueue_indirect_dma source(%dma_start3A_291 : memref<160x64xbf16, #tpu.memory_space<vmem>>) target(%dma_start3A_297 : memref<10000x64xbf16, #tpu.memory_space<vmem_shared>>) offsets(%dma_start3A_294 : memref<160xi32, #tpu.memory_space<vmem>>) semaphore(%dma_start3A_299 : memref<!tpu.dma_semaphore, #tpu.memory_space<semaphore_mem>>) {add = true}
      %eq3A_300 = arith.constant 0 : i32
      %eq3A_301 = arith.cmpi eq, %arg0, %eq3A_300 : i32
      %convert_element_type3A_302 = arith.extui %eq3A_301 : i1 to i32
      %cond3A_303 = arith.constant 0 : i32
      %cond3A_304 = arith.cmpi ne, %convert_element_type3A_302, %cond3A_303 : i32
      scf.if %cond3A_304 {
        %dma_start3A_419 = arith.constant 2 : i32
        %dma_start3A_420 = arith.constant 0 : i32
        %dma_start3A_421 = tpu.memref_slice %arg10[%add3A_271, %dma_start3A_420] : memref<125x160xi32, #tpu.memory_space<vmem>> -> memref<1x160xi32, #tpu.memory_space<vmem>>
        %dma_start3A_422 = tpu.memref_squeeze %dma_start3A_421 : memref<1x160xi32, #tpu.memory_space<vmem>> -> memref<160xi32, #tpu.memory_space<vmem>>
        %dma_start3A_423 = arith.constant 0 : i32
        %dma_start3A_424 = arith.constant 0 : i32
        %dma_start3A_425 = tpu.memref_slice %arg16[%dma_start3A_423, %dma_start3A_424] : memref<10000x8xf32, #tpu.memory_space<vmem_shared>> -> memref<10000x8xf32, #tpu.memory_space<vmem_shared>>
        %dma_start3A_426 = tpu.memref_slice %arg17[%dma_start3A_419] : memref<5x!tpu.dma_semaphore, #tpu.memory_space<semaphore_mem>> -> memref<1x!tpu.dma_semaphore, #tpu.memory_space<semaphore_mem>>
        %dma_start3A_427 = tpu.memref_squeeze %dma_start3A_426 : memref<1x!tpu.dma_semaphore, #tpu.memory_space<semaphore_mem>> -> memref<!tpu.dma_semaphore, #tpu.memory_space<semaphore_mem>>
        tpu.enqueue_indirect_dma source(%arg15 : memref<160x8xf32, #tpu.memory_space<vmem>>) target(%dma_start3A_425 : memref<10000x8xf32, #tpu.memory_space<vmem_shared>>) offsets(%dma_start3A_422 : memref<160xi32, #tpu.memory_space<vmem>>) semaphore(%dma_start3A_427 : memref<!tpu.dma_semaphore, #tpu.memory_space<semaphore_mem>>) {add = true}
      } else {
      }
      %add3A_305 = arith.constant 3 : i32
      %add3A_306 = arith.addi %mul3A_199, %add3A_305 : i32
      %dma_wait3A_307 = arith.constant 3 : i32
      %dma_wait3A_308 = arith.constant 3 : i32
      %dma_wait3A_309 = arith.constant 0 : i32
      %dma_wait3A_310 = arith.constant 0 : i32
      %dma_wait3A_311 = tpu.memref_slice %arg11[%dma_wait3A_307, %dma_wait3A_309, %dma_wait3A_310] : memref<5x160x64xbf16, #tpu.memory_space<vmem>> -> memref<1x160x64xbf16, #tpu.memory_space<vmem>>
      %dma_wait3A_312 = tpu.memref_squeeze %dma_wait3A_311 : memref<1x160x64xbf16, #tpu.memory_space<vmem>> -> memref<160x64xbf16, #tpu.memory_space<vmem>>
      %dma_wait3A_313 = arith.constant 0 : i32
      %dma_wait3A_314 = tpu.memref_slice %arg9[%add3A_306, %dma_wait3A_313] : memref<125x160xi32, #tpu.memory_space<vmem>> -> memref<1x160xi32, #tpu.memory_space<vmem>>
      %dma_wait3A_315 = tpu.memref_squeeze %dma_wait3A_314 : memref<1x160xi32, #tpu.memory_space<vmem>> -> memref<160xi32, #tpu.memory_space<vmem>>
      %dma_wait3A_316 = arith.constant 0 : i32
      %dma_wait3A_317 = arith.constant 0 : i32
      %dma_wait3A_318 = tpu.memref_slice %arg2[%dma_wait3A_316, %dma_wait3A_317] : memref<20000x64xbf16, #tpu.memory_space<hbm>> -> memref<20000x64xbf16, #tpu.memory_space<hbm>>
      %dma_wait3A_319 = tpu.memref_slice %arg13[%dma_wait3A_308] : memref<5x!tpu.dma_semaphore, #tpu.memory_space<semaphore_mem>> -> memref<1x!tpu.dma_semaphore, #tpu.memory_space<semaphore_mem>>
      %dma_wait3A_320 = tpu.memref_squeeze %dma_wait3A_319 : memref<1x!tpu.dma_semaphore, #tpu.memory_space<semaphore_mem>> -> memref<!tpu.dma_semaphore, #tpu.memory_space<semaphore_mem>>
      tpu.wait_indirect_dma semaphore(%dma_wait3A_320 : memref<!tpu.dma_semaphore, #tpu.memory_space<semaphore_mem>>) src(%dma_wait3A_318 : memref<20000x64xbf16, #tpu.memory_space<hbm>>) dst(%dma_wait3A_312 : memref<160x64xbf16, #tpu.memory_space<vmem>>)
      %dma_start3A_321 = arith.constant 3 : i32
      %dma_start3A_322 = arith.constant 3 : i32
      %dma_start3A_323 = arith.constant 0 : i32
      %dma_start3A_324 = arith.constant 0 : i32
      %dma_start3A_325 = tpu.memref_slice %arg11[%dma_start3A_321, %dma_start3A_323, %dma_start3A_324] : memref<5x160x64xbf16, #tpu.memory_space<vmem>> -> memref<1x160x64xbf16, #tpu.memory_space<vmem>>
      %dma_start3A_326 = tpu.memref_squeeze %dma_start3A_325 : memref<1x160x64xbf16, #tpu.memory_space<vmem>> -> memref<160x64xbf16, #tpu.memory_space<vmem>>
      %dma_start3A_327 = arith.constant 0 : i32
      %dma_start3A_328 = tpu.memref_slice %arg10[%add3A_306, %dma_start3A_327] : memref<125x160xi32, #tpu.memory_space<vmem>> -> memref<1x160xi32, #tpu.memory_space<vmem>>
      %dma_start3A_329 = tpu.memref_squeeze %dma_start3A_328 : memref<1x160xi32, #tpu.memory_space<vmem>> -> memref<160xi32, #tpu.memory_space<vmem>>
      %dma_start3A_330 = arith.constant 0 : i32
      %dma_start3A_331 = arith.constant 0 : i32
      %dma_start3A_332 = tpu.memref_slice %arg12[%dma_start3A_330, %dma_start3A_331] : memref<10000x64xbf16, #tpu.memory_space<vmem_shared>> -> memref<10000x64xbf16, #tpu.memory_space<vmem_shared>>
      %dma_start3A_333 = tpu.memref_slice %arg14[%dma_start3A_322] : memref<5x!tpu.dma_semaphore, #tpu.memory_space<semaphore_mem>> -> memref<1x!tpu.dma_semaphore, #tpu.memory_space<semaphore_mem>>
      %dma_start3A_334 = tpu.memref_squeeze %dma_start3A_333 : memref<1x!tpu.dma_semaphore, #tpu.memory_space<semaphore_mem>> -> memref<!tpu.dma_semaphore, #tpu.memory_space<semaphore_mem>>
      tpu.enqueue_indirect_dma source(%dma_start3A_326 : memref<160x64xbf16, #tpu.memory_space<vmem>>) target(%dma_start3A_332 : memref<10000x64xbf16, #tpu.memory_space<vmem_shared>>) offsets(%dma_start3A_329 : memref<160xi32, #tpu.memory_space<vmem>>) semaphore(%dma_start3A_334 : memref<!tpu.dma_semaphore, #tpu.memory_space<semaphore_mem>>) {add = true}
      %eq3A_335 = arith.constant 0 : i32
      %eq3A_336 = arith.cmpi eq, %arg0, %eq3A_335 : i32
      %convert_element_type3A_337 = arith.extui %eq3A_336 : i1 to i32
      %cond3A_338 = arith.constant 0 : i32
      %cond3A_339 = arith.cmpi ne, %convert_element_type3A_337, %cond3A_338 : i32
      scf.if %cond3A_339 {
        %dma_start3A_419 = arith.constant 3 : i32
        %dma_start3A_420 = arith.constant 0 : i32
        %dma_start3A_421 = tpu.memref_slice %arg10[%add3A_306, %dma_start3A_420] : memref<125x160xi32, #tpu.memory_space<vmem>> -> memref<1x160xi32, #tpu.memory_space<vmem>>
        %dma_start3A_422 = tpu.memref_squeeze %dma_start3A_421 : memref<1x160xi32, #tpu.memory_space<vmem>> -> memref<160xi32, #tpu.memory_space<vmem>>
        %dma_start3A_423 = arith.constant 0 : i32
        %dma_start3A_424 = arith.constant 0 : i32
        %dma_start3A_425 = tpu.memref_slice %arg16[%dma_start3A_423, %dma_start3A_424] : memref<10000x8xf32, #tpu.memory_space<vmem_shared>> -> memref<10000x8xf32, #tpu.memory_space<vmem_shared>>
        %dma_start3A_426 = tpu.memref_slice %arg17[%dma_start3A_419] : memref<5x!tpu.dma_semaphore, #tpu.memory_space<semaphore_mem>> -> memref<1x!tpu.dma_semaphore, #tpu.memory_space<semaphore_mem>>
        %dma_start3A_427 = tpu.memref_squeeze %dma_start3A_426 : memref<1x!tpu.dma_semaphore, #tpu.memory_space<semaphore_mem>> -> memref<!tpu.dma_semaphore, #tpu.memory_space<semaphore_mem>>
        tpu.enqueue_indirect_dma source(%arg15 : memref<160x8xf32, #tpu.memory_space<vmem>>) target(%dma_start3A_425 : memref<10000x8xf32, #tpu.memory_space<vmem_shared>>) offsets(%dma_start3A_422 : memref<160xi32, #tpu.memory_space<vmem>>) semaphore(%dma_start3A_427 : memref<!tpu.dma_semaphore, #tpu.memory_space<semaphore_mem>>) {add = true}
      } else {
      }
      %add3A_340 = arith.constant 4 : i32
      %add3A_341 = arith.addi %mul3A_199, %add3A_340 : i32
      %dma_wait3A_342 = arith.constant 4 : i32
      %dma_wait3A_343 = arith.constant 4 : i32
      %dma_wait3A_344 = arith.constant 0 : i32
      %dma_wait3A_345 = arith.constant 0 : i32
      %dma_wait3A_346 = tpu.memref_slice %arg11[%dma_wait3A_342, %dma_wait3A_344, %dma_wait3A_345] : memref<5x160x64xbf16, #tpu.memory_space<vmem>> -> memref<1x160x64xbf16, #tpu.memory_space<vmem>>
      %dma_wait3A_347 = tpu.memref_squeeze %dma_wait3A_346 : memref<1x160x64xbf16, #tpu.memory_space<vmem>> -> memref<160x64xbf16, #tpu.memory_space<vmem>>
      %dma_wait3A_348 = arith.constant 0 : i32
      %dma_wait3A_349 = tpu.memref_slice %arg9[%add3A_341, %dma_wait3A_348] : memref<125x160xi32, #tpu.memory_space<vmem>> -> memref<1x160xi32, #tpu.memory_space<vmem>>
      %dma_wait3A_350 = tpu.memref_squeeze %dma_wait3A_349 : memref<1x160xi32, #tpu.memory_space<vmem>> -> memref<160xi32, #tpu.memory_space<vmem>>
      %dma_wait3A_351 = arith.constant 0 : i32
      %dma_wait3A_352 = arith.constant 0 : i32
      %dma_wait3A_353 = tpu.memref_slice %arg2[%dma_wait3A_351, %dma_wait3A_352] : memref<20000x64xbf16, #tpu.memory_space<hbm>> -> memref<20000x64xbf16, #tpu.memory_space<hbm>>
      %dma_wait3A_354 = tpu.memref_slice %arg13[%dma_wait3A_343] : memref<5x!tpu.dma_semaphore, #tpu.memory_space<semaphore_mem>> -> memref<1x!tpu.dma_semaphore, #tpu.memory_space<semaphore_mem>>
      %dma_wait3A_355 = tpu.memref_squeeze %dma_wait3A_354 : memref<1x!tpu.dma_semaphore, #tpu.memory_space<semaphore_mem>> -> memref<!tpu.dma_semaphore, #tpu.memory_space<semaphore_mem>>
      tpu.wait_indirect_dma semaphore(%dma_wait3A_355 : memref<!tpu.dma_semaphore, #tpu.memory_space<semaphore_mem>>) src(%dma_wait3A_353 : memref<20000x64xbf16, #tpu.memory_space<hbm>>) dst(%dma_wait3A_347 : memref<160x64xbf16, #tpu.memory_space<vmem>>)
      %dma_start3A_356 = arith.constant 4 : i32
      %dma_start3A_357 = arith.constant 4 : i32
      %dma_start3A_358 = arith.constant 0 : i32
      %dma_start3A_359 = arith.constant 0 : i32
      %dma_start3A_360 = tpu.memref_slice %arg11[%dma_start3A_356, %dma_start3A_358, %dma_start3A_359] : memref<5x160x64xbf16, #tpu.memory_space<vmem>> -> memref<1x160x64xbf16, #tpu.memory_space<vmem>>
      %dma_start3A_361 = tpu.memref_squeeze %dma_start3A_360 : memref<1x160x64xbf16, #tpu.memory_space<vmem>> -> memref<160x64xbf16, #tpu.memory_space<vmem>>
      %dma_start3A_362 = arith.constant 0 : i32
      %dma_start3A_363 = tpu.memref_slice %arg10[%add3A_341, %dma_start3A_362] : memref<125x160xi32, #tpu.memory_space<vmem>> -> memref<1x160xi32, #tpu.memory_space<vmem>>
      %dma_start3A_364 = tpu.memref_squeeze %dma_start3A_363 : memref<1x160xi32, #tpu.memory_space<vmem>> -> memref<160xi32, #tpu.memory_space<vmem>>
      %dma_start3A_365 = arith.constant 0 : i32
      %dma_start3A_366 = arith.constant 0 : i32
      %dma_start3A_367 = tpu.memref_slice %arg12[%dma_start3A_365, %dma_start3A_366] : memref<10000x64xbf16, #tpu.memory_space<vmem_shared>> -> memref<10000x64xbf16, #tpu.memory_space<vmem_shared>>
      %dma_start3A_368 = tpu.memref_slice %arg14[%dma_start3A_357] : memref<5x!tpu.dma_semaphore, #tpu.memory_space<semaphore_mem>> -> memref<1x!tpu.dma_semaphore, #tpu.memory_space<semaphore_mem>>
      %dma_start3A_369 = tpu.memref_squeeze %dma_start3A_368 : memref<1x!tpu.dma_semaphore, #tpu.memory_space<semaphore_mem>> -> memref<!tpu.dma_semaphore, #tpu.memory_space<semaphore_mem>>
      tpu.enqueue_indirect_dma source(%dma_start3A_361 : memref<160x64xbf16, #tpu.memory_space<vmem>>) target(%dma_start3A_367 : memref<10000x64xbf16, #tpu.memory_space<vmem_shared>>) offsets(%dma_start3A_364 : memref<160xi32, #tpu.memory_space<vmem>>) semaphore(%dma_start3A_369 : memref<!tpu.dma_semaphore, #tpu.memory_space<semaphore_mem>>) {add = true}
      %eq3A_370 = arith.constant 0 : i32
      %eq3A_371 = arith.cmpi eq, %arg0, %eq3A_370 : i32
      %convert_element_type3A_372 = arith.extui %eq3A_371 : i1 to i32
      %cond3A_373 = arith.constant 0 : i32
      %cond3A_374 = arith.cmpi ne, %convert_element_type3A_372, %cond3A_373 : i32
      scf.if %cond3A_374 {
        %dma_start3A_419 = arith.constant 4 : i32
        %dma_start3A_420 = arith.constant 0 : i32
        %dma_start3A_421 = tpu.memref_slice %arg10[%add3A_341, %dma_start3A_420] : memref<125x160xi32, #tpu.memory_space<vmem>> -> memref<1x160xi32, #tpu.memory_space<vmem>>
        %dma_start3A_422 = tpu.memref_squeeze %dma_start3A_421 : memref<1x160xi32, #tpu.memory_space<vmem>> -> memref<160xi32, #tpu.memory_space<vmem>>
        %dma_start3A_423 = arith.constant 0 : i32
        %dma_start3A_424 = arith.constant 0 : i32
        %dma_start3A_425 = tpu.memref_slice %arg16[%dma_start3A_423, %dma_start3A_424] : memref<10000x8xf32, #tpu.memory_space<vmem_shared>> -> memref<10000x8xf32, #tpu.memory_space<vmem_shared>>
        %dma_start3A_426 = tpu.memref_slice %arg17[%dma_start3A_419] : memref<5x!tpu.dma_semaphore, #tpu.memory_space<semaphore_mem>> -> memref<1x!tpu.dma_semaphore, #tpu.memory_space<semaphore_mem>>
        %dma_start3A_427 = tpu.memref_squeeze %dma_start3A_426 : memref<1x!tpu.dma_semaphore, #tpu.memory_space<semaphore_mem>> -> memref<!tpu.dma_semaphore, #tpu.memory_space<semaphore_mem>>
        tpu.enqueue_indirect_dma source(%arg15 : memref<160x8xf32, #tpu.memory_space<vmem>>) target(%dma_start3A_425 : memref<10000x8xf32, #tpu.memory_space<vmem_shared>>) offsets(%dma_start3A_422 : memref<160xi32, #tpu.memory_space<vmem>>) semaphore(%dma_start3A_427 : memref<!tpu.dma_semaphore, #tpu.memory_space<semaphore_mem>>) {add = true}
      } else {
      }
      %add3A_375 = arith.constant 5 : i32
      %add3A_376 = arith.addi %mul3A_199, %add3A_375 : i32
      %add3A_377 = arith.constant 0 : i32
      %add3A_378 = arith.addi %add3A_376, %add3A_377 : i32
      %lt3A = arith.constant 125 : i32
      %lt3A_379 = arith.cmpi slt, %add3A_378, %lt3A : i32
      %convert_element_type3A_380 = arith.extui %lt3A_379 : i1 to i32
      %cond3A_381 = arith.constant 0 : i32
      %cond3A_382 = arith.cmpi ne, %convert_element_type3A_380, %cond3A_381 : i32
      scf.if %cond3A_382 {
        %add3A_419 = arith.constant 0 : i32
        %add3A_420 = arith.addi %mul3A_199, %add3A_419 : i32
        %dma_wait3A_421 = arith.constant 0 : i32
        %dma_wait3A_422 = arith.constant 0 : i32
        %dma_wait3A_423 = arith.constant 0 : i32
        %dma_wait3A_424 = arith.constant 0 : i32
        %dma_wait3A_425 = tpu.memref_slice %arg11[%dma_wait3A_421, %dma_wait3A_423, %dma_wait3A_424] : memref<5x160x64xbf16, #tpu.memory_space<vmem>> -> memref<1x160x64xbf16, #tpu.memory_space<vmem>>
        %dma_wait3A_426 = tpu.memref_squeeze %dma_wait3A_425 : memref<1x160x64xbf16, #tpu.memory_space<vmem>> -> memref<160x64xbf16, #tpu.memory_space<vmem>>
        %dma_wait3A_427 = arith.constant 0 : i32
        %dma_wait3A_428 = tpu.memref_slice %arg10[%add3A_420, %dma_wait3A_427] : memref<125x160xi32, #tpu.memory_space<vmem>> -> memref<1x160xi32, #tpu.memory_space<vmem>>
        %dma_wait3A_429 = tpu.memref_squeeze %dma_wait3A_428 : memref<1x160xi32, #tpu.memory_space<vmem>> -> memref<160xi32, #tpu.memory_space<vmem>>
        %dma_wait3A_430 = arith.constant 0 : i32
        %dma_wait3A_431 = arith.constant 0 : i32
        %dma_wait3A_432 = tpu.memref_slice %arg12[%dma_wait3A_430, %dma_wait3A_431] : memref<10000x64xbf16, #tpu.memory_space<vmem_shared>> -> memref<10000x64xbf16, #tpu.memory_space<vmem_shared>>
        %dma_wait3A_433 = tpu.memref_slice %arg14[%dma_wait3A_422] : memref<5x!tpu.dma_semaphore, #tpu.memory_space<semaphore_mem>> -> memref<1x!tpu.dma_semaphore, #tpu.memory_space<semaphore_mem>>
        %dma_wait3A_434 = tpu.memref_squeeze %dma_wait3A_433 : memref<1x!tpu.dma_semaphore, #tpu.memory_space<semaphore_mem>> -> memref<!tpu.dma_semaphore, #tpu.memory_space<semaphore_mem>>
        tpu.wait_indirect_dma semaphore(%dma_wait3A_434 : memref<!tpu.dma_semaphore, #tpu.memory_space<semaphore_mem>>) src(%dma_wait3A_426 : memref<160x64xbf16, #tpu.memory_space<vmem>>) dst(%dma_wait3A_432 : memref<10000x64xbf16, #tpu.memory_space<vmem_shared>>)
        %eq3A_435 = arith.constant 0 : i32
        %eq3A_436 = arith.cmpi eq, %arg0, %eq3A_435 : i32
        %convert_element_type3A_437 = arith.extui %eq3A_436 : i1 to i32
        %cond3A_438 = arith.constant 0 : i32
        %cond3A_439 = arith.cmpi ne, %convert_element_type3A_437, %cond3A_438 : i32
        scf.if %cond3A_439 {
          %add3A_454 = arith.constant 0 : i32
          %add3A_455 = arith.addi %mul3A_199, %add3A_454 : i32
          %dma_wait3A_456 = arith.constant 0 : i32
          %dma_wait3A_457 = arith.constant 0 : i32
          %dma_wait3A_458 = tpu.memref_slice %arg10[%add3A_455, %dma_wait3A_457] : memref<125x160xi32, #tpu.memory_space<vmem>> -> memref<1x160xi32, #tpu.memory_space<vmem>>
          %dma_wait3A_459 = tpu.memref_squeeze %dma_wait3A_458 : memref<1x160xi32, #tpu.memory_space<vmem>> -> memref<160xi32, #tpu.memory_space<vmem>>
          %dma_wait3A_460 = arith.constant 0 : i32
          %dma_wait3A_461 = arith.constant 0 : i32
          %dma_wait3A_462 = tpu.memref_slice %arg16[%dma_wait3A_460, %dma_wait3A_461] : memref<10000x8xf32, #tpu.memory_space<vmem_shared>> -> memref<10000x8xf32, #tpu.memory_space<vmem_shared>>
          %dma_wait3A_463 = tpu.memref_slice %arg17[%dma_wait3A_456] : memref<5x!tpu.dma_semaphore, #tpu.memory_space<semaphore_mem>> -> memref<1x!tpu.dma_semaphore, #tpu.memory_space<semaphore_mem>>
          %dma_wait3A_464 = tpu.memref_squeeze %dma_wait3A_463 : memref<1x!tpu.dma_semaphore, #tpu.memory_space<semaphore_mem>> -> memref<!tpu.dma_semaphore, #tpu.memory_space<semaphore_mem>>
          tpu.wait_indirect_dma semaphore(%dma_wait3A_464 : memref<!tpu.dma_semaphore, #tpu.memory_space<semaphore_mem>>) src(%arg15 : memref<160x8xf32, #tpu.memory_space<vmem>>) dst(%dma_wait3A_462 : memref<10000x8xf32, #tpu.memory_space<vmem_shared>>)
        } else {
        }
        %dma_start3A_440 = arith.constant 0 : i32
        %dma_start3A_441 = arith.constant 0 : i32
        %dma_start3A_442 = arith.constant 0 : i32
        %dma_start3A_443 = arith.constant 0 : i32
        %dma_start3A_444 = tpu.memref_slice %arg11[%dma_start3A_440, %dma_start3A_442, %dma_start3A_443] : memref<5x160x64xbf16, #tpu.memory_space<vmem>> -> memref<1x160x64xbf16, #tpu.memory_space<vmem>>
        %dma_start3A_445 = tpu.memref_squeeze %dma_start3A_444 : memref<1x160x64xbf16, #tpu.memory_space<vmem>> -> memref<160x64xbf16, #tpu.memory_space<vmem>>
        %dma_start3A_446 = arith.constant 0 : i32
        %dma_start3A_447 = tpu.memref_slice %arg9[%add3A_378, %dma_start3A_446] : memref<125x160xi32, #tpu.memory_space<vmem>> -> memref<1x160xi32, #tpu.memory_space<vmem>>
        %dma_start3A_448 = tpu.memref_squeeze %dma_start3A_447 : memref<1x160xi32, #tpu.memory_space<vmem>> -> memref<160xi32, #tpu.memory_space<vmem>>
        %dma_start3A_449 = arith.constant 0 : i32
        %dma_start3A_450 = arith.constant 0 : i32
        %dma_start3A_451 = tpu.memref_slice %arg2[%dma_start3A_449, %dma_start3A_450] : memref<20000x64xbf16, #tpu.memory_space<hbm>> -> memref<20000x64xbf16, #tpu.memory_space<hbm>>
        %dma_start3A_452 = tpu.memref_slice %arg13[%dma_start3A_441] : memref<5x!tpu.dma_semaphore, #tpu.memory_space<semaphore_mem>> -> memref<1x!tpu.dma_semaphore, #tpu.memory_space<semaphore_mem>>
        %dma_start3A_453 = tpu.memref_squeeze %dma_start3A_452 : memref<1x!tpu.dma_semaphore, #tpu.memory_space<semaphore_mem>> -> memref<!tpu.dma_semaphore, #tpu.memory_space<semaphore_mem>>
        tpu.enqueue_indirect_dma source(%dma_start3A_451 : memref<20000x64xbf16, #tpu.memory_space<hbm>>) target(%dma_start3A_445 : memref<160x64xbf16, #tpu.memory_space<vmem>>) offsets(%dma_start3A_448 : memref<160xi32, #tpu.memory_space<vmem>>) semaphore(%dma_start3A_453 : memref<!tpu.dma_semaphore, #tpu.memory_space<semaphore_mem>>)
      } else {
      }
      %add3A_383 = arith.constant 5 : i32
      %add3A_384 = arith.addi %mul3A_199, %add3A_383 : i32
      %add3A_385 = arith.constant 1 : i32
      %add3A_386 = arith.addi %add3A_384, %add3A_385 : i32
      %lt3A_387 = arith.constant 125 : i32
      %lt3A_388 = arith.cmpi slt, %add3A_386, %lt3A_387 : i32
      %convert_element_type3A_389 = arith.extui %lt3A_388 : i1 to i32
      %cond3A_390 = arith.constant 0 : i32
      %cond3A_391 = arith.cmpi ne, %convert_element_type3A_389, %cond3A_390 : i32
      scf.if %cond3A_391 {
        %add3A_419 = arith.constant 1 : i32
        %add3A_420 = arith.addi %mul3A_199, %add3A_419 : i32
        %dma_wait3A_421 = arith.constant 1 : i32
        %dma_wait3A_422 = arith.constant 1 : i32
        %dma_wait3A_423 = arith.constant 0 : i32
        %dma_wait3A_424 = arith.constant 0 : i32
        %dma_wait3A_425 = tpu.memref_slice %arg11[%dma_wait3A_421, %dma_wait3A_423, %dma_wait3A_424] : memref<5x160x64xbf16, #tpu.memory_space<vmem>> -> memref<1x160x64xbf16, #tpu.memory_space<vmem>>
        %dma_wait3A_426 = tpu.memref_squeeze %dma_wait3A_425 : memref<1x160x64xbf16, #tpu.memory_space<vmem>> -> memref<160x64xbf16, #tpu.memory_space<vmem>>
        %dma_wait3A_427 = arith.constant 0 : i32
        %dma_wait3A_428 = tpu.memref_slice %arg10[%add3A_420, %dma_wait3A_427] : memref<125x160xi32, #tpu.memory_space<vmem>> -> memref<1x160xi32, #tpu.memory_space<vmem>>
        %dma_wait3A_429 = tpu.memref_squeeze %dma_wait3A_428 : memref<1x160xi32, #tpu.memory_space<vmem>> -> memref<160xi32, #tpu.memory_space<vmem>>
        %dma_wait3A_430 = arith.constant 0 : i32
        %dma_wait3A_431 = arith.constant 0 : i32
        %dma_wait3A_432 = tpu.memref_slice %arg12[%dma_wait3A_430, %dma_wait3A_431] : memref<10000x64xbf16, #tpu.memory_space<vmem_shared>> -> memref<10000x64xbf16, #tpu.memory_space<vmem_shared>>
        %dma_wait3A_433 = tpu.memref_slice %arg14[%dma_wait3A_422] : memref<5x!tpu.dma_semaphore, #tpu.memory_space<semaphore_mem>> -> memref<1x!tpu.dma_semaphore, #tpu.memory_space<semaphore_mem>>
        %dma_wait3A_434 = tpu.memref_squeeze %dma_wait3A_433 : memref<1x!tpu.dma_semaphore, #tpu.memory_space<semaphore_mem>> -> memref<!tpu.dma_semaphore, #tpu.memory_space<semaphore_mem>>
        tpu.wait_indirect_dma semaphore(%dma_wait3A_434 : memref<!tpu.dma_semaphore, #tpu.memory_space<semaphore_mem>>) src(%dma_wait3A_426 : memref<160x64xbf16, #tpu.memory_space<vmem>>) dst(%dma_wait3A_432 : memref<10000x64xbf16, #tpu.memory_space<vmem_shared>>)
        %eq3A_435 = arith.constant 0 : i32
        %eq3A_436 = arith.cmpi eq, %arg0, %eq3A_435 : i32
        %convert_element_type3A_437 = arith.extui %eq3A_436 : i1 to i32
        %cond3A_438 = arith.constant 0 : i32
        %cond3A_439 = arith.cmpi ne, %convert_element_type3A_437, %cond3A_438 : i32
        scf.if %cond3A_439 {
          %add3A_454 = arith.constant 1 : i32
          %add3A_455 = arith.addi %mul3A_199, %add3A_454 : i32
          %dma_wait3A_456 = arith.constant 1 : i32
          %dma_wait3A_457 = arith.constant 0 : i32
          %dma_wait3A_458 = tpu.memref_slice %arg10[%add3A_455, %dma_wait3A_457] : memref<125x160xi32, #tpu.memory_space<vmem>> -> memref<1x160xi32, #tpu.memory_space<vmem>>
          %dma_wait3A_459 = tpu.memref_squeeze %dma_wait3A_458 : memref<1x160xi32, #tpu.memory_space<vmem>> -> memref<160xi32, #tpu.memory_space<vmem>>
          %dma_wait3A_460 = arith.constant 0 : i32
          %dma_wait3A_461 = arith.constant 0 : i32
          %dma_wait3A_462 = tpu.memref_slice %arg16[%dma_wait3A_460, %dma_wait3A_461] : memref<10000x8xf32, #tpu.memory_space<vmem_shared>> -> memref<10000x8xf32, #tpu.memory_space<vmem_shared>>
          %dma_wait3A_463 = tpu.memref_slice %arg17[%dma_wait3A_456] : memref<5x!tpu.dma_semaphore, #tpu.memory_space<semaphore_mem>> -> memref<1x!tpu.dma_semaphore, #tpu.memory_space<semaphore_mem>>
          %dma_wait3A_464 = tpu.memref_squeeze %dma_wait3A_463 : memref<1x!tpu.dma_semaphore, #tpu.memory_space<semaphore_mem>> -> memref<!tpu.dma_semaphore, #tpu.memory_space<semaphore_mem>>
          tpu.wait_indirect_dma semaphore(%dma_wait3A_464 : memref<!tpu.dma_semaphore, #tpu.memory_space<semaphore_mem>>) src(%arg15 : memref<160x8xf32, #tpu.memory_space<vmem>>) dst(%dma_wait3A_462 : memref<10000x8xf32, #tpu.memory_space<vmem_shared>>)
        } else {
        }
        %dma_start3A_440 = arith.constant 1 : i32
        %dma_start3A_441 = arith.constant 1 : i32
        %dma_start3A_442 = arith.constant 0 : i32
        %dma_start3A_443 = arith.constant 0 : i32
        %dma_start3A_444 = tpu.memref_slice %arg11[%dma_start3A_440, %dma_start3A_442, %dma_start3A_443] : memref<5x160x64xbf16, #tpu.memory_space<vmem>> -> memref<1x160x64xbf16, #tpu.memory_space<vmem>>
        %dma_start3A_445 = tpu.memref_squeeze %dma_start3A_444 : memref<1x160x64xbf16, #tpu.memory_space<vmem>> -> memref<160x64xbf16, #tpu.memory_space<vmem>>
        %dma_start3A_446 = arith.constant 0 : i32
        %dma_start3A_447 = tpu.memref_slice %arg9[%add3A_386, %dma_start3A_446] : memref<125x160xi32, #tpu.memory_space<vmem>> -> memref<1x160xi32, #tpu.memory_space<vmem>>
        %dma_start3A_448 = tpu.memref_squeeze %dma_start3A_447 : memref<1x160xi32, #tpu.memory_space<vmem>> -> memref<160xi32, #tpu.memory_space<vmem>>
        %dma_start3A_449 = arith.constant 0 : i32
        %dma_start3A_450 = arith.constant 0 : i32
        %dma_start3A_451 = tpu.memref_slice %arg2[%dma_start3A_449, %dma_start3A_450] : memref<20000x64xbf16, #tpu.memory_space<hbm>> -> memref<20000x64xbf16, #tpu.memory_space<hbm>>
        %dma_start3A_452 = tpu.memref_slice %arg13[%dma_start3A_441] : memref<5x!tpu.dma_semaphore, #tpu.memory_space<semaphore_mem>> -> memref<1x!tpu.dma_semaphore, #tpu.memory_space<semaphore_mem>>
        %dma_start3A_453 = tpu.memref_squeeze %dma_start3A_452 : memref<1x!tpu.dma_semaphore, #tpu.memory_space<semaphore_mem>> -> memref<!tpu.dma_semaphore, #tpu.memory_space<semaphore_mem>>
        tpu.enqueue_indirect_dma source(%dma_start3A_451 : memref<20000x64xbf16, #tpu.memory_space<hbm>>) target(%dma_start3A_445 : memref<160x64xbf16, #tpu.memory_space<vmem>>) offsets(%dma_start3A_448 : memref<160xi32, #tpu.memory_space<vmem>>) semaphore(%dma_start3A_453 : memref<!tpu.dma_semaphore, #tpu.memory_space<semaphore_mem>>)
      } else {
      }
      %add3A_392 = arith.constant 5 : i32
      %add3A_393 = arith.addi %mul3A_199, %add3A_392 : i32
      %add3A_394 = arith.constant 2 : i32
      %add3A_395 = arith.addi %add3A_393, %add3A_394 : i32
      %lt3A_396 = arith.constant 125 : i32
      %lt3A_397 = arith.cmpi slt, %add3A_395, %lt3A_396 : i32
      %convert_element_type3A_398 = arith.extui %lt3A_397 : i1 to i32
      %cond3A_399 = arith.constant 0 : i32
      %cond3A_400 = arith.cmpi ne, %convert_element_type3A_398, %cond3A_399 : i32
      scf.if %cond3A_400 {
        %add3A_419 = arith.constant 2 : i32
        %add3A_420 = arith.addi %mul3A_199, %add3A_419 : i32
        %dma_wait3A_421 = arith.constant 2 : i32
        %dma_wait3A_422 = arith.constant 2 : i32
        %dma_wait3A_423 = arith.constant 0 : i32
        %dma_wait3A_424 = arith.constant 0 : i32
        %dma_wait3A_425 = tpu.memref_slice %arg11[%dma_wait3A_421, %dma_wait3A_423, %dma_wait3A_424] : memref<5x160x64xbf16, #tpu.memory_space<vmem>> -> memref<1x160x64xbf16, #tpu.memory_space<vmem>>
        %dma_wait3A_426 = tpu.memref_squeeze %dma_wait3A_425 : memref<1x160x64xbf16, #tpu.memory_space<vmem>> -> memref<160x64xbf16, #tpu.memory_space<vmem>>
        %dma_wait3A_427 = arith.constant 0 : i32
        %dma_wait3A_428 = tpu.memref_slice %arg10[%add3A_420, %dma_wait3A_427] : memref<125x160xi32, #tpu.memory_space<vmem>> -> memref<1x160xi32, #tpu.memory_space<vmem>>
        %dma_wait3A_429 = tpu.memref_squeeze %dma_wait3A_428 : memref<1x160xi32, #tpu.memory_space<vmem>> -> memref<160xi32, #tpu.memory_space<vmem>>
        %dma_wait3A_430 = arith.constant 0 : i32
        %dma_wait3A_431 = arith.constant 0 : i32
        %dma_wait3A_432 = tpu.memref_slice %arg12[%dma_wait3A_430, %dma_wait3A_431] : memref<10000x64xbf16, #tpu.memory_space<vmem_shared>> -> memref<10000x64xbf16, #tpu.memory_space<vmem_shared>>
        %dma_wait3A_433 = tpu.memref_slice %arg14[%dma_wait3A_422] : memref<5x!tpu.dma_semaphore, #tpu.memory_space<semaphore_mem>> -> memref<1x!tpu.dma_semaphore, #tpu.memory_space<semaphore_mem>>
        %dma_wait3A_434 = tpu.memref_squeeze %dma_wait3A_433 : memref<1x!tpu.dma_semaphore, #tpu.memory_space<semaphore_mem>> -> memref<!tpu.dma_semaphore, #tpu.memory_space<semaphore_mem>>
        tpu.wait_indirect_dma semaphore(%dma_wait3A_434 : memref<!tpu.dma_semaphore, #tpu.memory_space<semaphore_mem>>) src(%dma_wait3A_426 : memref<160x64xbf16, #tpu.memory_space<vmem>>) dst(%dma_wait3A_432 : memref<10000x64xbf16, #tpu.memory_space<vmem_shared>>)
        %eq3A_435 = arith.constant 0 : i32
        %eq3A_436 = arith.cmpi eq, %arg0, %eq3A_435 : i32
        %convert_element_type3A_437 = arith.extui %eq3A_436 : i1 to i32
        %cond3A_438 = arith.constant 0 : i32
        %cond3A_439 = arith.cmpi ne, %convert_element_type3A_437, %cond3A_438 : i32
        scf.if %cond3A_439 {
          %add3A_454 = arith.constant 2 : i32
          %add3A_455 = arith.addi %mul3A_199, %add3A_454 : i32
          %dma_wait3A_456 = arith.constant 2 : i32
          %dma_wait3A_457 = arith.constant 0 : i32
          %dma_wait3A_458 = tpu.memref_slice %arg10[%add3A_455, %dma_wait3A_457] : memref<125x160xi32, #tpu.memory_space<vmem>> -> memref<1x160xi32, #tpu.memory_space<vmem>>
          %dma_wait3A_459 = tpu.memref_squeeze %dma_wait3A_458 : memref<1x160xi32, #tpu.memory_space<vmem>> -> memref<160xi32, #tpu.memory_space<vmem>>
          %dma_wait3A_460 = arith.constant 0 : i32
          %dma_wait3A_461 = arith.constant 0 : i32
          %dma_wait3A_462 = tpu.memref_slice %arg16[%dma_wait3A_460, %dma_wait3A_461] : memref<10000x8xf32, #tpu.memory_space<vmem_shared>> -> memref<10000x8xf32, #tpu.memory_space<vmem_shared>>
          %dma_wait3A_463 = tpu.memref_slice %arg17[%dma_wait3A_456] : memref<5x!tpu.dma_semaphore, #tpu.memory_space<semaphore_mem>> -> memref<1x!tpu.dma_semaphore, #tpu.memory_space<semaphore_mem>>
          %dma_wait3A_464 = tpu.memref_squeeze %dma_wait3A_463 : memref<1x!tpu.dma_semaphore, #tpu.memory_space<semaphore_mem>> -> memref<!tpu.dma_semaphore, #tpu.memory_space<semaphore_mem>>
          tpu.wait_indirect_dma semaphore(%dma_wait3A_464 : memref<!tpu.dma_semaphore, #tpu.memory_space<semaphore_mem>>) src(%arg15 : memref<160x8xf32, #tpu.memory_space<vmem>>) dst(%dma_wait3A_462 : memref<10000x8xf32, #tpu.memory_space<vmem_shared>>)
        } else {
        }
        %dma_start3A_440 = arith.constant 2 : i32
        %dma_start3A_441 = arith.constant 2 : i32
        %dma_start3A_442 = arith.constant 0 : i32
        %dma_start3A_443 = arith.constant 0 : i32
        %dma_start3A_444 = tpu.memref_slice %arg11[%dma_start3A_440, %dma_start3A_442, %dma_start3A_443] : memref<5x160x64xbf16, #tpu.memory_space<vmem>> -> memref<1x160x64xbf16, #tpu.memory_space<vmem>>
        %dma_start3A_445 = tpu.memref_squeeze %dma_start3A_444 : memref<1x160x64xbf16, #tpu.memory_space<vmem>> -> memref<160x64xbf16, #tpu.memory_space<vmem>>
        %dma_start3A_446 = arith.constant 0 : i32
        %dma_start3A_447 = tpu.memref_slice %arg9[%add3A_395, %dma_start3A_446] : memref<125x160xi32, #tpu.memory_space<vmem>> -> memref<1x160xi32, #tpu.memory_space<vmem>>
        %dma_start3A_448 = tpu.memref_squeeze %dma_start3A_447 : memref<1x160xi32, #tpu.memory_space<vmem>> -> memref<160xi32, #tpu.memory_space<vmem>>
        %dma_start3A_449 = arith.constant 0 : i32
        %dma_start3A_450 = arith.constant 0 : i32
        %dma_start3A_451 = tpu.memref_slice %arg2[%dma_start3A_449, %dma_start3A_450] : memref<20000x64xbf16, #tpu.memory_space<hbm>> -> memref<20000x64xbf16, #tpu.memory_space<hbm>>
        %dma_start3A_452 = tpu.memref_slice %arg13[%dma_start3A_441] : memref<5x!tpu.dma_semaphore, #tpu.memory_space<semaphore_mem>> -> memref<1x!tpu.dma_semaphore, #tpu.memory_space<semaphore_mem>>
        %dma_start3A_453 = tpu.memref_squeeze %dma_start3A_452 : memref<1x!tpu.dma_semaphore, #tpu.memory_space<semaphore_mem>> -> memref<!tpu.dma_semaphore, #tpu.memory_space<semaphore_mem>>
        tpu.enqueue_indirect_dma source(%dma_start3A_451 : memref<20000x64xbf16, #tpu.memory_space<hbm>>) target(%dma_start3A_445 : memref<160x64xbf16, #tpu.memory_space<vmem>>) offsets(%dma_start3A_448 : memref<160xi32, #tpu.memory_space<vmem>>) semaphore(%dma_start3A_453 : memref<!tpu.dma_semaphore, #tpu.memory_space<semaphore_mem>>)
      } else {
      }
      %add3A_401 = arith.constant 5 : i32
      %add3A_402 = arith.addi %mul3A_199, %add3A_401 : i32
      %add3A_403 = arith.constant 3 : i32
      %add3A_404 = arith.addi %add3A_402, %add3A_403 : i32
      %lt3A_405 = arith.constant 125 : i32
      %lt3A_406 = arith.cmpi slt, %add3A_404, %lt3A_405 : i32
      %convert_element_type3A_407 = arith.extui %lt3A_406 : i1 to i32
      %cond3A_408 = arith.constant 0 : i32
      %cond3A_409 = arith.cmpi ne, %convert_element_type3A_407, %cond3A_408 : i32
      scf.if %cond3A_409 {
        %add3A_419 = arith.constant 3 : i32
        %add3A_420 = arith.addi %mul3A_199, %add3A_419 : i32
        %dma_wait3A_421 = arith.constant 3 : i32
        %dma_wait3A_422 = arith.constant 3 : i32
        %dma_wait3A_423 = arith.constant 0 : i32
        %dma_wait3A_424 = arith.constant 0 : i32
        %dma_wait3A_425 = tpu.memref_slice %arg11[%dma_wait3A_421, %dma_wait3A_423, %dma_wait3A_424] : memref<5x160x64xbf16, #tpu.memory_space<vmem>> -> memref<1x160x64xbf16, #tpu.memory_space<vmem>>
        %dma_wait3A_426 = tpu.memref_squeeze %dma_wait3A_425 : memref<1x160x64xbf16, #tpu.memory_space<vmem>> -> memref<160x64xbf16, #tpu.memory_space<vmem>>
        %dma_wait3A_427 = arith.constant 0 : i32
        %dma_wait3A_428 = tpu.memref_slice %arg10[%add3A_420, %dma_wait3A_427] : memref<125x160xi32, #tpu.memory_space<vmem>> -> memref<1x160xi32, #tpu.memory_space<vmem>>
        %dma_wait3A_429 = tpu.memref_squeeze %dma_wait3A_428 : memref<1x160xi32, #tpu.memory_space<vmem>> -> memref<160xi32, #tpu.memory_space<vmem>>
        %dma_wait3A_430 = arith.constant 0 : i32
        %dma_wait3A_431 = arith.constant 0 : i32
        %dma_wait3A_432 = tpu.memref_slice %arg12[%dma_wait3A_430, %dma_wait3A_431] : memref<10000x64xbf16, #tpu.memory_space<vmem_shared>> -> memref<10000x64xbf16, #tpu.memory_space<vmem_shared>>
        %dma_wait3A_433 = tpu.memref_slice %arg14[%dma_wait3A_422] : memref<5x!tpu.dma_semaphore, #tpu.memory_space<semaphore_mem>> -> memref<1x!tpu.dma_semaphore, #tpu.memory_space<semaphore_mem>>
        %dma_wait3A_434 = tpu.memref_squeeze %dma_wait3A_433 : memref<1x!tpu.dma_semaphore, #tpu.memory_space<semaphore_mem>> -> memref<!tpu.dma_semaphore, #tpu.memory_space<semaphore_mem>>
        tpu.wait_indirect_dma semaphore(%dma_wait3A_434 : memref<!tpu.dma_semaphore, #tpu.memory_space<semaphore_mem>>) src(%dma_wait3A_426 : memref<160x64xbf16, #tpu.memory_space<vmem>>) dst(%dma_wait3A_432 : memref<10000x64xbf16, #tpu.memory_space<vmem_shared>>)
        %eq3A_435 = arith.constant 0 : i32
        %eq3A_436 = arith.cmpi eq, %arg0, %eq3A_435 : i32
        %convert_element_type3A_437 = arith.extui %eq3A_436 : i1 to i32
        %cond3A_438 = arith.constant 0 : i32
        %cond3A_439 = arith.cmpi ne, %convert_element_type3A_437, %cond3A_438 : i32
        scf.if %cond3A_439 {
          %add3A_454 = arith.constant 3 : i32
          %add3A_455 = arith.addi %mul3A_199, %add3A_454 : i32
          %dma_wait3A_456 = arith.constant 3 : i32
          %dma_wait3A_457 = arith.constant 0 : i32
          %dma_wait3A_458 = tpu.memref_slice %arg10[%add3A_455, %dma_wait3A_457] : memref<125x160xi32, #tpu.memory_space<vmem>> -> memref<1x160xi32, #tpu.memory_space<vmem>>
          %dma_wait3A_459 = tpu.memref_squeeze %dma_wait3A_458 : memref<1x160xi32, #tpu.memory_space<vmem>> -> memref<160xi32, #tpu.memory_space<vmem>>
          %dma_wait3A_460 = arith.constant 0 : i32
          %dma_wait3A_461 = arith.constant 0 : i32
          %dma_wait3A_462 = tpu.memref_slice %arg16[%dma_wait3A_460, %dma_wait3A_461] : memref<10000x8xf32, #tpu.memory_space<vmem_shared>> -> memref<10000x8xf32, #tpu.memory_space<vmem_shared>>
          %dma_wait3A_463 = tpu.memref_slice %arg17[%dma_wait3A_456] : memref<5x!tpu.dma_semaphore, #tpu.memory_space<semaphore_mem>> -> memref<1x!tpu.dma_semaphore, #tpu.memory_space<semaphore_mem>>
          %dma_wait3A_464 = tpu.memref_squeeze %dma_wait3A_463 : memref<1x!tpu.dma_semaphore, #tpu.memory_space<semaphore_mem>> -> memref<!tpu.dma_semaphore, #tpu.memory_space<semaphore_mem>>
          tpu.wait_indirect_dma semaphore(%dma_wait3A_464 : memref<!tpu.dma_semaphore, #tpu.memory_space<semaphore_mem>>) src(%arg15 : memref<160x8xf32, #tpu.memory_space<vmem>>) dst(%dma_wait3A_462 : memref<10000x8xf32, #tpu.memory_space<vmem_shared>>)
        } else {
        }
        %dma_start3A_440 = arith.constant 3 : i32
        %dma_start3A_441 = arith.constant 3 : i32
        %dma_start3A_442 = arith.constant 0 : i32
        %dma_start3A_443 = arith.constant 0 : i32
        %dma_start3A_444 = tpu.memref_slice %arg11[%dma_start3A_440, %dma_start3A_442, %dma_start3A_443] : memref<5x160x64xbf16, #tpu.memory_space<vmem>> -> memref<1x160x64xbf16, #tpu.memory_space<vmem>>
        %dma_start3A_445 = tpu.memref_squeeze %dma_start3A_444 : memref<1x160x64xbf16, #tpu.memory_space<vmem>> -> memref<160x64xbf16, #tpu.memory_space<vmem>>
        %dma_start3A_446 = arith.constant 0 : i32
        %dma_start3A_447 = tpu.memref_slice %arg9[%add3A_404, %dma_start3A_446] : memref<125x160xi32, #tpu.memory_space<vmem>> -> memref<1x160xi32, #tpu.memory_space<vmem>>
        %dma_start3A_448 = tpu.memref_squeeze %dma_start3A_447 : memref<1x160xi32, #tpu.memory_space<vmem>> -> memref<160xi32, #tpu.memory_space<vmem>>
        %dma_start3A_449 = arith.constant 0 : i32
        %dma_start3A_450 = arith.constant 0 : i32
        %dma_start3A_451 = tpu.memref_slice %arg2[%dma_start3A_449, %dma_start3A_450] : memref<20000x64xbf16, #tpu.memory_space<hbm>> -> memref<20000x64xbf16, #tpu.memory_space<hbm>>
        %dma_start3A_452 = tpu.memref_slice %arg13[%dma_start3A_441] : memref<5x!tpu.dma_semaphore, #tpu.memory_space<semaphore_mem>> -> memref<1x!tpu.dma_semaphore, #tpu.memory_space<semaphore_mem>>
        %dma_start3A_453 = tpu.memref_squeeze %dma_start3A_452 : memref<1x!tpu.dma_semaphore, #tpu.memory_space<semaphore_mem>> -> memref<!tpu.dma_semaphore, #tpu.memory_space<semaphore_mem>>
        tpu.enqueue_indirect_dma source(%dma_start3A_451 : memref<20000x64xbf16, #tpu.memory_space<hbm>>) target(%dma_start3A_445 : memref<160x64xbf16, #tpu.memory_space<vmem>>) offsets(%dma_start3A_448 : memref<160xi32, #tpu.memory_space<vmem>>) semaphore(%dma_start3A_453 : memref<!tpu.dma_semaphore, #tpu.memory_space<semaphore_mem>>)
      } else {
      }
      %add3A_410 = arith.constant 5 : i32
      %add3A_411 = arith.addi %mul3A_199, %add3A_410 : i32
      %add3A_412 = arith.constant 4 : i32
      %add3A_413 = arith.addi %add3A_411, %add3A_412 : i32
      %lt3A_414 = arith.constant 125 : i32
      %lt3A_415 = arith.cmpi slt, %add3A_413, %lt3A_414 : i32
      %convert_element_type3A_416 = arith.extui %lt3A_415 : i1 to i32
      %cond3A_417 = arith.constant 0 : i32
      %cond3A_418 = arith.cmpi ne, %convert_element_type3A_416, %cond3A_417 : i32
      scf.if %cond3A_418 {
        %add3A_419 = arith.constant 4 : i32
        %add3A_420 = arith.addi %mul3A_199, %add3A_419 : i32
        %dma_wait3A_421 = arith.constant 4 : i32
        %dma_wait3A_422 = arith.constant 4 : i32
        %dma_wait3A_423 = arith.constant 0 : i32
        %dma_wait3A_424 = arith.constant 0 : i32
        %dma_wait3A_425 = tpu.memref_slice %arg11[%dma_wait3A_421, %dma_wait3A_423, %dma_wait3A_424] : memref<5x160x64xbf16, #tpu.memory_space<vmem>> -> memref<1x160x64xbf16, #tpu.memory_space<vmem>>
        %dma_wait3A_426 = tpu.memref_squeeze %dma_wait3A_425 : memref<1x160x64xbf16, #tpu.memory_space<vmem>> -> memref<160x64xbf16, #tpu.memory_space<vmem>>
        %dma_wait3A_427 = arith.constant 0 : i32
        %dma_wait3A_428 = tpu.memref_slice %arg10[%add3A_420, %dma_wait3A_427] : memref<125x160xi32, #tpu.memory_space<vmem>> -> memref<1x160xi32, #tpu.memory_space<vmem>>
        %dma_wait3A_429 = tpu.memref_squeeze %dma_wait3A_428 : memref<1x160xi32, #tpu.memory_space<vmem>> -> memref<160xi32, #tpu.memory_space<vmem>>
        %dma_wait3A_430 = arith.constant 0 : i32
        %dma_wait3A_431 = arith.constant 0 : i32
        %dma_wait3A_432 = tpu.memref_slice %arg12[%dma_wait3A_430, %dma_wait3A_431] : memref<10000x64xbf16, #tpu.memory_space<vmem_shared>> -> memref<10000x64xbf16, #tpu.memory_space<vmem_shared>>
        %dma_wait3A_433 = tpu.memref_slice %arg14[%dma_wait3A_422] : memref<5x!tpu.dma_semaphore, #tpu.memory_space<semaphore_mem>> -> memref<1x!tpu.dma_semaphore, #tpu.memory_space<semaphore_mem>>
        %dma_wait3A_434 = tpu.memref_squeeze %dma_wait3A_433 : memref<1x!tpu.dma_semaphore, #tpu.memory_space<semaphore_mem>> -> memref<!tpu.dma_semaphore, #tpu.memory_space<semaphore_mem>>
        tpu.wait_indirect_dma semaphore(%dma_wait3A_434 : memref<!tpu.dma_semaphore, #tpu.memory_space<semaphore_mem>>) src(%dma_wait3A_426 : memref<160x64xbf16, #tpu.memory_space<vmem>>) dst(%dma_wait3A_432 : memref<10000x64xbf16, #tpu.memory_space<vmem_shared>>)
        %eq3A_435 = arith.constant 0 : i32
        %eq3A_436 = arith.cmpi eq, %arg0, %eq3A_435 : i32
        %convert_element_type3A_437 = arith.extui %eq3A_436 : i1 to i32
        %cond3A_438 = arith.constant 0 : i32
        %cond3A_439 = arith.cmpi ne, %convert_element_type3A_437, %cond3A_438 : i32
        scf.if %cond3A_439 {
          %add3A_454 = arith.constant 4 : i32
          %add3A_455 = arith.addi %mul3A_199, %add3A_454 : i32
          %dma_wait3A_456 = arith.constant 4 : i32
          %dma_wait3A_457 = arith.constant 0 : i32
          %dma_wait3A_458 = tpu.memref_slice %arg10[%add3A_455, %dma_wait3A_457] : memref<125x160xi32, #tpu.memory_space<vmem>> -> memref<1x160xi32, #tpu.memory_space<vmem>>
          %dma_wait3A_459 = tpu.memref_squeeze %dma_wait3A_458 : memref<1x160xi32, #tpu.memory_space<vmem>> -> memref<160xi32, #tpu.memory_space<vmem>>
          %dma_wait3A_460 = arith.constant 0 : i32
          %dma_wait3A_461 = arith.constant 0 : i32
          %dma_wait3A_462 = tpu.memref_slice %arg16[%dma_wait3A_460, %dma_wait3A_461] : memref<10000x8xf32, #tpu.memory_space<vmem_shared>> -> memref<10000x8xf32, #tpu.memory_space<vmem_shared>>
          %dma_wait3A_463 = tpu.memref_slice %arg17[%dma_wait3A_456] : memref<5x!tpu.dma_semaphore, #tpu.memory_space<semaphore_mem>> -> memref<1x!tpu.dma_semaphore, #tpu.memory_space<semaphore_mem>>
          %dma_wait3A_464 = tpu.memref_squeeze %dma_wait3A_463 : memref<1x!tpu.dma_semaphore, #tpu.memory_space<semaphore_mem>> -> memref<!tpu.dma_semaphore, #tpu.memory_space<semaphore_mem>>
          tpu.wait_indirect_dma semaphore(%dma_wait3A_464 : memref<!tpu.dma_semaphore, #tpu.memory_space<semaphore_mem>>) src(%arg15 : memref<160x8xf32, #tpu.memory_space<vmem>>) dst(%dma_wait3A_462 : memref<10000x8xf32, #tpu.memory_space<vmem_shared>>)
        } else {
        }
        %dma_start3A_440 = arith.constant 4 : i32
        %dma_start3A_441 = arith.constant 4 : i32
        %dma_start3A_442 = arith.constant 0 : i32
        %dma_start3A_443 = arith.constant 0 : i32
        %dma_start3A_444 = tpu.memref_slice %arg11[%dma_start3A_440, %dma_start3A_442, %dma_start3A_443] : memref<5x160x64xbf16, #tpu.memory_space<vmem>> -> memref<1x160x64xbf16, #tpu.memory_space<vmem>>
        %dma_start3A_445 = tpu.memref_squeeze %dma_start3A_444 : memref<1x160x64xbf16, #tpu.memory_space<vmem>> -> memref<160x64xbf16, #tpu.memory_space<vmem>>
        %dma_start3A_446 = arith.constant 0 : i32
        %dma_start3A_447 = tpu.memref_slice %arg9[%add3A_413, %dma_start3A_446] : memref<125x160xi32, #tpu.memory_space<vmem>> -> memref<1x160xi32, #tpu.memory_space<vmem>>
        %dma_start3A_448 = tpu.memref_squeeze %dma_start3A_447 : memref<1x160xi32, #tpu.memory_space<vmem>> -> memref<160xi32, #tpu.memory_space<vmem>>
        %dma_start3A_449 = arith.constant 0 : i32
        %dma_start3A_450 = arith.constant 0 : i32
        %dma_start3A_451 = tpu.memref_slice %arg2[%dma_start3A_449, %dma_start3A_450] : memref<20000x64xbf16, #tpu.memory_space<hbm>> -> memref<20000x64xbf16, #tpu.memory_space<hbm>>
        %dma_start3A_452 = tpu.memref_slice %arg13[%dma_start3A_441] : memref<5x!tpu.dma_semaphore, #tpu.memory_space<semaphore_mem>> -> memref<1x!tpu.dma_semaphore, #tpu.memory_space<semaphore_mem>>
        %dma_start3A_453 = tpu.memref_squeeze %dma_start3A_452 : memref<1x!tpu.dma_semaphore, #tpu.memory_space<semaphore_mem>> -> memref<!tpu.dma_semaphore, #tpu.memory_space<semaphore_mem>>
        tpu.enqueue_indirect_dma source(%dma_start3A_451 : memref<20000x64xbf16, #tpu.memory_space<hbm>>) target(%dma_start3A_445 : memref<160x64xbf16, #tpu.memory_space<vmem>>) offsets(%dma_start3A_448 : memref<160xi32, #tpu.memory_space<vmem>>) semaphore(%dma_start3A_453 : memref<!tpu.dma_semaphore, #tpu.memory_space<semaphore_mem>>)
      } else {
      }
    }
    %scan3A_91 = arith.constant 25 : i32
    %dma_wait3A = arith.constant 0 : i32
    %dma_wait3A_92 = arith.constant 120 : i32
    %dma_wait3A_93 = arith.constant 0 : i32
    %dma_wait3A_94 = arith.constant 0 : i32
    %dma_wait3A_95 = arith.constant 0 : i32
    %dma_wait3A_96 = tpu.memref_slice %arg11[%dma_wait3A, %dma_wait3A_94, %dma_wait3A_95] : memref<5x160x64xbf16, #tpu.memory_space<vmem>> -> memref<1x160x64xbf16, #tpu.memory_space<vmem>>
    %dma_wait3A_97 = tpu.memref_squeeze %dma_wait3A_96 : memref<1x160x64xbf16, #tpu.memory_space<vmem>> -> memref<160x64xbf16, #tpu.memory_space<vmem>>
    %dma_wait3A_98 = arith.constant 0 : i32
    %dma_wait3A_99 = tpu.memref_slice %arg10[%dma_wait3A_92, %dma_wait3A_98] : memref<125x160xi32, #tpu.memory_space<vmem>> -> memref<1x160xi32, #tpu.memory_space<vmem>>
    %dma_wait3A_100 = tpu.memref_squeeze %dma_wait3A_99 : memref<1x160xi32, #tpu.memory_space<vmem>> -> memref<160xi32, #tpu.memory_space<vmem>>
    %dma_wait3A_101 = arith.constant 0 : i32
    %dma_wait3A_102 = arith.constant 0 : i32
    %dma_wait3A_103 = tpu.memref_slice %arg12[%dma_wait3A_101, %dma_wait3A_102] : memref<10000x64xbf16, #tpu.memory_space<vmem_shared>> -> memref<10000x64xbf16, #tpu.memory_space<vmem_shared>>
    %dma_wait3A_104 = tpu.memref_slice %arg14[%dma_wait3A_93] : memref<5x!tpu.dma_semaphore, #tpu.memory_space<semaphore_mem>> -> memref<1x!tpu.dma_semaphore, #tpu.memory_space<semaphore_mem>>
    %dma_wait3A_105 = tpu.memref_squeeze %dma_wait3A_104 : memref<1x!tpu.dma_semaphore, #tpu.memory_space<semaphore_mem>> -> memref<!tpu.dma_semaphore, #tpu.memory_space<semaphore_mem>>
    tpu.wait_indirect_dma semaphore(%dma_wait3A_105 : memref<!tpu.dma_semaphore, #tpu.memory_space<semaphore_mem>>) src(%dma_wait3A_97 : memref<160x64xbf16, #tpu.memory_space<vmem>>) dst(%dma_wait3A_103 : memref<10000x64xbf16, #tpu.memory_space<vmem_shared>>)
    %eq3A_106 = arith.constant 0 : i32
    %eq3A_107 = arith.cmpi eq, %arg0, %eq3A_106 : i32
    %convert_element_type3A_108 = arith.extui %eq3A_107 : i1 to i32
    %cond3A_109 = arith.constant 0 : i32
    %cond3A_110 = arith.cmpi ne, %convert_element_type3A_108, %cond3A_109 : i32
    scf.if %cond3A_110 {
      %dma_wait3A_197 = arith.constant 120 : i32
      %dma_wait3A_198 = arith.constant 0 : i32
      %dma_wait3A_199 = arith.constant 0 : i32
      %dma_wait3A_200 = tpu.memref_slice %arg10[%dma_wait3A_197, %dma_wait3A_199] : memref<125x160xi32, #tpu.memory_space<vmem>> -> memref<1x160xi32, #tpu.memory_space<vmem>>
      %dma_wait3A_201 = tpu.memref_squeeze %dma_wait3A_200 : memref<1x160xi32, #tpu.memory_space<vmem>> -> memref<160xi32, #tpu.memory_space<vmem>>
      %dma_wait3A_202 = arith.constant 0 : i32
      %dma_wait3A_203 = arith.constant 0 : i32
      %dma_wait3A_204 = tpu.memref_slice %arg16[%dma_wait3A_202, %dma_wait3A_203] : memref<10000x8xf32, #tpu.memory_space<vmem_shared>> -> memref<10000x8xf32, #tpu.memory_space<vmem_shared>>
      %dma_wait3A_205 = tpu.memref_slice %arg17[%dma_wait3A_198] : memref<5x!tpu.dma_semaphore, #tpu.memory_space<semaphore_mem>> -> memref<1x!tpu.dma_semaphore, #tpu.memory_space<semaphore_mem>>
      %dma_wait3A_206 = tpu.memref_squeeze %dma_wait3A_205 : memref<1x!tpu.dma_semaphore, #tpu.memory_space<semaphore_mem>> -> memref<!tpu.dma_semaphore, #tpu.memory_space<semaphore_mem>>
      tpu.wait_indirect_dma semaphore(%dma_wait3A_206 : memref<!tpu.dma_semaphore, #tpu.memory_space<semaphore_mem>>) src(%arg15 : memref<160x8xf32, #tpu.memory_space<vmem>>) dst(%dma_wait3A_204 : memref<10000x8xf32, #tpu.memory_space<vmem_shared>>)
    } else {
    }
    %dma_wait3A_111 = arith.constant 1 : i32
    %dma_wait3A_112 = arith.constant 121 : i32
    %dma_wait3A_113 = arith.constant 1 : i32
    %dma_wait3A_114 = arith.constant 0 : i32
    %dma_wait3A_115 = arith.constant 0 : i32
    %dma_wait3A_116 = tpu.memref_slice %arg11[%dma_wait3A_111, %dma_wait3A_114, %dma_wait3A_115] : memref<5x160x64xbf16, #tpu.memory_space<vmem>> -> memref<1x160x64xbf16, #tpu.memory_space<vmem>>
    %dma_wait3A_117 = tpu.memref_squeeze %dma_wait3A_116 : memref<1x160x64xbf16, #tpu.memory_space<vmem>> -> memref<160x64xbf16, #tpu.memory_space<vmem>>
    %dma_wait3A_118 = arith.constant 0 : i32
    %dma_wait3A_119 = tpu.memref_slice %arg10[%dma_wait3A_112, %dma_wait3A_118] : memref<125x160xi32, #tpu.memory_space<vmem>> -> memref<1x160xi32, #tpu.memory_space<vmem>>
    %dma_wait3A_120 = tpu.memref_squeeze %dma_wait3A_119 : memref<1x160xi32, #tpu.memory_space<vmem>> -> memref<160xi32, #tpu.memory_space<vmem>>
    %dma_wait3A_121 = arith.constant 0 : i32
    %dma_wait3A_122 = arith.constant 0 : i32
    %dma_wait3A_123 = tpu.memref_slice %arg12[%dma_wait3A_121, %dma_wait3A_122] : memref<10000x64xbf16, #tpu.memory_space<vmem_shared>> -> memref<10000x64xbf16, #tpu.memory_space<vmem_shared>>
    %dma_wait3A_124 = tpu.memref_slice %arg14[%dma_wait3A_113] : memref<5x!tpu.dma_semaphore, #tpu.memory_space<semaphore_mem>> -> memref<1x!tpu.dma_semaphore, #tpu.memory_space<semaphore_mem>>
    %dma_wait3A_125 = tpu.memref_squeeze %dma_wait3A_124 : memref<1x!tpu.dma_semaphore, #tpu.memory_space<semaphore_mem>> -> memref<!tpu.dma_semaphore, #tpu.memory_space<semaphore_mem>>
    tpu.wait_indirect_dma semaphore(%dma_wait3A_125 : memref<!tpu.dma_semaphore, #tpu.memory_space<semaphore_mem>>) src(%dma_wait3A_117 : memref<160x64xbf16, #tpu.memory_space<vmem>>) dst(%dma_wait3A_123 : memref<10000x64xbf16, #tpu.memory_space<vmem_shared>>)
    %eq3A_126 = arith.constant 0 : i32
    %eq3A_127 = arith.cmpi eq, %arg0, %eq3A_126 : i32
    %convert_element_type3A_128 = arith.extui %eq3A_127 : i1 to i32
    %cond3A_129 = arith.constant 0 : i32
    %cond3A_130 = arith.cmpi ne, %convert_element_type3A_128, %cond3A_129 : i32
    scf.if %cond3A_130 {
      %dma_wait3A_197 = arith.constant 121 : i32
      %dma_wait3A_198 = arith.constant 1 : i32
      %dma_wait3A_199 = arith.constant 0 : i32
      %dma_wait3A_200 = tpu.memref_slice %arg10[%dma_wait3A_197, %dma_wait3A_199] : memref<125x160xi32, #tpu.memory_space<vmem>> -> memref<1x160xi32, #tpu.memory_space<vmem>>
      %dma_wait3A_201 = tpu.memref_squeeze %dma_wait3A_200 : memref<1x160xi32, #tpu.memory_space<vmem>> -> memref<160xi32, #tpu.memory_space<vmem>>
      %dma_wait3A_202 = arith.constant 0 : i32
      %dma_wait3A_203 = arith.constant 0 : i32
      %dma_wait3A_204 = tpu.memref_slice %arg16[%dma_wait3A_202, %dma_wait3A_203] : memref<10000x8xf32, #tpu.memory_space<vmem_shared>> -> memref<10000x8xf32, #tpu.memory_space<vmem_shared>>
      %dma_wait3A_205 = tpu.memref_slice %arg17[%dma_wait3A_198] : memref<5x!tpu.dma_semaphore, #tpu.memory_space<semaphore_mem>> -> memref<1x!tpu.dma_semaphore, #tpu.memory_space<semaphore_mem>>
      %dma_wait3A_206 = tpu.memref_squeeze %dma_wait3A_205 : memref<1x!tpu.dma_semaphore, #tpu.memory_space<semaphore_mem>> -> memref<!tpu.dma_semaphore, #tpu.memory_space<semaphore_mem>>
      tpu.wait_indirect_dma semaphore(%dma_wait3A_206 : memref<!tpu.dma_semaphore, #tpu.memory_space<semaphore_mem>>) src(%arg15 : memref<160x8xf32, #tpu.memory_space<vmem>>) dst(%dma_wait3A_204 : memref<10000x8xf32, #tpu.memory_space<vmem_shared>>)
    } else {
    }
    %dma_wait3A_131 = arith.constant 2 : i32
    %dma_wait3A_132 = arith.constant 122 : i32
    %dma_wait3A_133 = arith.constant 2 : i32
    %dma_wait3A_134 = arith.constant 0 : i32
    %dma_wait3A_135 = arith.constant 0 : i32
    %dma_wait3A_136 = tpu.memref_slice %arg11[%dma_wait3A_131, %dma_wait3A_134, %dma_wait3A_135] : memref<5x160x64xbf16, #tpu.memory_space<vmem>> -> memref<1x160x64xbf16, #tpu.memory_space<vmem>>
    %dma_wait3A_137 = tpu.memref_squeeze %dma_wait3A_136 : memref<1x160x64xbf16, #tpu.memory_space<vmem>> -> memref<160x64xbf16, #tpu.memory_space<vmem>>
    %dma_wait3A_138 = arith.constant 0 : i32
    %dma_wait3A_139 = tpu.memref_slice %arg10[%dma_wait3A_132, %dma_wait3A_138] : memref<125x160xi32, #tpu.memory_space<vmem>> -> memref<1x160xi32, #tpu.memory_space<vmem>>
    %dma_wait3A_140 = tpu.memref_squeeze %dma_wait3A_139 : memref<1x160xi32, #tpu.memory_space<vmem>> -> memref<160xi32, #tpu.memory_space<vmem>>
    %dma_wait3A_141 = arith.constant 0 : i32
    %dma_wait3A_142 = arith.constant 0 : i32
    %dma_wait3A_143 = tpu.memref_slice %arg12[%dma_wait3A_141, %dma_wait3A_142] : memref<10000x64xbf16, #tpu.memory_space<vmem_shared>> -> memref<10000x64xbf16, #tpu.memory_space<vmem_shared>>
    %dma_wait3A_144 = tpu.memref_slice %arg14[%dma_wait3A_133] : memref<5x!tpu.dma_semaphore, #tpu.memory_space<semaphore_mem>> -> memref<1x!tpu.dma_semaphore, #tpu.memory_space<semaphore_mem>>
    %dma_wait3A_145 = tpu.memref_squeeze %dma_wait3A_144 : memref<1x!tpu.dma_semaphore, #tpu.memory_space<semaphore_mem>> -> memref<!tpu.dma_semaphore, #tpu.memory_space<semaphore_mem>>
    tpu.wait_indirect_dma semaphore(%dma_wait3A_145 : memref<!tpu.dma_semaphore, #tpu.memory_space<semaphore_mem>>) src(%dma_wait3A_137 : memref<160x64xbf16, #tpu.memory_space<vmem>>) dst(%dma_wait3A_143 : memref<10000x64xbf16, #tpu.memory_space<vmem_shared>>)
    %eq3A_146 = arith.constant 0 : i32
    %eq3A_147 = arith.cmpi eq, %arg0, %eq3A_146 : i32
    %convert_element_type3A_148 = arith.extui %eq3A_147 : i1 to i32
    %cond3A_149 = arith.constant 0 : i32
    %cond3A_150 = arith.cmpi ne, %convert_element_type3A_148, %cond3A_149 : i32
    scf.if %cond3A_150 {
      %dma_wait3A_197 = arith.constant 122 : i32
      %dma_wait3A_198 = arith.constant 2 : i32
      %dma_wait3A_199 = arith.constant 0 : i32
      %dma_wait3A_200 = tpu.memref_slice %arg10[%dma_wait3A_197, %dma_wait3A_199] : memref<125x160xi32, #tpu.memory_space<vmem>> -> memref<1x160xi32, #tpu.memory_space<vmem>>
      %dma_wait3A_201 = tpu.memref_squeeze %dma_wait3A_200 : memref<1x160xi32, #tpu.memory_space<vmem>> -> memref<160xi32, #tpu.memory_space<vmem>>
      %dma_wait3A_202 = arith.constant 0 : i32
      %dma_wait3A_203 = arith.constant 0 : i32
      %dma_wait3A_204 = tpu.memref_slice %arg16[%dma_wait3A_202, %dma_wait3A_203] : memref<10000x8xf32, #tpu.memory_space<vmem_shared>> -> memref<10000x8xf32, #tpu.memory_space<vmem_shared>>
      %dma_wait3A_205 = tpu.memref_slice %arg17[%dma_wait3A_198] : memref<5x!tpu.dma_semaphore, #tpu.memory_space<semaphore_mem>> -> memref<1x!tpu.dma_semaphore, #tpu.memory_space<semaphore_mem>>
      %dma_wait3A_206 = tpu.memref_squeeze %dma_wait3A_205 : memref<1x!tpu.dma_semaphore, #tpu.memory_space<semaphore_mem>> -> memref<!tpu.dma_semaphore, #tpu.memory_space<semaphore_mem>>
      tpu.wait_indirect_dma semaphore(%dma_wait3A_206 : memref<!tpu.dma_semaphore, #tpu.memory_space<semaphore_mem>>) src(%arg15 : memref<160x8xf32, #tpu.memory_space<vmem>>) dst(%dma_wait3A_204 : memref<10000x8xf32, #tpu.memory_space<vmem_shared>>)
    } else {
    }
    %dma_wait3A_151 = arith.constant 3 : i32
    %dma_wait3A_152 = arith.constant 123 : i32
    %dma_wait3A_153 = arith.constant 3 : i32
    %dma_wait3A_154 = arith.constant 0 : i32
    %dma_wait3A_155 = arith.constant 0 : i32
    %dma_wait3A_156 = tpu.memref_slice %arg11[%dma_wait3A_151, %dma_wait3A_154, %dma_wait3A_155] : memref<5x160x64xbf16, #tpu.memory_space<vmem>> -> memref<1x160x64xbf16, #tpu.memory_space<vmem>>
    %dma_wait3A_157 = tpu.memref_squeeze %dma_wait3A_156 : memref<1x160x64xbf16, #tpu.memory_space<vmem>> -> memref<160x64xbf16, #tpu.memory_space<vmem>>
    %dma_wait3A_158 = arith.constant 0 : i32
    %dma_wait3A_159 = tpu.memref_slice %arg10[%dma_wait3A_152, %dma_wait3A_158] : memref<125x160xi32, #tpu.memory_space<vmem>> -> memref<1x160xi32, #tpu.memory_space<vmem>>
    %dma_wait3A_160 = tpu.memref_squeeze %dma_wait3A_159 : memref<1x160xi32, #tpu.memory_space<vmem>> -> memref<160xi32, #tpu.memory_space<vmem>>
    %dma_wait3A_161 = arith.constant 0 : i32
    %dma_wait3A_162 = arith.constant 0 : i32
    %dma_wait3A_163 = tpu.memref_slice %arg12[%dma_wait3A_161, %dma_wait3A_162] : memref<10000x64xbf16, #tpu.memory_space<vmem_shared>> -> memref<10000x64xbf16, #tpu.memory_space<vmem_shared>>
    %dma_wait3A_164 = tpu.memref_slice %arg14[%dma_wait3A_153] : memref<5x!tpu.dma_semaphore, #tpu.memory_space<semaphore_mem>> -> memref<1x!tpu.dma_semaphore, #tpu.memory_space<semaphore_mem>>
    %dma_wait3A_165 = tpu.memref_squeeze %dma_wait3A_164 : memref<1x!tpu.dma_semaphore, #tpu.memory_space<semaphore_mem>> -> memref<!tpu.dma_semaphore, #tpu.memory_space<semaphore_mem>>
    tpu.wait_indirect_dma semaphore(%dma_wait3A_165 : memref<!tpu.dma_semaphore, #tpu.memory_space<semaphore_mem>>) src(%dma_wait3A_157 : memref<160x64xbf16, #tpu.memory_space<vmem>>) dst(%dma_wait3A_163 : memref<10000x64xbf16, #tpu.memory_space<vmem_shared>>)
    %eq3A_166 = arith.constant 0 : i32
    %eq3A_167 = arith.cmpi eq, %arg0, %eq3A_166 : i32
    %convert_element_type3A_168 = arith.extui %eq3A_167 : i1 to i32
    %cond3A_169 = arith.constant 0 : i32
    %cond3A_170 = arith.cmpi ne, %convert_element_type3A_168, %cond3A_169 : i32
    scf.if %cond3A_170 {
      %dma_wait3A_197 = arith.constant 123 : i32
      %dma_wait3A_198 = arith.constant 3 : i32
      %dma_wait3A_199 = arith.constant 0 : i32
      %dma_wait3A_200 = tpu.memref_slice %arg10[%dma_wait3A_197, %dma_wait3A_199] : memref<125x160xi32, #tpu.memory_space<vmem>> -> memref<1x160xi32, #tpu.memory_space<vmem>>
      %dma_wait3A_201 = tpu.memref_squeeze %dma_wait3A_200 : memref<1x160xi32, #tpu.memory_space<vmem>> -> memref<160xi32, #tpu.memory_space<vmem>>
      %dma_wait3A_202 = arith.constant 0 : i32
      %dma_wait3A_203 = arith.constant 0 : i32
      %dma_wait3A_204 = tpu.memref_slice %arg16[%dma_wait3A_202, %dma_wait3A_203] : memref<10000x8xf32, #tpu.memory_space<vmem_shared>> -> memref<10000x8xf32, #tpu.memory_space<vmem_shared>>
      %dma_wait3A_205 = tpu.memref_slice %arg17[%dma_wait3A_198] : memref<5x!tpu.dma_semaphore, #tpu.memory_space<semaphore_mem>> -> memref<1x!tpu.dma_semaphore, #tpu.memory_space<semaphore_mem>>
      %dma_wait3A_206 = tpu.memref_squeeze %dma_wait3A_205 : memref<1x!tpu.dma_semaphore, #tpu.memory_space<semaphore_mem>> -> memref<!tpu.dma_semaphore, #tpu.memory_space<semaphore_mem>>
      tpu.wait_indirect_dma semaphore(%dma_wait3A_206 : memref<!tpu.dma_semaphore, #tpu.memory_space<semaphore_mem>>) src(%arg15 : memref<160x8xf32, #tpu.memory_space<vmem>>) dst(%dma_wait3A_204 : memref<10000x8xf32, #tpu.memory_space<vmem_shared>>)
    } else {
    }
    %dma_wait3A_171 = arith.constant 4 : i32
    %dma_wait3A_172 = arith.constant 124 : i32
    %dma_wait3A_173 = arith.constant 4 : i32
    %dma_wait3A_174 = arith.constant 0 : i32
    %dma_wait3A_175 = arith.constant 0 : i32
    %dma_wait3A_176 = tpu.memref_slice %arg11[%dma_wait3A_171, %dma_wait3A_174, %dma_wait3A_175] : memref<5x160x64xbf16, #tpu.memory_space<vmem>> -> memref<1x160x64xbf16, #tpu.memory_space<vmem>>
    %dma_wait3A_177 = tpu.memref_squeeze %dma_wait3A_176 : memref<1x160x64xbf16, #tpu.memory_space<vmem>> -> memref<160x64xbf16, #tpu.memory_space<vmem>>
    %dma_wait3A_178 = arith.constant 0 : i32
    %dma_wait3A_179 = tpu.memref_slice %arg10[%dma_wait3A_172, %dma_wait3A_178] : memref<125x160xi32, #tpu.memory_space<vmem>> -> memref<1x160xi32, #tpu.memory_space<vmem>>
    %dma_wait3A_180 = tpu.memref_squeeze %dma_wait3A_179 : memref<1x160xi32, #tpu.memory_space<vmem>> -> memref<160xi32, #tpu.memory_space<vmem>>
    %dma_wait3A_181 = arith.constant 0 : i32
    %dma_wait3A_182 = arith.constant 0 : i32
    %dma_wait3A_183 = tpu.memref_slice %arg12[%dma_wait3A_181, %dma_wait3A_182] : memref<10000x64xbf16, #tpu.memory_space<vmem_shared>> -> memref<10000x64xbf16, #tpu.memory_space<vmem_shared>>
    %dma_wait3A_184 = tpu.memref_slice %arg14[%dma_wait3A_173] : memref<5x!tpu.dma_semaphore, #tpu.memory_space<semaphore_mem>> -> memref<1x!tpu.dma_semaphore, #tpu.memory_space<semaphore_mem>>
    %dma_wait3A_185 = tpu.memref_squeeze %dma_wait3A_184 : memref<1x!tpu.dma_semaphore, #tpu.memory_space<semaphore_mem>> -> memref<!tpu.dma_semaphore, #tpu.memory_space<semaphore_mem>>
    tpu.wait_indirect_dma semaphore(%dma_wait3A_185 : memref<!tpu.dma_semaphore, #tpu.memory_space<semaphore_mem>>) src(%dma_wait3A_177 : memref<160x64xbf16, #tpu.memory_space<vmem>>) dst(%dma_wait3A_183 : memref<10000x64xbf16, #tpu.memory_space<vmem_shared>>)
    %eq3A_186 = arith.constant 0 : i32
    %eq3A_187 = arith.cmpi eq, %arg0, %eq3A_186 : i32
    %convert_element_type3A_188 = arith.extui %eq3A_187 : i1 to i32
    %cond3A_189 = arith.constant 0 : i32
    %cond3A_190 = arith.cmpi ne, %convert_element_type3A_188, %cond3A_189 : i32
    scf.if %cond3A_190 {
      %dma_wait3A_197 = arith.constant 124 : i32
      %dma_wait3A_198 = arith.constant 4 : i32
      %dma_wait3A_199 = arith.constant 0 : i32
      %dma_wait3A_200 = tpu.memref_slice %arg10[%dma_wait3A_197, %dma_wait3A_199] : memref<125x160xi32, #tpu.memory_space<vmem>> -> memref<1x160xi32, #tpu.memory_space<vmem>>
      %dma_wait3A_201 = tpu.memref_squeeze %dma_wait3A_200 : memref<1x160xi32, #tpu.memory_space<vmem>> -> memref<160xi32, #tpu.memory_space<vmem>>
      %dma_wait3A_202 = arith.constant 0 : i32
      %dma_wait3A_203 = arith.constant 0 : i32
      %dma_wait3A_204 = tpu.memref_slice %arg16[%dma_wait3A_202, %dma_wait3A_203] : memref<10000x8xf32, #tpu.memory_space<vmem_shared>> -> memref<10000x8xf32, #tpu.memory_space<vmem_shared>>
      %dma_wait3A_205 = tpu.memref_slice %arg17[%dma_wait3A_198] : memref<5x!tpu.dma_semaphore, #tpu.memory_space<semaphore_mem>> -> memref<1x!tpu.dma_semaphore, #tpu.memory_space<semaphore_mem>>
      %dma_wait3A_206 = tpu.memref_squeeze %dma_wait3A_205 : memref<1x!tpu.dma_semaphore, #tpu.memory_space<semaphore_mem>> -> memref<!tpu.dma_semaphore, #tpu.memory_space<semaphore_mem>>
      tpu.wait_indirect_dma semaphore(%dma_wait3A_206 : memref<!tpu.dma_semaphore, #tpu.memory_space<semaphore_mem>>) src(%arg15 : memref<160x8xf32, #tpu.memory_space<vmem>>) dst(%dma_wait3A_204 : memref<10000x8xf32, #tpu.memory_space<vmem_shared>>)
    } else {
    }
    %barrier3A_191 = arith.constant 0 : index
    tpu.barrier barrier_id(%barrier3A_191)
    "tpu.region"() ({
      %run_scoped3A_197 = tpu.sem_alloc : memref<!tpu.dma_semaphore, #tpu.memory_space<semaphore_mem>>
      %dma_start3A_198 = arith.constant 0 : i32
      %dma_start3A_199 = tpu.memref_slice %arg7[%arg0, %mul3A_0, %dma_start3A_198] : memref<2x10000x64xbf16, #tpu.memory_space<hbm>> -> memref<1x625x64xbf16, #tpu.memory_space<hbm>>
      %dma_start3A_200 = tpu.memref_squeeze %dma_start3A_199 : memref<1x625x64xbf16, #tpu.memory_space<hbm>> -> memref<625x64xbf16, #tpu.memory_space<hbm>>
      %dma_start3A_201 = arith.constant 0 : i32
      %dma_start3A_202 = tpu.memref_slice %arg12[%mul3A_0, %dma_start3A_201] : memref<10000x64xbf16, #tpu.memory_space<vmem_shared>> -> memref<625x64xbf16, #tpu.memory_space<vmem_shared>>
      tpu.enqueue_dma source(%dma_start3A_202 : memref<625x64xbf16, #tpu.memory_space<vmem_shared>>) target(%dma_start3A_200 : memref<625x64xbf16, #tpu.memory_space<hbm>>) target_semaphore(%run_scoped3A_197 : memref<!tpu.dma_semaphore, #tpu.memory_space<semaphore_mem>>)
      %dma_wait3A_203 = arith.constant 0 : i32
      %dma_wait3A_204 = tpu.memref_slice %arg7[%arg0, %mul3A_0, %dma_wait3A_203] : memref<2x10000x64xbf16, #tpu.memory_space<hbm>> -> memref<1x625x64xbf16, #tpu.memory_space<hbm>>
      %dma_wait3A_205 = tpu.memref_squeeze %dma_wait3A_204 : memref<1x625x64xbf16, #tpu.memory_space<hbm>> -> memref<625x64xbf16, #tpu.memory_space<hbm>>
      %dma_wait3A_206 = arith.constant 0 : i32
      %dma_wait3A_207 = tpu.memref_slice %arg12[%mul3A_0, %dma_wait3A_206] : memref<10000x64xbf16, #tpu.memory_space<vmem_shared>> -> memref<625x64xbf16, #tpu.memory_space<vmem_shared>>
      tpu.wait_dma2 semaphore(%run_scoped3A_197 : memref<!tpu.dma_semaphore, #tpu.memory_space<semaphore_mem>>) src(%dma_wait3A_207 : memref<625x64xbf16, #tpu.memory_space<vmem_shared>>) dst(%dma_wait3A_205 : memref<625x64xbf16, #tpu.memory_space<hbm>>)
      tpu.yield
    }) : () -> ()
    %eq3A_192 = arith.constant 0 : i32
    %eq3A_193 = arith.cmpi eq, %arg0, %eq3A_192 : i32
    %convert_element_type3A_194 = arith.extui %eq3A_193 : i1 to i32
    %cond3A_195 = arith.constant 0 : i32
    %cond3A_196 = arith.cmpi ne, %convert_element_type3A_194, %cond3A_195 : i32
    scf.if %cond3A_196 {
      "tpu.region"() ({
        %run_scoped3A_197 = tpu.sem_alloc : memref<!tpu.dma_semaphore, #tpu.memory_space<semaphore_mem>>
        %dma_start3A_198 = arith.constant 0 : i32
        %dma_start3A_199 = tpu.memref_slice %arg8[%mul3A_0, %dma_start3A_198] : memref<10000x8xf32, #tpu.memory_space<hbm>> -> memref<625x8xf32, #tpu.memory_space<hbm>>
        %dma_start3A_200 = arith.constant 0 : i32
        %dma_start3A_201 = tpu.memref_slice %arg16[%mul3A_0, %dma_start3A_200] : memref<10000x8xf32, #tpu.memory_space<vmem_shared>> -> memref<625x8xf32, #tpu.memory_space<vmem_shared>>
        tpu.enqueue_dma source(%dma_start3A_201 : memref<625x8xf32, #tpu.memory_space<vmem_shared>>) target(%dma_start3A_199 : memref<625x8xf32, #tpu.memory_space<hbm>>) target_semaphore(%run_scoped3A_197 : memref<!tpu.dma_semaphore, #tpu.memory_space<semaphore_mem>>)
        %dma_wait3A_202 = arith.constant 0 : i32
        %dma_wait3A_203 = tpu.memref_slice %arg8[%mul3A_0, %dma_wait3A_202] : memref<10000x8xf32, #tpu.memory_space<hbm>> -> memref<625x8xf32, #tpu.memory_space<hbm>>
        %dma_wait3A_204 = arith.constant 0 : i32
        %dma_wait3A_205 = tpu.memref_slice %arg16[%mul3A_0, %dma_wait3A_204] : memref<10000x8xf32, #tpu.memory_space<vmem_shared>> -> memref<625x8xf32, #tpu.memory_space<vmem_shared>>
        tpu.wait_dma2 semaphore(%run_scoped3A_197 : memref<!tpu.dma_semaphore, #tpu.memory_space<semaphore_mem>>) src(%dma_wait3A_205 : memref<625x8xf32, #tpu.memory_space<vmem_shared>>) dst(%dma_wait3A_203 : memref<625x8xf32, #tpu.memory_space<hbm>>)
        tpu.yield
      }) : () -> ()
    } else {
    }
    return
  }
}

#map = affine_map<(d0, d1) -> (0, 0)>
#map1 = affine_map<(d0, d1) -> (0, 0, 0)>
module attributes {stable_mosaic.version = 14 : i64} {
  func.func @agg(%arg0: i32, %arg1: i32, %arg2: memref<10000x32xf32, #tpu.memory_space<hbm>>, %arg3: memref<2x1600x200xi32, #tpu.memory_space<hbm>>, %arg4: memref<625x32xf32, #tpu.memory_space<hbm>>, %arg5: memref<2x10000x32xf32, #tpu.memory_space<hbm>>, %arg6: memref<50x200xi32, #tpu.memory_space<vmem>>, %arg7: memref<50x200xi32, #tpu.memory_space<vmem>>, %arg8: memref<5x200x32xf32, #tpu.memory_space<vmem>>, %arg9: memref<10000x32xf32, #tpu.memory_space<vmem_shared>>, %arg10: memref<5x!tpu.dma_semaphore, #tpu.memory_space<semaphore_mem>>, %arg11: memref<5x!tpu.dma_semaphore, #tpu.memory_space<semaphore_mem>>) attributes {dimension_semantics = [#tpu.dimension_semantics<core_parallel>, #tpu.dimension_semantics<subcore_parallel>], iteration_bounds = array<i64: 2, 16>, scalar_prefetch = 0 : i64, scratch_operands = 6 : i64, tpu.core_type = #tpu.core_type<sc_vector_subcore>, window_params = [{transform_indices = #map}, {transform_indices = #map1}, {transform_indices = #map}, {transform_indices = #map1}]} {
    %mul3A = arith.constant 625 : i32
    %mul3A_0 = arith.muli %arg1, %mul3A : i32
    "tpu.region"() ({
      %run_scoped3A_162 = tpu.sem_alloc : memref<!tpu.dma_semaphore, #tpu.memory_space<semaphore_mem>>
      %dma_start3A_163 = arith.constant 0 : i32
      %dma_start3A_164 = tpu.memref_slice %arg9[%mul3A_0, %dma_start3A_163] : memref<10000x32xf32, #tpu.memory_space<vmem_shared>> -> memref<625x32xf32, #tpu.memory_space<vmem_shared>>
      tpu.enqueue_dma source(%arg4 : memref<625x32xf32, #tpu.memory_space<hbm>>) target(%dma_start3A_164 : memref<625x32xf32, #tpu.memory_space<vmem_shared>>) target_semaphore(%run_scoped3A_162 : memref<!tpu.dma_semaphore, #tpu.memory_space<semaphore_mem>>)
      %dma_wait3A_165 = arith.constant 0 : i32
      %dma_wait3A_166 = tpu.memref_slice %arg9[%mul3A_0, %dma_wait3A_165] : memref<10000x32xf32, #tpu.memory_space<vmem_shared>> -> memref<625x32xf32, #tpu.memory_space<vmem_shared>>
      tpu.wait_dma2 semaphore(%run_scoped3A_162 : memref<!tpu.dma_semaphore, #tpu.memory_space<semaphore_mem>>) src(%arg4 : memref<625x32xf32, #tpu.memory_space<hbm>>) dst(%dma_wait3A_166 : memref<625x32xf32, #tpu.memory_space<vmem_shared>>)
      tpu.yield
    }) : () -> ()
    %barrier3A = arith.constant 0 : index
    tpu.barrier barrier_id(%barrier3A)
    %mul3A_1 = arith.constant 2 : i32
    %mul3A_2 = arith.muli %arg1, %mul3A_1 : i32
    %add3A = arith.addi %mul3A_2, %arg0 : i32
    %mul3A_3 = arith.constant 50 : i32
    %mul3A_4 = arith.muli %add3A, %mul3A_3 : i32
    %add3A_5 = arith.constant 0 : i32
    %add3A_6 = arith.addi %mul3A_4, %add3A_5 : i32
    %run_scoped3A = arith.constant 0 : i32
    "tpu.region"() ({
      %run_scoped3A_162 = tpu.sem_alloc : memref<!tpu.dma_semaphore, #tpu.memory_space<semaphore_mem>>
      %dma_start3A_163 = arith.constant 0 : i32
      %dma_start3A_164 = tpu.memref_slice %arg3[%run_scoped3A, %add3A_6, %dma_start3A_163] : memref<2x1600x200xi32, #tpu.memory_space<hbm>> -> memref<1x50x200xi32, #tpu.memory_space<hbm>>
      %dma_start3A_165 = tpu.memref_squeeze %dma_start3A_164 : memref<1x50x200xi32, #tpu.memory_space<hbm>> -> memref<50x200xi32, #tpu.memory_space<hbm>>
      %dma_start3A_166 = arith.constant 0 : i32
      %dma_start3A_167 = tpu.memref_slice %arg3[%run_scoped3A, %add3A_6, %dma_start3A_166] : memref<2x1600x200xi32, #tpu.memory_space<hbm>> -> memref<1x50x200xi32, #tpu.memory_space<hbm>>
      %dma_start3A_168 = tpu.memref_squeeze %dma_start3A_167 : memref<1x50x200xi32, #tpu.memory_space<hbm>> -> memref<50x200xi32, #tpu.memory_space<hbm>>
      tpu.enqueue_dma source(%dma_start3A_168 : memref<50x200xi32, #tpu.memory_space<hbm>>) target(%arg6 : memref<50x200xi32, #tpu.memory_space<vmem>>) target_semaphore(%run_scoped3A_162 : memref<!tpu.dma_semaphore, #tpu.memory_space<semaphore_mem>>)
      %dma_wait3A_169 = arith.constant 0 : i32
      %dma_wait3A_170 = tpu.memref_slice %arg3[%run_scoped3A, %add3A_6, %dma_wait3A_169] : memref<2x1600x200xi32, #tpu.memory_space<hbm>> -> memref<1x50x200xi32, #tpu.memory_space<hbm>>
      %dma_wait3A_171 = tpu.memref_squeeze %dma_wait3A_170 : memref<1x50x200xi32, #tpu.memory_space<hbm>> -> memref<50x200xi32, #tpu.memory_space<hbm>>
      %dma_wait3A_172 = arith.constant 0 : i32
      %dma_wait3A_173 = tpu.memref_slice %arg3[%run_scoped3A, %add3A_6, %dma_wait3A_172] : memref<2x1600x200xi32, #tpu.memory_space<hbm>> -> memref<1x50x200xi32, #tpu.memory_space<hbm>>
      %dma_wait3A_174 = tpu.memref_squeeze %dma_wait3A_173 : memref<1x50x200xi32, #tpu.memory_space<hbm>> -> memref<50x200xi32, #tpu.memory_space<hbm>>
      tpu.wait_dma2 semaphore(%run_scoped3A_162 : memref<!tpu.dma_semaphore, #tpu.memory_space<semaphore_mem>>) src(%dma_wait3A_174 : memref<50x200xi32, #tpu.memory_space<hbm>>) dst(%arg6 : memref<50x200xi32, #tpu.memory_space<vmem>>)
      tpu.yield
    }) : () -> ()
    %run_scoped3A_7 = arith.constant 1 : i32
    "tpu.region"() ({
      %run_scoped3A_162 = tpu.sem_alloc : memref<!tpu.dma_semaphore, #tpu.memory_space<semaphore_mem>>
      %dma_start3A_163 = arith.constant 0 : i32
      %dma_start3A_164 = tpu.memref_slice %arg3[%run_scoped3A_7, %add3A_6, %dma_start3A_163] : memref<2x1600x200xi32, #tpu.memory_space<hbm>> -> memref<1x50x200xi32, #tpu.memory_space<hbm>>
      %dma_start3A_165 = tpu.memref_squeeze %dma_start3A_164 : memref<1x50x200xi32, #tpu.memory_space<hbm>> -> memref<50x200xi32, #tpu.memory_space<hbm>>
      %dma_start3A_166 = arith.constant 0 : i32
      %dma_start3A_167 = tpu.memref_slice %arg3[%run_scoped3A_7, %add3A_6, %dma_start3A_166] : memref<2x1600x200xi32, #tpu.memory_space<hbm>> -> memref<1x50x200xi32, #tpu.memory_space<hbm>>
      %dma_start3A_168 = tpu.memref_squeeze %dma_start3A_167 : memref<1x50x200xi32, #tpu.memory_space<hbm>> -> memref<50x200xi32, #tpu.memory_space<hbm>>
      tpu.enqueue_dma source(%dma_start3A_168 : memref<50x200xi32, #tpu.memory_space<hbm>>) target(%arg7 : memref<50x200xi32, #tpu.memory_space<vmem>>) target_semaphore(%run_scoped3A_162 : memref<!tpu.dma_semaphore, #tpu.memory_space<semaphore_mem>>)
      %dma_wait3A_169 = arith.constant 0 : i32
      %dma_wait3A_170 = tpu.memref_slice %arg3[%run_scoped3A_7, %add3A_6, %dma_wait3A_169] : memref<2x1600x200xi32, #tpu.memory_space<hbm>> -> memref<1x50x200xi32, #tpu.memory_space<hbm>>
      %dma_wait3A_171 = tpu.memref_squeeze %dma_wait3A_170 : memref<1x50x200xi32, #tpu.memory_space<hbm>> -> memref<50x200xi32, #tpu.memory_space<hbm>>
      %dma_wait3A_172 = arith.constant 0 : i32
      %dma_wait3A_173 = tpu.memref_slice %arg3[%run_scoped3A_7, %add3A_6, %dma_wait3A_172] : memref<2x1600x200xi32, #tpu.memory_space<hbm>> -> memref<1x50x200xi32, #tpu.memory_space<hbm>>
      %dma_wait3A_174 = tpu.memref_squeeze %dma_wait3A_173 : memref<1x50x200xi32, #tpu.memory_space<hbm>> -> memref<50x200xi32, #tpu.memory_space<hbm>>
      tpu.wait_dma2 semaphore(%run_scoped3A_162 : memref<!tpu.dma_semaphore, #tpu.memory_space<semaphore_mem>>) src(%dma_wait3A_174 : memref<50x200xi32, #tpu.memory_space<hbm>>) dst(%arg7 : memref<50x200xi32, #tpu.memory_space<vmem>>)
      tpu.yield
    }) : () -> ()
    %dma_start3A = arith.constant 0 : i32
    %dma_start3A_8 = arith.constant 0 : i32
    %dma_start3A_9 = arith.constant 0 : i32
    %dma_start3A_10 = arith.constant 0 : i32
    %dma_start3A_11 = arith.constant 0 : i32
    %dma_start3A_12 = tpu.memref_slice %arg8[%dma_start3A_8, %dma_start3A_10, %dma_start3A_11] : memref<5x200x32xf32, #tpu.memory_space<vmem>> -> memref<1x200x32xf32, #tpu.memory_space<vmem>>
    %dma_start3A_13 = tpu.memref_squeeze %dma_start3A_12 : memref<1x200x32xf32, #tpu.memory_space<vmem>> -> memref<200x32xf32, #tpu.memory_space<vmem>>
    %dma_start3A_14 = arith.constant 0 : i32
    %dma_start3A_15 = tpu.memref_slice %arg6[%dma_start3A, %dma_start3A_14] : memref<50x200xi32, #tpu.memory_space<vmem>> -> memref<1x200xi32, #tpu.memory_space<vmem>>
    %dma_start3A_16 = tpu.memref_squeeze %dma_start3A_15 : memref<1x200xi32, #tpu.memory_space<vmem>> -> memref<200xi32, #tpu.memory_space<vmem>>
    %dma_start3A_17 = arith.constant 0 : i32
    %dma_start3A_18 = arith.constant 0 : i32
    %dma_start3A_19 = tpu.memref_slice %arg2[%dma_start3A_17, %dma_start3A_18] : memref<10000x32xf32, #tpu.memory_space<hbm>> -> memref<10000x32xf32, #tpu.memory_space<hbm>>
    %dma_start3A_20 = tpu.memref_slice %arg10[%dma_start3A_9] : memref<5x!tpu.dma_semaphore, #tpu.memory_space<semaphore_mem>> -> memref<1x!tpu.dma_semaphore, #tpu.memory_space<semaphore_mem>>
    %dma_start3A_21 = tpu.memref_squeeze %dma_start3A_20 : memref<1x!tpu.dma_semaphore, #tpu.memory_space<semaphore_mem>> -> memref<!tpu.dma_semaphore, #tpu.memory_space<semaphore_mem>>
    tpu.enqueue_indirect_dma source(%dma_start3A_19 : memref<10000x32xf32, #tpu.memory_space<hbm>>) target(%dma_start3A_13 : memref<200x32xf32, #tpu.memory_space<vmem>>) offsets(%dma_start3A_16 : memref<200xi32, #tpu.memory_space<vmem>>) semaphore(%dma_start3A_21 : memref<!tpu.dma_semaphore, #tpu.memory_space<semaphore_mem>>)
    %dma_start3A_22 = arith.constant 1 : i32
    %dma_start3A_23 = arith.constant 1 : i32
    %dma_start3A_24 = arith.constant 1 : i32
    %dma_start3A_25 = arith.constant 0 : i32
    %dma_start3A_26 = arith.constant 0 : i32
    %dma_start3A_27 = tpu.memref_slice %arg8[%dma_start3A_23, %dma_start3A_25, %dma_start3A_26] : memref<5x200x32xf32, #tpu.memory_space<vmem>> -> memref<1x200x32xf32, #tpu.memory_space<vmem>>
    %dma_start3A_28 = tpu.memref_squeeze %dma_start3A_27 : memref<1x200x32xf32, #tpu.memory_space<vmem>> -> memref<200x32xf32, #tpu.memory_space<vmem>>
    %dma_start3A_29 = arith.constant 0 : i32
    %dma_start3A_30 = tpu.memref_slice %arg6[%dma_start3A_22, %dma_start3A_29] : memref<50x200xi32, #tpu.memory_space<vmem>> -> memref<1x200xi32, #tpu.memory_space<vmem>>
    %dma_start3A_31 = tpu.memref_squeeze %dma_start3A_30 : memref<1x200xi32, #tpu.memory_space<vmem>> -> memref<200xi32, #tpu.memory_space<vmem>>
    %dma_start3A_32 = arith.constant 0 : i32
    %dma_start3A_33 = arith.constant 0 : i32
    %dma_start3A_34 = tpu.memref_slice %arg2[%dma_start3A_32, %dma_start3A_33] : memref<10000x32xf32, #tpu.memory_space<hbm>> -> memref<10000x32xf32, #tpu.memory_space<hbm>>
    %dma_start3A_35 = tpu.memref_slice %arg10[%dma_start3A_24] : memref<5x!tpu.dma_semaphore, #tpu.memory_space<semaphore_mem>> -> memref<1x!tpu.dma_semaphore, #tpu.memory_space<semaphore_mem>>
    %dma_start3A_36 = tpu.memref_squeeze %dma_start3A_35 : memref<1x!tpu.dma_semaphore, #tpu.memory_space<semaphore_mem>> -> memref<!tpu.dma_semaphore, #tpu.memory_space<semaphore_mem>>
    tpu.enqueue_indirect_dma source(%dma_start3A_34 : memref<10000x32xf32, #tpu.memory_space<hbm>>) target(%dma_start3A_28 : memref<200x32xf32, #tpu.memory_space<vmem>>) offsets(%dma_start3A_31 : memref<200xi32, #tpu.memory_space<vmem>>) semaphore(%dma_start3A_36 : memref<!tpu.dma_semaphore, #tpu.memory_space<semaphore_mem>>)
    %dma_start3A_37 = arith.constant 2 : i32
    %dma_start3A_38 = arith.constant 2 : i32
    %dma_start3A_39 = arith.constant 2 : i32
    %dma_start3A_40 = arith.constant 0 : i32
    %dma_start3A_41 = arith.constant 0 : i32
    %dma_start3A_42 = tpu.memref_slice %arg8[%dma_start3A_38, %dma_start3A_40, %dma_start3A_41] : memref<5x200x32xf32, #tpu.memory_space<vmem>> -> memref<1x200x32xf32, #tpu.memory_space<vmem>>
    %dma_start3A_43 = tpu.memref_squeeze %dma_start3A_42 : memref<1x200x32xf32, #tpu.memory_space<vmem>> -> memref<200x32xf32, #tpu.memory_space<vmem>>
    %dma_start3A_44 = arith.constant 0 : i32
    %dma_start3A_45 = tpu.memref_slice %arg6[%dma_start3A_37, %dma_start3A_44] : memref<50x200xi32, #tpu.memory_space<vmem>> -> memref<1x200xi32, #tpu.memory_space<vmem>>
    %dma_start3A_46 = tpu.memref_squeeze %dma_start3A_45 : memref<1x200xi32, #tpu.memory_space<vmem>> -> memref<200xi32, #tpu.memory_space<vmem>>
    %dma_start3A_47 = arith.constant 0 : i32
    %dma_start3A_48 = arith.constant 0 : i32
    %dma_start3A_49 = tpu.memref_slice %arg2[%dma_start3A_47, %dma_start3A_48] : memref<10000x32xf32, #tpu.memory_space<hbm>> -> memref<10000x32xf32, #tpu.memory_space<hbm>>
    %dma_start3A_50 = tpu.memref_slice %arg10[%dma_start3A_39] : memref<5x!tpu.dma_semaphore, #tpu.memory_space<semaphore_mem>> -> memref<1x!tpu.dma_semaphore, #tpu.memory_space<semaphore_mem>>
    %dma_start3A_51 = tpu.memref_squeeze %dma_start3A_50 : memref<1x!tpu.dma_semaphore, #tpu.memory_space<semaphore_mem>> -> memref<!tpu.dma_semaphore, #tpu.memory_space<semaphore_mem>>
    tpu.enqueue_indirect_dma source(%dma_start3A_49 : memref<10000x32xf32, #tpu.memory_space<hbm>>) target(%dma_start3A_43 : memref<200x32xf32, #tpu.memory_space<vmem>>) offsets(%dma_start3A_46 : memref<200xi32, #tpu.memory_space<vmem>>) semaphore(%dma_start3A_51 : memref<!tpu.dma_semaphore, #tpu.memory_space<semaphore_mem>>)
    %dma_start3A_52 = arith.constant 3 : i32
    %dma_start3A_53 = arith.constant 3 : i32
    %dma_start3A_54 = arith.constant 3 : i32
    %dma_start3A_55 = arith.constant 0 : i32
    %dma_start3A_56 = arith.constant 0 : i32
    %dma_start3A_57 = tpu.memref_slice %arg8[%dma_start3A_53, %dma_start3A_55, %dma_start3A_56] : memref<5x200x32xf32, #tpu.memory_space<vmem>> -> memref<1x200x32xf32, #tpu.memory_space<vmem>>
    %dma_start3A_58 = tpu.memref_squeeze %dma_start3A_57 : memref<1x200x32xf32, #tpu.memory_space<vmem>> -> memref<200x32xf32, #tpu.memory_space<vmem>>
    %dma_start3A_59 = arith.constant 0 : i32
    %dma_start3A_60 = tpu.memref_slice %arg6[%dma_start3A_52, %dma_start3A_59] : memref<50x200xi32, #tpu.memory_space<vmem>> -> memref<1x200xi32, #tpu.memory_space<vmem>>
    %dma_start3A_61 = tpu.memref_squeeze %dma_start3A_60 : memref<1x200xi32, #tpu.memory_space<vmem>> -> memref<200xi32, #tpu.memory_space<vmem>>
    %dma_start3A_62 = arith.constant 0 : i32
    %dma_start3A_63 = arith.constant 0 : i32
    %dma_start3A_64 = tpu.memref_slice %arg2[%dma_start3A_62, %dma_start3A_63] : memref<10000x32xf32, #tpu.memory_space<hbm>> -> memref<10000x32xf32, #tpu.memory_space<hbm>>
    %dma_start3A_65 = tpu.memref_slice %arg10[%dma_start3A_54] : memref<5x!tpu.dma_semaphore, #tpu.memory_space<semaphore_mem>> -> memref<1x!tpu.dma_semaphore, #tpu.memory_space<semaphore_mem>>
    %dma_start3A_66 = tpu.memref_squeeze %dma_start3A_65 : memref<1x!tpu.dma_semaphore, #tpu.memory_space<semaphore_mem>> -> memref<!tpu.dma_semaphore, #tpu.memory_space<semaphore_mem>>
    tpu.enqueue_indirect_dma source(%dma_start3A_64 : memref<10000x32xf32, #tpu.memory_space<hbm>>) target(%dma_start3A_58 : memref<200x32xf32, #tpu.memory_space<vmem>>) offsets(%dma_start3A_61 : memref<200xi32, #tpu.memory_space<vmem>>) semaphore(%dma_start3A_66 : memref<!tpu.dma_semaphore, #tpu.memory_space<semaphore_mem>>)
    %dma_start3A_67 = arith.constant 4 : i32
    %dma_start3A_68 = arith.constant 4 : i32
    %dma_start3A_69 = arith.constant 4 : i32
    %dma_start3A_70 = arith.constant 0 : i32
    %dma_start3A_71 = arith.constant 0 : i32
    %dma_start3A_72 = tpu.memref_slice %arg8[%dma_start3A_68, %dma_start3A_70, %dma_start3A_71] : memref<5x200x32xf32, #tpu.memory_space<vmem>> -> memref<1x200x32xf32, #tpu.memory_space<vmem>>
    %dma_start3A_73 = tpu.memref_squeeze %dma_start3A_72 : memref<1x200x32xf32, #tpu.memory_space<vmem>> -> memref<200x32xf32, #tpu.memory_space<vmem>>
    %dma_start3A_74 = arith.constant 0 : i32
    %dma_start3A_75 = tpu.memref_slice %arg6[%dma_start3A_67, %dma_start3A_74] : memref<50x200xi32, #tpu.memory_space<vmem>> -> memref<1x200xi32, #tpu.memory_space<vmem>>
    %dma_start3A_76 = tpu.memref_squeeze %dma_start3A_75 : memref<1x200xi32, #tpu.memory_space<vmem>> -> memref<200xi32, #tpu.memory_space<vmem>>
    %dma_start3A_77 = arith.constant 0 : i32
    %dma_start3A_78 = arith.constant 0 : i32
    %dma_start3A_79 = tpu.memref_slice %arg2[%dma_start3A_77, %dma_start3A_78] : memref<10000x32xf32, #tpu.memory_space<hbm>> -> memref<10000x32xf32, #tpu.memory_space<hbm>>
    %dma_start3A_80 = tpu.memref_slice %arg10[%dma_start3A_69] : memref<5x!tpu.dma_semaphore, #tpu.memory_space<semaphore_mem>> -> memref<1x!tpu.dma_semaphore, #tpu.memory_space<semaphore_mem>>
    %dma_start3A_81 = tpu.memref_squeeze %dma_start3A_80 : memref<1x!tpu.dma_semaphore, #tpu.memory_space<semaphore_mem>> -> memref<!tpu.dma_semaphore, #tpu.memory_space<semaphore_mem>>
    tpu.enqueue_indirect_dma source(%dma_start3A_79 : memref<10000x32xf32, #tpu.memory_space<hbm>>) target(%dma_start3A_73 : memref<200x32xf32, #tpu.memory_space<vmem>>) offsets(%dma_start3A_76 : memref<200xi32, #tpu.memory_space<vmem>>) semaphore(%dma_start3A_81 : memref<!tpu.dma_semaphore, #tpu.memory_space<semaphore_mem>>)
    %scan3A = arith.constant 0 : i32
    %scan3A_82 = arith.constant 0 : i32
    %scan3A_83 = arith.constant 10 : i32
    %scan3A_84 = arith.addi %scan3A_82, %scan3A_83 : i32
    %scan3A_85 = arith.constant 1 : i32
    scf.for %scan3A_162 = %scan3A_82 to %scan3A_84 step %scan3A_85  : i32 {
      %mul3A_163 = arith.constant 5 : i32
      %mul3A_164 = arith.muli %scan3A_162, %mul3A_163 : i32
      %add3A_165 = arith.constant 0 : i32
      %add3A_166 = arith.addi %mul3A_164, %add3A_165 : i32
      %dma_wait3A_167 = arith.constant 0 : i32
      %dma_wait3A_168 = arith.constant 0 : i32
      %dma_wait3A_169 = arith.constant 0 : i32
      %dma_wait3A_170 = arith.constant 0 : i32
      %dma_wait3A_171 = tpu.memref_slice %arg8[%dma_wait3A_167, %dma_wait3A_169, %dma_wait3A_170] : memref<5x200x32xf32, #tpu.memory_space<vmem>> -> memref<1x200x32xf32, #tpu.memory_space<vmem>>
      %dma_wait3A_172 = tpu.memref_squeeze %dma_wait3A_171 : memref<1x200x32xf32, #tpu.memory_space<vmem>> -> memref<200x32xf32, #tpu.memory_space<vmem>>
      %dma_wait3A_173 = arith.constant 0 : i32
      %dma_wait3A_174 = tpu.memref_slice %arg6[%add3A_166, %dma_wait3A_173] : memref<50x200xi32, #tpu.memory_space<vmem>> -> memref<1x200xi32, #tpu.memory_space<vmem>>
      %dma_wait3A_175 = tpu.memref_squeeze %dma_wait3A_174 : memref<1x200xi32, #tpu.memory_space<vmem>> -> memref<200xi32, #tpu.memory_space<vmem>>
      %dma_wait3A_176 = arith.constant 0 : i32
      %dma_wait3A_177 = arith.constant 0 : i32
      %dma_wait3A_178 = tpu.memref_slice %arg2[%dma_wait3A_176, %dma_wait3A_177] : memref<10000x32xf32, #tpu.memory_space<hbm>> -> memref<10000x32xf32, #tpu.memory_space<hbm>>
      %dma_wait3A_179 = tpu.memref_slice %arg10[%dma_wait3A_168] : memref<5x!tpu.dma_semaphore, #tpu.memory_space<semaphore_mem>> -> memref<1x!tpu.dma_semaphore, #tpu.memory_space<semaphore_mem>>
      %dma_wait3A_180 = tpu.memref_squeeze %dma_wait3A_179 : memref<1x!tpu.dma_semaphore, #tpu.memory_space<semaphore_mem>> -> memref<!tpu.dma_semaphore, #tpu.memory_space<semaphore_mem>>
      tpu.wait_indirect_dma semaphore(%dma_wait3A_180 : memref<!tpu.dma_semaphore, #tpu.memory_space<semaphore_mem>>) src(%dma_wait3A_178 : memref<10000x32xf32, #tpu.memory_space<hbm>>) dst(%dma_wait3A_172 : memref<200x32xf32, #tpu.memory_space<vmem>>)
      %dma_start3A_181 = arith.constant 0 : i32
      %dma_start3A_182 = arith.constant 0 : i32
      %dma_start3A_183 = arith.constant 0 : i32
      %dma_start3A_184 = arith.constant 0 : i32
      %dma_start3A_185 = tpu.memref_slice %arg8[%dma_start3A_181, %dma_start3A_183, %dma_start3A_184] : memref<5x200x32xf32, #tpu.memory_space<vmem>> -> memref<1x200x32xf32, #tpu.memory_space<vmem>>
      %dma_start3A_186 = tpu.memref_squeeze %dma_start3A_185 : memref<1x200x32xf32, #tpu.memory_space<vmem>> -> memref<200x32xf32, #tpu.memory_space<vmem>>
      %dma_start3A_187 = arith.constant 0 : i32
      %dma_start3A_188 = tpu.memref_slice %arg7[%add3A_166, %dma_start3A_187] : memref<50x200xi32, #tpu.memory_space<vmem>> -> memref<1x200xi32, #tpu.memory_space<vmem>>
      %dma_start3A_189 = tpu.memref_squeeze %dma_start3A_188 : memref<1x200xi32, #tpu.memory_space<vmem>> -> memref<200xi32, #tpu.memory_space<vmem>>
      %dma_start3A_190 = arith.constant 0 : i32
      %dma_start3A_191 = arith.constant 0 : i32
      %dma_start3A_192 = tpu.memref_slice %arg9[%dma_start3A_190, %dma_start3A_191] : memref<10000x32xf32, #tpu.memory_space<vmem_shared>> -> memref<10000x32xf32, #tpu.memory_space<vmem_shared>>
      %dma_start3A_193 = tpu.memref_slice %arg11[%dma_start3A_182] : memref<5x!tpu.dma_semaphore, #tpu.memory_space<semaphore_mem>> -> memref<1x!tpu.dma_semaphore, #tpu.memory_space<semaphore_mem>>
      %dma_start3A_194 = tpu.memref_squeeze %dma_start3A_193 : memref<1x!tpu.dma_semaphore, #tpu.memory_space<semaphore_mem>> -> memref<!tpu.dma_semaphore, #tpu.memory_space<semaphore_mem>>
      tpu.enqueue_indirect_dma source(%dma_start3A_186 : memref<200x32xf32, #tpu.memory_space<vmem>>) target(%dma_start3A_192 : memref<10000x32xf32, #tpu.memory_space<vmem_shared>>) offsets(%dma_start3A_189 : memref<200xi32, #tpu.memory_space<vmem>>) semaphore(%dma_start3A_194 : memref<!tpu.dma_semaphore, #tpu.memory_space<semaphore_mem>>) {add = true}
      %add3A_195 = arith.constant 1 : i32
      %add3A_196 = arith.addi %mul3A_164, %add3A_195 : i32
      %dma_wait3A_197 = arith.constant 1 : i32
      %dma_wait3A_198 = arith.constant 1 : i32
      %dma_wait3A_199 = arith.constant 0 : i32
      %dma_wait3A_200 = arith.constant 0 : i32
      %dma_wait3A_201 = tpu.memref_slice %arg8[%dma_wait3A_197, %dma_wait3A_199, %dma_wait3A_200] : memref<5x200x32xf32, #tpu.memory_space<vmem>> -> memref<1x200x32xf32, #tpu.memory_space<vmem>>
      %dma_wait3A_202 = tpu.memref_squeeze %dma_wait3A_201 : memref<1x200x32xf32, #tpu.memory_space<vmem>> -> memref<200x32xf32, #tpu.memory_space<vmem>>
      %dma_wait3A_203 = arith.constant 0 : i32
      %dma_wait3A_204 = tpu.memref_slice %arg6[%add3A_196, %dma_wait3A_203] : memref<50x200xi32, #tpu.memory_space<vmem>> -> memref<1x200xi32, #tpu.memory_space<vmem>>
      %dma_wait3A_205 = tpu.memref_squeeze %dma_wait3A_204 : memref<1x200xi32, #tpu.memory_space<vmem>> -> memref<200xi32, #tpu.memory_space<vmem>>
      %dma_wait3A_206 = arith.constant 0 : i32
      %dma_wait3A_207 = arith.constant 0 : i32
      %dma_wait3A_208 = tpu.memref_slice %arg2[%dma_wait3A_206, %dma_wait3A_207] : memref<10000x32xf32, #tpu.memory_space<hbm>> -> memref<10000x32xf32, #tpu.memory_space<hbm>>
      %dma_wait3A_209 = tpu.memref_slice %arg10[%dma_wait3A_198] : memref<5x!tpu.dma_semaphore, #tpu.memory_space<semaphore_mem>> -> memref<1x!tpu.dma_semaphore, #tpu.memory_space<semaphore_mem>>
      %dma_wait3A_210 = tpu.memref_squeeze %dma_wait3A_209 : memref<1x!tpu.dma_semaphore, #tpu.memory_space<semaphore_mem>> -> memref<!tpu.dma_semaphore, #tpu.memory_space<semaphore_mem>>
      tpu.wait_indirect_dma semaphore(%dma_wait3A_210 : memref<!tpu.dma_semaphore, #tpu.memory_space<semaphore_mem>>) src(%dma_wait3A_208 : memref<10000x32xf32, #tpu.memory_space<hbm>>) dst(%dma_wait3A_202 : memref<200x32xf32, #tpu.memory_space<vmem>>)
      %dma_start3A_211 = arith.constant 1 : i32
      %dma_start3A_212 = arith.constant 1 : i32
      %dma_start3A_213 = arith.constant 0 : i32
      %dma_start3A_214 = arith.constant 0 : i32
      %dma_start3A_215 = tpu.memref_slice %arg8[%dma_start3A_211, %dma_start3A_213, %dma_start3A_214] : memref<5x200x32xf32, #tpu.memory_space<vmem>> -> memref<1x200x32xf32, #tpu.memory_space<vmem>>
      %dma_start3A_216 = tpu.memref_squeeze %dma_start3A_215 : memref<1x200x32xf32, #tpu.memory_space<vmem>> -> memref<200x32xf32, #tpu.memory_space<vmem>>
      %dma_start3A_217 = arith.constant 0 : i32
      %dma_start3A_218 = tpu.memref_slice %arg7[%add3A_196, %dma_start3A_217] : memref<50x200xi32, #tpu.memory_space<vmem>> -> memref<1x200xi32, #tpu.memory_space<vmem>>
      %dma_start3A_219 = tpu.memref_squeeze %dma_start3A_218 : memref<1x200xi32, #tpu.memory_space<vmem>> -> memref<200xi32, #tpu.memory_space<vmem>>
      %dma_start3A_220 = arith.constant 0 : i32
      %dma_start3A_221 = arith.constant 0 : i32
      %dma_start3A_222 = tpu.memref_slice %arg9[%dma_start3A_220, %dma_start3A_221] : memref<10000x32xf32, #tpu.memory_space<vmem_shared>> -> memref<10000x32xf32, #tpu.memory_space<vmem_shared>>
      %dma_start3A_223 = tpu.memref_slice %arg11[%dma_start3A_212] : memref<5x!tpu.dma_semaphore, #tpu.memory_space<semaphore_mem>> -> memref<1x!tpu.dma_semaphore, #tpu.memory_space<semaphore_mem>>
      %dma_start3A_224 = tpu.memref_squeeze %dma_start3A_223 : memref<1x!tpu.dma_semaphore, #tpu.memory_space<semaphore_mem>> -> memref<!tpu.dma_semaphore, #tpu.memory_space<semaphore_mem>>
      tpu.enqueue_indirect_dma source(%dma_start3A_216 : memref<200x32xf32, #tpu.memory_space<vmem>>) target(%dma_start3A_222 : memref<10000x32xf32, #tpu.memory_space<vmem_shared>>) offsets(%dma_start3A_219 : memref<200xi32, #tpu.memory_space<vmem>>) semaphore(%dma_start3A_224 : memref<!tpu.dma_semaphore, #tpu.memory_space<semaphore_mem>>) {add = true}
      %add3A_225 = arith.constant 2 : i32
      %add3A_226 = arith.addi %mul3A_164, %add3A_225 : i32
      %dma_wait3A_227 = arith.constant 2 : i32
      %dma_wait3A_228 = arith.constant 2 : i32
      %dma_wait3A_229 = arith.constant 0 : i32
      %dma_wait3A_230 = arith.constant 0 : i32
      %dma_wait3A_231 = tpu.memref_slice %arg8[%dma_wait3A_227, %dma_wait3A_229, %dma_wait3A_230] : memref<5x200x32xf32, #tpu.memory_space<vmem>> -> memref<1x200x32xf32, #tpu.memory_space<vmem>>
      %dma_wait3A_232 = tpu.memref_squeeze %dma_wait3A_231 : memref<1x200x32xf32, #tpu.memory_space<vmem>> -> memref<200x32xf32, #tpu.memory_space<vmem>>
      %dma_wait3A_233 = arith.constant 0 : i32
      %dma_wait3A_234 = tpu.memref_slice %arg6[%add3A_226, %dma_wait3A_233] : memref<50x200xi32, #tpu.memory_space<vmem>> -> memref<1x200xi32, #tpu.memory_space<vmem>>
      %dma_wait3A_235 = tpu.memref_squeeze %dma_wait3A_234 : memref<1x200xi32, #tpu.memory_space<vmem>> -> memref<200xi32, #tpu.memory_space<vmem>>
      %dma_wait3A_236 = arith.constant 0 : i32
      %dma_wait3A_237 = arith.constant 0 : i32
      %dma_wait3A_238 = tpu.memref_slice %arg2[%dma_wait3A_236, %dma_wait3A_237] : memref<10000x32xf32, #tpu.memory_space<hbm>> -> memref<10000x32xf32, #tpu.memory_space<hbm>>
      %dma_wait3A_239 = tpu.memref_slice %arg10[%dma_wait3A_228] : memref<5x!tpu.dma_semaphore, #tpu.memory_space<semaphore_mem>> -> memref<1x!tpu.dma_semaphore, #tpu.memory_space<semaphore_mem>>
      %dma_wait3A_240 = tpu.memref_squeeze %dma_wait3A_239 : memref<1x!tpu.dma_semaphore, #tpu.memory_space<semaphore_mem>> -> memref<!tpu.dma_semaphore, #tpu.memory_space<semaphore_mem>>
      tpu.wait_indirect_dma semaphore(%dma_wait3A_240 : memref<!tpu.dma_semaphore, #tpu.memory_space<semaphore_mem>>) src(%dma_wait3A_238 : memref<10000x32xf32, #tpu.memory_space<hbm>>) dst(%dma_wait3A_232 : memref<200x32xf32, #tpu.memory_space<vmem>>)
      %dma_start3A_241 = arith.constant 2 : i32
      %dma_start3A_242 = arith.constant 2 : i32
      %dma_start3A_243 = arith.constant 0 : i32
      %dma_start3A_244 = arith.constant 0 : i32
      %dma_start3A_245 = tpu.memref_slice %arg8[%dma_start3A_241, %dma_start3A_243, %dma_start3A_244] : memref<5x200x32xf32, #tpu.memory_space<vmem>> -> memref<1x200x32xf32, #tpu.memory_space<vmem>>
      %dma_start3A_246 = tpu.memref_squeeze %dma_start3A_245 : memref<1x200x32xf32, #tpu.memory_space<vmem>> -> memref<200x32xf32, #tpu.memory_space<vmem>>
      %dma_start3A_247 = arith.constant 0 : i32
      %dma_start3A_248 = tpu.memref_slice %arg7[%add3A_226, %dma_start3A_247] : memref<50x200xi32, #tpu.memory_space<vmem>> -> memref<1x200xi32, #tpu.memory_space<vmem>>
      %dma_start3A_249 = tpu.memref_squeeze %dma_start3A_248 : memref<1x200xi32, #tpu.memory_space<vmem>> -> memref<200xi32, #tpu.memory_space<vmem>>
      %dma_start3A_250 = arith.constant 0 : i32
      %dma_start3A_251 = arith.constant 0 : i32
      %dma_start3A_252 = tpu.memref_slice %arg9[%dma_start3A_250, %dma_start3A_251] : memref<10000x32xf32, #tpu.memory_space<vmem_shared>> -> memref<10000x32xf32, #tpu.memory_space<vmem_shared>>
      %dma_start3A_253 = tpu.memref_slice %arg11[%dma_start3A_242] : memref<5x!tpu.dma_semaphore, #tpu.memory_space<semaphore_mem>> -> memref<1x!tpu.dma_semaphore, #tpu.memory_space<semaphore_mem>>
      %dma_start3A_254 = tpu.memref_squeeze %dma_start3A_253 : memref<1x!tpu.dma_semaphore, #tpu.memory_space<semaphore_mem>> -> memref<!tpu.dma_semaphore, #tpu.memory_space<semaphore_mem>>
      tpu.enqueue_indirect_dma source(%dma_start3A_246 : memref<200x32xf32, #tpu.memory_space<vmem>>) target(%dma_start3A_252 : memref<10000x32xf32, #tpu.memory_space<vmem_shared>>) offsets(%dma_start3A_249 : memref<200xi32, #tpu.memory_space<vmem>>) semaphore(%dma_start3A_254 : memref<!tpu.dma_semaphore, #tpu.memory_space<semaphore_mem>>) {add = true}
      %add3A_255 = arith.constant 3 : i32
      %add3A_256 = arith.addi %mul3A_164, %add3A_255 : i32
      %dma_wait3A_257 = arith.constant 3 : i32
      %dma_wait3A_258 = arith.constant 3 : i32
      %dma_wait3A_259 = arith.constant 0 : i32
      %dma_wait3A_260 = arith.constant 0 : i32
      %dma_wait3A_261 = tpu.memref_slice %arg8[%dma_wait3A_257, %dma_wait3A_259, %dma_wait3A_260] : memref<5x200x32xf32, #tpu.memory_space<vmem>> -> memref<1x200x32xf32, #tpu.memory_space<vmem>>
      %dma_wait3A_262 = tpu.memref_squeeze %dma_wait3A_261 : memref<1x200x32xf32, #tpu.memory_space<vmem>> -> memref<200x32xf32, #tpu.memory_space<vmem>>
      %dma_wait3A_263 = arith.constant 0 : i32
      %dma_wait3A_264 = tpu.memref_slice %arg6[%add3A_256, %dma_wait3A_263] : memref<50x200xi32, #tpu.memory_space<vmem>> -> memref<1x200xi32, #tpu.memory_space<vmem>>
      %dma_wait3A_265 = tpu.memref_squeeze %dma_wait3A_264 : memref<1x200xi32, #tpu.memory_space<vmem>> -> memref<200xi32, #tpu.memory_space<vmem>>
      %dma_wait3A_266 = arith.constant 0 : i32
      %dma_wait3A_267 = arith.constant 0 : i32
      %dma_wait3A_268 = tpu.memref_slice %arg2[%dma_wait3A_266, %dma_wait3A_267] : memref<10000x32xf32, #tpu.memory_space<hbm>> -> memref<10000x32xf32, #tpu.memory_space<hbm>>
      %dma_wait3A_269 = tpu.memref_slice %arg10[%dma_wait3A_258] : memref<5x!tpu.dma_semaphore, #tpu.memory_space<semaphore_mem>> -> memref<1x!tpu.dma_semaphore, #tpu.memory_space<semaphore_mem>>
      %dma_wait3A_270 = tpu.memref_squeeze %dma_wait3A_269 : memref<1x!tpu.dma_semaphore, #tpu.memory_space<semaphore_mem>> -> memref<!tpu.dma_semaphore, #tpu.memory_space<semaphore_mem>>
      tpu.wait_indirect_dma semaphore(%dma_wait3A_270 : memref<!tpu.dma_semaphore, #tpu.memory_space<semaphore_mem>>) src(%dma_wait3A_268 : memref<10000x32xf32, #tpu.memory_space<hbm>>) dst(%dma_wait3A_262 : memref<200x32xf32, #tpu.memory_space<vmem>>)
      %dma_start3A_271 = arith.constant 3 : i32
      %dma_start3A_272 = arith.constant 3 : i32
      %dma_start3A_273 = arith.constant 0 : i32
      %dma_start3A_274 = arith.constant 0 : i32
      %dma_start3A_275 = tpu.memref_slice %arg8[%dma_start3A_271, %dma_start3A_273, %dma_start3A_274] : memref<5x200x32xf32, #tpu.memory_space<vmem>> -> memref<1x200x32xf32, #tpu.memory_space<vmem>>
      %dma_start3A_276 = tpu.memref_squeeze %dma_start3A_275 : memref<1x200x32xf32, #tpu.memory_space<vmem>> -> memref<200x32xf32, #tpu.memory_space<vmem>>
      %dma_start3A_277 = arith.constant 0 : i32
      %dma_start3A_278 = tpu.memref_slice %arg7[%add3A_256, %dma_start3A_277] : memref<50x200xi32, #tpu.memory_space<vmem>> -> memref<1x200xi32, #tpu.memory_space<vmem>>
      %dma_start3A_279 = tpu.memref_squeeze %dma_start3A_278 : memref<1x200xi32, #tpu.memory_space<vmem>> -> memref<200xi32, #tpu.memory_space<vmem>>
      %dma_start3A_280 = arith.constant 0 : i32
      %dma_start3A_281 = arith.constant 0 : i32
      %dma_start3A_282 = tpu.memref_slice %arg9[%dma_start3A_280, %dma_start3A_281] : memref<10000x32xf32, #tpu.memory_space<vmem_shared>> -> memref<10000x32xf32, #tpu.memory_space<vmem_shared>>
      %dma_start3A_283 = tpu.memref_slice %arg11[%dma_start3A_272] : memref<5x!tpu.dma_semaphore, #tpu.memory_space<semaphore_mem>> -> memref<1x!tpu.dma_semaphore, #tpu.memory_space<semaphore_mem>>
      %dma_start3A_284 = tpu.memref_squeeze %dma_start3A_283 : memref<1x!tpu.dma_semaphore, #tpu.memory_space<semaphore_mem>> -> memref<!tpu.dma_semaphore, #tpu.memory_space<semaphore_mem>>
      tpu.enqueue_indirect_dma source(%dma_start3A_276 : memref<200x32xf32, #tpu.memory_space<vmem>>) target(%dma_start3A_282 : memref<10000x32xf32, #tpu.memory_space<vmem_shared>>) offsets(%dma_start3A_279 : memref<200xi32, #tpu.memory_space<vmem>>) semaphore(%dma_start3A_284 : memref<!tpu.dma_semaphore, #tpu.memory_space<semaphore_mem>>) {add = true}
      %add3A_285 = arith.constant 4 : i32
      %add3A_286 = arith.addi %mul3A_164, %add3A_285 : i32
      %dma_wait3A_287 = arith.constant 4 : i32
      %dma_wait3A_288 = arith.constant 4 : i32
      %dma_wait3A_289 = arith.constant 0 : i32
      %dma_wait3A_290 = arith.constant 0 : i32
      %dma_wait3A_291 = tpu.memref_slice %arg8[%dma_wait3A_287, %dma_wait3A_289, %dma_wait3A_290] : memref<5x200x32xf32, #tpu.memory_space<vmem>> -> memref<1x200x32xf32, #tpu.memory_space<vmem>>
      %dma_wait3A_292 = tpu.memref_squeeze %dma_wait3A_291 : memref<1x200x32xf32, #tpu.memory_space<vmem>> -> memref<200x32xf32, #tpu.memory_space<vmem>>
      %dma_wait3A_293 = arith.constant 0 : i32
      %dma_wait3A_294 = tpu.memref_slice %arg6[%add3A_286, %dma_wait3A_293] : memref<50x200xi32, #tpu.memory_space<vmem>> -> memref<1x200xi32, #tpu.memory_space<vmem>>
      %dma_wait3A_295 = tpu.memref_squeeze %dma_wait3A_294 : memref<1x200xi32, #tpu.memory_space<vmem>> -> memref<200xi32, #tpu.memory_space<vmem>>
      %dma_wait3A_296 = arith.constant 0 : i32
      %dma_wait3A_297 = arith.constant 0 : i32
      %dma_wait3A_298 = tpu.memref_slice %arg2[%dma_wait3A_296, %dma_wait3A_297] : memref<10000x32xf32, #tpu.memory_space<hbm>> -> memref<10000x32xf32, #tpu.memory_space<hbm>>
      %dma_wait3A_299 = tpu.memref_slice %arg10[%dma_wait3A_288] : memref<5x!tpu.dma_semaphore, #tpu.memory_space<semaphore_mem>> -> memref<1x!tpu.dma_semaphore, #tpu.memory_space<semaphore_mem>>
      %dma_wait3A_300 = tpu.memref_squeeze %dma_wait3A_299 : memref<1x!tpu.dma_semaphore, #tpu.memory_space<semaphore_mem>> -> memref<!tpu.dma_semaphore, #tpu.memory_space<semaphore_mem>>
      tpu.wait_indirect_dma semaphore(%dma_wait3A_300 : memref<!tpu.dma_semaphore, #tpu.memory_space<semaphore_mem>>) src(%dma_wait3A_298 : memref<10000x32xf32, #tpu.memory_space<hbm>>) dst(%dma_wait3A_292 : memref<200x32xf32, #tpu.memory_space<vmem>>)
      %dma_start3A_301 = arith.constant 4 : i32
      %dma_start3A_302 = arith.constant 4 : i32
      %dma_start3A_303 = arith.constant 0 : i32
      %dma_start3A_304 = arith.constant 0 : i32
      %dma_start3A_305 = tpu.memref_slice %arg8[%dma_start3A_301, %dma_start3A_303, %dma_start3A_304] : memref<5x200x32xf32, #tpu.memory_space<vmem>> -> memref<1x200x32xf32, #tpu.memory_space<vmem>>
      %dma_start3A_306 = tpu.memref_squeeze %dma_start3A_305 : memref<1x200x32xf32, #tpu.memory_space<vmem>> -> memref<200x32xf32, #tpu.memory_space<vmem>>
      %dma_start3A_307 = arith.constant 0 : i32
      %dma_start3A_308 = tpu.memref_slice %arg7[%add3A_286, %dma_start3A_307] : memref<50x200xi32, #tpu.memory_space<vmem>> -> memref<1x200xi32, #tpu.memory_space<vmem>>
      %dma_start3A_309 = tpu.memref_squeeze %dma_start3A_308 : memref<1x200xi32, #tpu.memory_space<vmem>> -> memref<200xi32, #tpu.memory_space<vmem>>
      %dma_start3A_310 = arith.constant 0 : i32
      %dma_start3A_311 = arith.constant 0 : i32
      %dma_start3A_312 = tpu.memref_slice %arg9[%dma_start3A_310, %dma_start3A_311] : memref<10000x32xf32, #tpu.memory_space<vmem_shared>> -> memref<10000x32xf32, #tpu.memory_space<vmem_shared>>
      %dma_start3A_313 = tpu.memref_slice %arg11[%dma_start3A_302] : memref<5x!tpu.dma_semaphore, #tpu.memory_space<semaphore_mem>> -> memref<1x!tpu.dma_semaphore, #tpu.memory_space<semaphore_mem>>
      %dma_start3A_314 = tpu.memref_squeeze %dma_start3A_313 : memref<1x!tpu.dma_semaphore, #tpu.memory_space<semaphore_mem>> -> memref<!tpu.dma_semaphore, #tpu.memory_space<semaphore_mem>>
      tpu.enqueue_indirect_dma source(%dma_start3A_306 : memref<200x32xf32, #tpu.memory_space<vmem>>) target(%dma_start3A_312 : memref<10000x32xf32, #tpu.memory_space<vmem_shared>>) offsets(%dma_start3A_309 : memref<200xi32, #tpu.memory_space<vmem>>) semaphore(%dma_start3A_314 : memref<!tpu.dma_semaphore, #tpu.memory_space<semaphore_mem>>) {add = true}
      %add3A_315 = arith.constant 5 : i32
      %add3A_316 = arith.addi %mul3A_164, %add3A_315 : i32
      %add3A_317 = arith.constant 0 : i32
      %add3A_318 = arith.addi %add3A_316, %add3A_317 : i32
      %lt3A = arith.constant 50 : i32
      %lt3A_319 = arith.cmpi slt, %add3A_318, %lt3A : i32
      %convert_element_type3A = arith.extui %lt3A_319 : i1 to i32
      %cond3A = arith.constant 0 : i32
      %cond3A_320 = arith.cmpi ne, %convert_element_type3A, %cond3A : i32
      scf.if %cond3A_320 {
        %add3A_357 = arith.constant 0 : i32
        %add3A_358 = arith.addi %mul3A_164, %add3A_357 : i32
        %dma_wait3A_359 = arith.constant 0 : i32
        %dma_wait3A_360 = arith.constant 0 : i32
        %dma_wait3A_361 = arith.constant 0 : i32
        %dma_wait3A_362 = arith.constant 0 : i32
        %dma_wait3A_363 = tpu.memref_slice %arg8[%dma_wait3A_359, %dma_wait3A_361, %dma_wait3A_362] : memref<5x200x32xf32, #tpu.memory_space<vmem>> -> memref<1x200x32xf32, #tpu.memory_space<vmem>>
        %dma_wait3A_364 = tpu.memref_squeeze %dma_wait3A_363 : memref<1x200x32xf32, #tpu.memory_space<vmem>> -> memref<200x32xf32, #tpu.memory_space<vmem>>
        %dma_wait3A_365 = arith.constant 0 : i32
        %dma_wait3A_366 = tpu.memref_slice %arg7[%add3A_358, %dma_wait3A_365] : memref<50x200xi32, #tpu.memory_space<vmem>> -> memref<1x200xi32, #tpu.memory_space<vmem>>
        %dma_wait3A_367 = tpu.memref_squeeze %dma_wait3A_366 : memref<1x200xi32, #tpu.memory_space<vmem>> -> memref<200xi32, #tpu.memory_space<vmem>>
        %dma_wait3A_368 = arith.constant 0 : i32
        %dma_wait3A_369 = arith.constant 0 : i32
        %dma_wait3A_370 = tpu.memref_slice %arg9[%dma_wait3A_368, %dma_wait3A_369] : memref<10000x32xf32, #tpu.memory_space<vmem_shared>> -> memref<10000x32xf32, #tpu.memory_space<vmem_shared>>
        %dma_wait3A_371 = tpu.memref_slice %arg11[%dma_wait3A_360] : memref<5x!tpu.dma_semaphore, #tpu.memory_space<semaphore_mem>> -> memref<1x!tpu.dma_semaphore, #tpu.memory_space<semaphore_mem>>
        %dma_wait3A_372 = tpu.memref_squeeze %dma_wait3A_371 : memref<1x!tpu.dma_semaphore, #tpu.memory_space<semaphore_mem>> -> memref<!tpu.dma_semaphore, #tpu.memory_space<semaphore_mem>>
        tpu.wait_indirect_dma semaphore(%dma_wait3A_372 : memref<!tpu.dma_semaphore, #tpu.memory_space<semaphore_mem>>) src(%dma_wait3A_364 : memref<200x32xf32, #tpu.memory_space<vmem>>) dst(%dma_wait3A_370 : memref<10000x32xf32, #tpu.memory_space<vmem_shared>>)
        %dma_start3A_373 = arith.constant 0 : i32
        %dma_start3A_374 = arith.constant 0 : i32
        %dma_start3A_375 = arith.constant 0 : i32
        %dma_start3A_376 = arith.constant 0 : i32
        %dma_start3A_377 = tpu.memref_slice %arg8[%dma_start3A_373, %dma_start3A_375, %dma_start3A_376] : memref<5x200x32xf32, #tpu.memory_space<vmem>> -> memref<1x200x32xf32, #tpu.memory_space<vmem>>
        %dma_start3A_378 = tpu.memref_squeeze %dma_start3A_377 : memref<1x200x32xf32, #tpu.memory_space<vmem>> -> memref<200x32xf32, #tpu.memory_space<vmem>>
        %dma_start3A_379 = arith.constant 0 : i32
        %dma_start3A_380 = tpu.memref_slice %arg6[%add3A_318, %dma_start3A_379] : memref<50x200xi32, #tpu.memory_space<vmem>> -> memref<1x200xi32, #tpu.memory_space<vmem>>
        %dma_start3A_381 = tpu.memref_squeeze %dma_start3A_380 : memref<1x200xi32, #tpu.memory_space<vmem>> -> memref<200xi32, #tpu.memory_space<vmem>>
        %dma_start3A_382 = arith.constant 0 : i32
        %dma_start3A_383 = arith.constant 0 : i32
        %dma_start3A_384 = tpu.memref_slice %arg2[%dma_start3A_382, %dma_start3A_383] : memref<10000x32xf32, #tpu.memory_space<hbm>> -> memref<10000x32xf32, #tpu.memory_space<hbm>>
        %dma_start3A_385 = tpu.memref_slice %arg10[%dma_start3A_374] : memref<5x!tpu.dma_semaphore, #tpu.memory_space<semaphore_mem>> -> memref<1x!tpu.dma_semaphore, #tpu.memory_space<semaphore_mem>>
        %dma_start3A_386 = tpu.memref_squeeze %dma_start3A_385 : memref<1x!tpu.dma_semaphore, #tpu.memory_space<semaphore_mem>> -> memref<!tpu.dma_semaphore, #tpu.memory_space<semaphore_mem>>
        tpu.enqueue_indirect_dma source(%dma_start3A_384 : memref<10000x32xf32, #tpu.memory_space<hbm>>) target(%dma_start3A_378 : memref<200x32xf32, #tpu.memory_space<vmem>>) offsets(%dma_start3A_381 : memref<200xi32, #tpu.memory_space<vmem>>) semaphore(%dma_start3A_386 : memref<!tpu.dma_semaphore, #tpu.memory_space<semaphore_mem>>)
      } else {
      }
      %add3A_321 = arith.constant 5 : i32
      %add3A_322 = arith.addi %mul3A_164, %add3A_321 : i32
      %add3A_323 = arith.constant 1 : i32
      %add3A_324 = arith.addi %add3A_322, %add3A_323 : i32
      %lt3A_325 = arith.constant 50 : i32
      %lt3A_326 = arith.cmpi slt, %add3A_324, %lt3A_325 : i32
      %convert_element_type3A_327 = arith.extui %lt3A_326 : i1 to i32
      %cond3A_328 = arith.constant 0 : i32
      %cond3A_329 = arith.cmpi ne, %convert_element_type3A_327, %cond3A_328 : i32
      scf.if %cond3A_329 {
        %add3A_357 = arith.constant 1 : i32
        %add3A_358 = arith.addi %mul3A_164, %add3A_357 : i32
        %dma_wait3A_359 = arith.constant 1 : i32
        %dma_wait3A_360 = arith.constant 1 : i32
        %dma_wait3A_361 = arith.constant 0 : i32
        %dma_wait3A_362 = arith.constant 0 : i32
        %dma_wait3A_363 = tpu.memref_slice %arg8[%dma_wait3A_359, %dma_wait3A_361, %dma_wait3A_362] : memref<5x200x32xf32, #tpu.memory_space<vmem>> -> memref<1x200x32xf32, #tpu.memory_space<vmem>>
        %dma_wait3A_364 = tpu.memref_squeeze %dma_wait3A_363 : memref<1x200x32xf32, #tpu.memory_space<vmem>> -> memref<200x32xf32, #tpu.memory_space<vmem>>
        %dma_wait3A_365 = arith.constant 0 : i32
        %dma_wait3A_366 = tpu.memref_slice %arg7[%add3A_358, %dma_wait3A_365] : memref<50x200xi32, #tpu.memory_space<vmem>> -> memref<1x200xi32, #tpu.memory_space<vmem>>
        %dma_wait3A_367 = tpu.memref_squeeze %dma_wait3A_366 : memref<1x200xi32, #tpu.memory_space<vmem>> -> memref<200xi32, #tpu.memory_space<vmem>>
        %dma_wait3A_368 = arith.constant 0 : i32
        %dma_wait3A_369 = arith.constant 0 : i32
        %dma_wait3A_370 = tpu.memref_slice %arg9[%dma_wait3A_368, %dma_wait3A_369] : memref<10000x32xf32, #tpu.memory_space<vmem_shared>> -> memref<10000x32xf32, #tpu.memory_space<vmem_shared>>
        %dma_wait3A_371 = tpu.memref_slice %arg11[%dma_wait3A_360] : memref<5x!tpu.dma_semaphore, #tpu.memory_space<semaphore_mem>> -> memref<1x!tpu.dma_semaphore, #tpu.memory_space<semaphore_mem>>
        %dma_wait3A_372 = tpu.memref_squeeze %dma_wait3A_371 : memref<1x!tpu.dma_semaphore, #tpu.memory_space<semaphore_mem>> -> memref<!tpu.dma_semaphore, #tpu.memory_space<semaphore_mem>>
        tpu.wait_indirect_dma semaphore(%dma_wait3A_372 : memref<!tpu.dma_semaphore, #tpu.memory_space<semaphore_mem>>) src(%dma_wait3A_364 : memref<200x32xf32, #tpu.memory_space<vmem>>) dst(%dma_wait3A_370 : memref<10000x32xf32, #tpu.memory_space<vmem_shared>>)
        %dma_start3A_373 = arith.constant 1 : i32
        %dma_start3A_374 = arith.constant 1 : i32
        %dma_start3A_375 = arith.constant 0 : i32
        %dma_start3A_376 = arith.constant 0 : i32
        %dma_start3A_377 = tpu.memref_slice %arg8[%dma_start3A_373, %dma_start3A_375, %dma_start3A_376] : memref<5x200x32xf32, #tpu.memory_space<vmem>> -> memref<1x200x32xf32, #tpu.memory_space<vmem>>
        %dma_start3A_378 = tpu.memref_squeeze %dma_start3A_377 : memref<1x200x32xf32, #tpu.memory_space<vmem>> -> memref<200x32xf32, #tpu.memory_space<vmem>>
        %dma_start3A_379 = arith.constant 0 : i32
        %dma_start3A_380 = tpu.memref_slice %arg6[%add3A_324, %dma_start3A_379] : memref<50x200xi32, #tpu.memory_space<vmem>> -> memref<1x200xi32, #tpu.memory_space<vmem>>
        %dma_start3A_381 = tpu.memref_squeeze %dma_start3A_380 : memref<1x200xi32, #tpu.memory_space<vmem>> -> memref<200xi32, #tpu.memory_space<vmem>>
        %dma_start3A_382 = arith.constant 0 : i32
        %dma_start3A_383 = arith.constant 0 : i32
        %dma_start3A_384 = tpu.memref_slice %arg2[%dma_start3A_382, %dma_start3A_383] : memref<10000x32xf32, #tpu.memory_space<hbm>> -> memref<10000x32xf32, #tpu.memory_space<hbm>>
        %dma_start3A_385 = tpu.memref_slice %arg10[%dma_start3A_374] : memref<5x!tpu.dma_semaphore, #tpu.memory_space<semaphore_mem>> -> memref<1x!tpu.dma_semaphore, #tpu.memory_space<semaphore_mem>>
        %dma_start3A_386 = tpu.memref_squeeze %dma_start3A_385 : memref<1x!tpu.dma_semaphore, #tpu.memory_space<semaphore_mem>> -> memref<!tpu.dma_semaphore, #tpu.memory_space<semaphore_mem>>
        tpu.enqueue_indirect_dma source(%dma_start3A_384 : memref<10000x32xf32, #tpu.memory_space<hbm>>) target(%dma_start3A_378 : memref<200x32xf32, #tpu.memory_space<vmem>>) offsets(%dma_start3A_381 : memref<200xi32, #tpu.memory_space<vmem>>) semaphore(%dma_start3A_386 : memref<!tpu.dma_semaphore, #tpu.memory_space<semaphore_mem>>)
      } else {
      }
      %add3A_330 = arith.constant 5 : i32
      %add3A_331 = arith.addi %mul3A_164, %add3A_330 : i32
      %add3A_332 = arith.constant 2 : i32
      %add3A_333 = arith.addi %add3A_331, %add3A_332 : i32
      %lt3A_334 = arith.constant 50 : i32
      %lt3A_335 = arith.cmpi slt, %add3A_333, %lt3A_334 : i32
      %convert_element_type3A_336 = arith.extui %lt3A_335 : i1 to i32
      %cond3A_337 = arith.constant 0 : i32
      %cond3A_338 = arith.cmpi ne, %convert_element_type3A_336, %cond3A_337 : i32
      scf.if %cond3A_338 {
        %add3A_357 = arith.constant 2 : i32
        %add3A_358 = arith.addi %mul3A_164, %add3A_357 : i32
        %dma_wait3A_359 = arith.constant 2 : i32
        %dma_wait3A_360 = arith.constant 2 : i32
        %dma_wait3A_361 = arith.constant 0 : i32
        %dma_wait3A_362 = arith.constant 0 : i32
        %dma_wait3A_363 = tpu.memref_slice %arg8[%dma_wait3A_359, %dma_wait3A_361, %dma_wait3A_362] : memref<5x200x32xf32, #tpu.memory_space<vmem>> -> memref<1x200x32xf32, #tpu.memory_space<vmem>>
        %dma_wait3A_364 = tpu.memref_squeeze %dma_wait3A_363 : memref<1x200x32xf32, #tpu.memory_space<vmem>> -> memref<200x32xf32, #tpu.memory_space<vmem>>
        %dma_wait3A_365 = arith.constant 0 : i32
        %dma_wait3A_366 = tpu.memref_slice %arg7[%add3A_358, %dma_wait3A_365] : memref<50x200xi32, #tpu.memory_space<vmem>> -> memref<1x200xi32, #tpu.memory_space<vmem>>
        %dma_wait3A_367 = tpu.memref_squeeze %dma_wait3A_366 : memref<1x200xi32, #tpu.memory_space<vmem>> -> memref<200xi32, #tpu.memory_space<vmem>>
        %dma_wait3A_368 = arith.constant 0 : i32
        %dma_wait3A_369 = arith.constant 0 : i32
        %dma_wait3A_370 = tpu.memref_slice %arg9[%dma_wait3A_368, %dma_wait3A_369] : memref<10000x32xf32, #tpu.memory_space<vmem_shared>> -> memref<10000x32xf32, #tpu.memory_space<vmem_shared>>
        %dma_wait3A_371 = tpu.memref_slice %arg11[%dma_wait3A_360] : memref<5x!tpu.dma_semaphore, #tpu.memory_space<semaphore_mem>> -> memref<1x!tpu.dma_semaphore, #tpu.memory_space<semaphore_mem>>
        %dma_wait3A_372 = tpu.memref_squeeze %dma_wait3A_371 : memref<1x!tpu.dma_semaphore, #tpu.memory_space<semaphore_mem>> -> memref<!tpu.dma_semaphore, #tpu.memory_space<semaphore_mem>>
        tpu.wait_indirect_dma semaphore(%dma_wait3A_372 : memref<!tpu.dma_semaphore, #tpu.memory_space<semaphore_mem>>) src(%dma_wait3A_364 : memref<200x32xf32, #tpu.memory_space<vmem>>) dst(%dma_wait3A_370 : memref<10000x32xf32, #tpu.memory_space<vmem_shared>>)
        %dma_start3A_373 = arith.constant 2 : i32
        %dma_start3A_374 = arith.constant 2 : i32
        %dma_start3A_375 = arith.constant 0 : i32
        %dma_start3A_376 = arith.constant 0 : i32
        %dma_start3A_377 = tpu.memref_slice %arg8[%dma_start3A_373, %dma_start3A_375, %dma_start3A_376] : memref<5x200x32xf32, #tpu.memory_space<vmem>> -> memref<1x200x32xf32, #tpu.memory_space<vmem>>
        %dma_start3A_378 = tpu.memref_squeeze %dma_start3A_377 : memref<1x200x32xf32, #tpu.memory_space<vmem>> -> memref<200x32xf32, #tpu.memory_space<vmem>>
        %dma_start3A_379 = arith.constant 0 : i32
        %dma_start3A_380 = tpu.memref_slice %arg6[%add3A_333, %dma_start3A_379] : memref<50x200xi32, #tpu.memory_space<vmem>> -> memref<1x200xi32, #tpu.memory_space<vmem>>
        %dma_start3A_381 = tpu.memref_squeeze %dma_start3A_380 : memref<1x200xi32, #tpu.memory_space<vmem>> -> memref<200xi32, #tpu.memory_space<vmem>>
        %dma_start3A_382 = arith.constant 0 : i32
        %dma_start3A_383 = arith.constant 0 : i32
        %dma_start3A_384 = tpu.memref_slice %arg2[%dma_start3A_382, %dma_start3A_383] : memref<10000x32xf32, #tpu.memory_space<hbm>> -> memref<10000x32xf32, #tpu.memory_space<hbm>>
        %dma_start3A_385 = tpu.memref_slice %arg10[%dma_start3A_374] : memref<5x!tpu.dma_semaphore, #tpu.memory_space<semaphore_mem>> -> memref<1x!tpu.dma_semaphore, #tpu.memory_space<semaphore_mem>>
        %dma_start3A_386 = tpu.memref_squeeze %dma_start3A_385 : memref<1x!tpu.dma_semaphore, #tpu.memory_space<semaphore_mem>> -> memref<!tpu.dma_semaphore, #tpu.memory_space<semaphore_mem>>
        tpu.enqueue_indirect_dma source(%dma_start3A_384 : memref<10000x32xf32, #tpu.memory_space<hbm>>) target(%dma_start3A_378 : memref<200x32xf32, #tpu.memory_space<vmem>>) offsets(%dma_start3A_381 : memref<200xi32, #tpu.memory_space<vmem>>) semaphore(%dma_start3A_386 : memref<!tpu.dma_semaphore, #tpu.memory_space<semaphore_mem>>)
      } else {
      }
      %add3A_339 = arith.constant 5 : i32
      %add3A_340 = arith.addi %mul3A_164, %add3A_339 : i32
      %add3A_341 = arith.constant 3 : i32
      %add3A_342 = arith.addi %add3A_340, %add3A_341 : i32
      %lt3A_343 = arith.constant 50 : i32
      %lt3A_344 = arith.cmpi slt, %add3A_342, %lt3A_343 : i32
      %convert_element_type3A_345 = arith.extui %lt3A_344 : i1 to i32
      %cond3A_346 = arith.constant 0 : i32
      %cond3A_347 = arith.cmpi ne, %convert_element_type3A_345, %cond3A_346 : i32
      scf.if %cond3A_347 {
        %add3A_357 = arith.constant 3 : i32
        %add3A_358 = arith.addi %mul3A_164, %add3A_357 : i32
        %dma_wait3A_359 = arith.constant 3 : i32
        %dma_wait3A_360 = arith.constant 3 : i32
        %dma_wait3A_361 = arith.constant 0 : i32
        %dma_wait3A_362 = arith.constant 0 : i32
        %dma_wait3A_363 = tpu.memref_slice %arg8[%dma_wait3A_359, %dma_wait3A_361, %dma_wait3A_362] : memref<5x200x32xf32, #tpu.memory_space<vmem>> -> memref<1x200x32xf32, #tpu.memory_space<vmem>>
        %dma_wait3A_364 = tpu.memref_squeeze %dma_wait3A_363 : memref<1x200x32xf32, #tpu.memory_space<vmem>> -> memref<200x32xf32, #tpu.memory_space<vmem>>
        %dma_wait3A_365 = arith.constant 0 : i32
        %dma_wait3A_366 = tpu.memref_slice %arg7[%add3A_358, %dma_wait3A_365] : memref<50x200xi32, #tpu.memory_space<vmem>> -> memref<1x200xi32, #tpu.memory_space<vmem>>
        %dma_wait3A_367 = tpu.memref_squeeze %dma_wait3A_366 : memref<1x200xi32, #tpu.memory_space<vmem>> -> memref<200xi32, #tpu.memory_space<vmem>>
        %dma_wait3A_368 = arith.constant 0 : i32
        %dma_wait3A_369 = arith.constant 0 : i32
        %dma_wait3A_370 = tpu.memref_slice %arg9[%dma_wait3A_368, %dma_wait3A_369] : memref<10000x32xf32, #tpu.memory_space<vmem_shared>> -> memref<10000x32xf32, #tpu.memory_space<vmem_shared>>
        %dma_wait3A_371 = tpu.memref_slice %arg11[%dma_wait3A_360] : memref<5x!tpu.dma_semaphore, #tpu.memory_space<semaphore_mem>> -> memref<1x!tpu.dma_semaphore, #tpu.memory_space<semaphore_mem>>
        %dma_wait3A_372 = tpu.memref_squeeze %dma_wait3A_371 : memref<1x!tpu.dma_semaphore, #tpu.memory_space<semaphore_mem>> -> memref<!tpu.dma_semaphore, #tpu.memory_space<semaphore_mem>>
        tpu.wait_indirect_dma semaphore(%dma_wait3A_372 : memref<!tpu.dma_semaphore, #tpu.memory_space<semaphore_mem>>) src(%dma_wait3A_364 : memref<200x32xf32, #tpu.memory_space<vmem>>) dst(%dma_wait3A_370 : memref<10000x32xf32, #tpu.memory_space<vmem_shared>>)
        %dma_start3A_373 = arith.constant 3 : i32
        %dma_start3A_374 = arith.constant 3 : i32
        %dma_start3A_375 = arith.constant 0 : i32
        %dma_start3A_376 = arith.constant 0 : i32
        %dma_start3A_377 = tpu.memref_slice %arg8[%dma_start3A_373, %dma_start3A_375, %dma_start3A_376] : memref<5x200x32xf32, #tpu.memory_space<vmem>> -> memref<1x200x32xf32, #tpu.memory_space<vmem>>
        %dma_start3A_378 = tpu.memref_squeeze %dma_start3A_377 : memref<1x200x32xf32, #tpu.memory_space<vmem>> -> memref<200x32xf32, #tpu.memory_space<vmem>>
        %dma_start3A_379 = arith.constant 0 : i32
        %dma_start3A_380 = tpu.memref_slice %arg6[%add3A_342, %dma_start3A_379] : memref<50x200xi32, #tpu.memory_space<vmem>> -> memref<1x200xi32, #tpu.memory_space<vmem>>
        %dma_start3A_381 = tpu.memref_squeeze %dma_start3A_380 : memref<1x200xi32, #tpu.memory_space<vmem>> -> memref<200xi32, #tpu.memory_space<vmem>>
        %dma_start3A_382 = arith.constant 0 : i32
        %dma_start3A_383 = arith.constant 0 : i32
        %dma_start3A_384 = tpu.memref_slice %arg2[%dma_start3A_382, %dma_start3A_383] : memref<10000x32xf32, #tpu.memory_space<hbm>> -> memref<10000x32xf32, #tpu.memory_space<hbm>>
        %dma_start3A_385 = tpu.memref_slice %arg10[%dma_start3A_374] : memref<5x!tpu.dma_semaphore, #tpu.memory_space<semaphore_mem>> -> memref<1x!tpu.dma_semaphore, #tpu.memory_space<semaphore_mem>>
        %dma_start3A_386 = tpu.memref_squeeze %dma_start3A_385 : memref<1x!tpu.dma_semaphore, #tpu.memory_space<semaphore_mem>> -> memref<!tpu.dma_semaphore, #tpu.memory_space<semaphore_mem>>
        tpu.enqueue_indirect_dma source(%dma_start3A_384 : memref<10000x32xf32, #tpu.memory_space<hbm>>) target(%dma_start3A_378 : memref<200x32xf32, #tpu.memory_space<vmem>>) offsets(%dma_start3A_381 : memref<200xi32, #tpu.memory_space<vmem>>) semaphore(%dma_start3A_386 : memref<!tpu.dma_semaphore, #tpu.memory_space<semaphore_mem>>)
      } else {
      }
      %add3A_348 = arith.constant 5 : i32
      %add3A_349 = arith.addi %mul3A_164, %add3A_348 : i32
      %add3A_350 = arith.constant 4 : i32
      %add3A_351 = arith.addi %add3A_349, %add3A_350 : i32
      %lt3A_352 = arith.constant 50 : i32
      %lt3A_353 = arith.cmpi slt, %add3A_351, %lt3A_352 : i32
      %convert_element_type3A_354 = arith.extui %lt3A_353 : i1 to i32
      %cond3A_355 = arith.constant 0 : i32
      %cond3A_356 = arith.cmpi ne, %convert_element_type3A_354, %cond3A_355 : i32
      scf.if %cond3A_356 {
        %add3A_357 = arith.constant 4 : i32
        %add3A_358 = arith.addi %mul3A_164, %add3A_357 : i32
        %dma_wait3A_359 = arith.constant 4 : i32
        %dma_wait3A_360 = arith.constant 4 : i32
        %dma_wait3A_361 = arith.constant 0 : i32
        %dma_wait3A_362 = arith.constant 0 : i32
        %dma_wait3A_363 = tpu.memref_slice %arg8[%dma_wait3A_359, %dma_wait3A_361, %dma_wait3A_362] : memref<5x200x32xf32, #tpu.memory_space<vmem>> -> memref<1x200x32xf32, #tpu.memory_space<vmem>>
        %dma_wait3A_364 = tpu.memref_squeeze %dma_wait3A_363 : memref<1x200x32xf32, #tpu.memory_space<vmem>> -> memref<200x32xf32, #tpu.memory_space<vmem>>
        %dma_wait3A_365 = arith.constant 0 : i32
        %dma_wait3A_366 = tpu.memref_slice %arg7[%add3A_358, %dma_wait3A_365] : memref<50x200xi32, #tpu.memory_space<vmem>> -> memref<1x200xi32, #tpu.memory_space<vmem>>
        %dma_wait3A_367 = tpu.memref_squeeze %dma_wait3A_366 : memref<1x200xi32, #tpu.memory_space<vmem>> -> memref<200xi32, #tpu.memory_space<vmem>>
        %dma_wait3A_368 = arith.constant 0 : i32
        %dma_wait3A_369 = arith.constant 0 : i32
        %dma_wait3A_370 = tpu.memref_slice %arg9[%dma_wait3A_368, %dma_wait3A_369] : memref<10000x32xf32, #tpu.memory_space<vmem_shared>> -> memref<10000x32xf32, #tpu.memory_space<vmem_shared>>
        %dma_wait3A_371 = tpu.memref_slice %arg11[%dma_wait3A_360] : memref<5x!tpu.dma_semaphore, #tpu.memory_space<semaphore_mem>> -> memref<1x!tpu.dma_semaphore, #tpu.memory_space<semaphore_mem>>
        %dma_wait3A_372 = tpu.memref_squeeze %dma_wait3A_371 : memref<1x!tpu.dma_semaphore, #tpu.memory_space<semaphore_mem>> -> memref<!tpu.dma_semaphore, #tpu.memory_space<semaphore_mem>>
        tpu.wait_indirect_dma semaphore(%dma_wait3A_372 : memref<!tpu.dma_semaphore, #tpu.memory_space<semaphore_mem>>) src(%dma_wait3A_364 : memref<200x32xf32, #tpu.memory_space<vmem>>) dst(%dma_wait3A_370 : memref<10000x32xf32, #tpu.memory_space<vmem_shared>>)
        %dma_start3A_373 = arith.constant 4 : i32
        %dma_start3A_374 = arith.constant 4 : i32
        %dma_start3A_375 = arith.constant 0 : i32
        %dma_start3A_376 = arith.constant 0 : i32
        %dma_start3A_377 = tpu.memref_slice %arg8[%dma_start3A_373, %dma_start3A_375, %dma_start3A_376] : memref<5x200x32xf32, #tpu.memory_space<vmem>> -> memref<1x200x32xf32, #tpu.memory_space<vmem>>
        %dma_start3A_378 = tpu.memref_squeeze %dma_start3A_377 : memref<1x200x32xf32, #tpu.memory_space<vmem>> -> memref<200x32xf32, #tpu.memory_space<vmem>>
        %dma_start3A_379 = arith.constant 0 : i32
        %dma_start3A_380 = tpu.memref_slice %arg6[%add3A_351, %dma_start3A_379] : memref<50x200xi32, #tpu.memory_space<vmem>> -> memref<1x200xi32, #tpu.memory_space<vmem>>
        %dma_start3A_381 = tpu.memref_squeeze %dma_start3A_380 : memref<1x200xi32, #tpu.memory_space<vmem>> -> memref<200xi32, #tpu.memory_space<vmem>>
        %dma_start3A_382 = arith.constant 0 : i32
        %dma_start3A_383 = arith.constant 0 : i32
        %dma_start3A_384 = tpu.memref_slice %arg2[%dma_start3A_382, %dma_start3A_383] : memref<10000x32xf32, #tpu.memory_space<hbm>> -> memref<10000x32xf32, #tpu.memory_space<hbm>>
        %dma_start3A_385 = tpu.memref_slice %arg10[%dma_start3A_374] : memref<5x!tpu.dma_semaphore, #tpu.memory_space<semaphore_mem>> -> memref<1x!tpu.dma_semaphore, #tpu.memory_space<semaphore_mem>>
        %dma_start3A_386 = tpu.memref_squeeze %dma_start3A_385 : memref<1x!tpu.dma_semaphore, #tpu.memory_space<semaphore_mem>> -> memref<!tpu.dma_semaphore, #tpu.memory_space<semaphore_mem>>
        tpu.enqueue_indirect_dma source(%dma_start3A_384 : memref<10000x32xf32, #tpu.memory_space<hbm>>) target(%dma_start3A_378 : memref<200x32xf32, #tpu.memory_space<vmem>>) offsets(%dma_start3A_381 : memref<200xi32, #tpu.memory_space<vmem>>) semaphore(%dma_start3A_386 : memref<!tpu.dma_semaphore, #tpu.memory_space<semaphore_mem>>)
      } else {
      }
    }
    %scan3A_86 = arith.constant 10 : i32
    %dma_wait3A = arith.constant 0 : i32
    %dma_wait3A_87 = arith.constant 45 : i32
    %dma_wait3A_88 = arith.constant 0 : i32
    %dma_wait3A_89 = arith.constant 0 : i32
    %dma_wait3A_90 = arith.constant 0 : i32
    %dma_wait3A_91 = tpu.memref_slice %arg8[%dma_wait3A, %dma_wait3A_89, %dma_wait3A_90] : memref<5x200x32xf32, #tpu.memory_space<vmem>> -> memref<1x200x32xf32, #tpu.memory_space<vmem>>
    %dma_wait3A_92 = tpu.memref_squeeze %dma_wait3A_91 : memref<1x200x32xf32, #tpu.memory_space<vmem>> -> memref<200x32xf32, #tpu.memory_space<vmem>>
    %dma_wait3A_93 = arith.constant 0 : i32
    %dma_wait3A_94 = tpu.memref_slice %arg7[%dma_wait3A_87, %dma_wait3A_93] : memref<50x200xi32, #tpu.memory_space<vmem>> -> memref<1x200xi32, #tpu.memory_space<vmem>>
    %dma_wait3A_95 = tpu.memref_squeeze %dma_wait3A_94 : memref<1x200xi32, #tpu.memory_space<vmem>> -> memref<200xi32, #tpu.memory_space<vmem>>
    %dma_wait3A_96 = arith.constant 0 : i32
    %dma_wait3A_97 = arith.constant 0 : i32
    %dma_wait3A_98 = tpu.memref_slice %arg9[%dma_wait3A_96, %dma_wait3A_97] : memref<10000x32xf32, #tpu.memory_space<vmem_shared>> -> memref<10000x32xf32, #tpu.memory_space<vmem_shared>>
    %dma_wait3A_99 = tpu.memref_slice %arg11[%dma_wait3A_88] : memref<5x!tpu.dma_semaphore, #tpu.memory_space<semaphore_mem>> -> memref<1x!tpu.dma_semaphore, #tpu.memory_space<semaphore_mem>>
    %dma_wait3A_100 = tpu.memref_squeeze %dma_wait3A_99 : memref<1x!tpu.dma_semaphore, #tpu.memory_space<semaphore_mem>> -> memref<!tpu.dma_semaphore, #tpu.memory_space<semaphore_mem>>
    tpu.wait_indirect_dma semaphore(%dma_wait3A_100 : memref<!tpu.dma_semaphore, #tpu.memory_space<semaphore_mem>>) src(%dma_wait3A_92 : memref<200x32xf32, #tpu.memory_space<vmem>>) dst(%dma_wait3A_98 : memref<10000x32xf32, #tpu.memory_space<vmem_shared>>)
    %dma_wait3A_101 = arith.constant 1 : i32
    %dma_wait3A_102 = arith.constant 46 : i32
    %dma_wait3A_103 = arith.constant 1 : i32
    %dma_wait3A_104 = arith.constant 0 : i32
    %dma_wait3A_105 = arith.constant 0 : i32
    %dma_wait3A_106 = tpu.memref_slice %arg8[%dma_wait3A_101, %dma_wait3A_104, %dma_wait3A_105] : memref<5x200x32xf32, #tpu.memory_space<vmem>> -> memref<1x200x32xf32, #tpu.memory_space<vmem>>
    %dma_wait3A_107 = tpu.memref_squeeze %dma_wait3A_106 : memref<1x200x32xf32, #tpu.memory_space<vmem>> -> memref<200x32xf32, #tpu.memory_space<vmem>>
    %dma_wait3A_108 = arith.constant 0 : i32
    %dma_wait3A_109 = tpu.memref_slice %arg7[%dma_wait3A_102, %dma_wait3A_108] : memref<50x200xi32, #tpu.memory_space<vmem>> -> memref<1x200xi32, #tpu.memory_space<vmem>>
    %dma_wait3A_110 = tpu.memref_squeeze %dma_wait3A_109 : memref<1x200xi32, #tpu.memory_space<vmem>> -> memref<200xi32, #tpu.memory_space<vmem>>
    %dma_wait3A_111 = arith.constant 0 : i32
    %dma_wait3A_112 = arith.constant 0 : i32
    %dma_wait3A_113 = tpu.memref_slice %arg9[%dma_wait3A_111, %dma_wait3A_112] : memref<10000x32xf32, #tpu.memory_space<vmem_shared>> -> memref<10000x32xf32, #tpu.memory_space<vmem_shared>>
    %dma_wait3A_114 = tpu.memref_slice %arg11[%dma_wait3A_103] : memref<5x!tpu.dma_semaphore, #tpu.memory_space<semaphore_mem>> -> memref<1x!tpu.dma_semaphore, #tpu.memory_space<semaphore_mem>>
    %dma_wait3A_115 = tpu.memref_squeeze %dma_wait3A_114 : memref<1x!tpu.dma_semaphore, #tpu.memory_space<semaphore_mem>> -> memref<!tpu.dma_semaphore, #tpu.memory_space<semaphore_mem>>
    tpu.wait_indirect_dma semaphore(%dma_wait3A_115 : memref<!tpu.dma_semaphore, #tpu.memory_space<semaphore_mem>>) src(%dma_wait3A_107 : memref<200x32xf32, #tpu.memory_space<vmem>>) dst(%dma_wait3A_113 : memref<10000x32xf32, #tpu.memory_space<vmem_shared>>)
    %dma_wait3A_116 = arith.constant 2 : i32
    %dma_wait3A_117 = arith.constant 47 : i32
    %dma_wait3A_118 = arith.constant 2 : i32
    %dma_wait3A_119 = arith.constant 0 : i32
    %dma_wait3A_120 = arith.constant 0 : i32
    %dma_wait3A_121 = tpu.memref_slice %arg8[%dma_wait3A_116, %dma_wait3A_119, %dma_wait3A_120] : memref<5x200x32xf32, #tpu.memory_space<vmem>> -> memref<1x200x32xf32, #tpu.memory_space<vmem>>
    %dma_wait3A_122 = tpu.memref_squeeze %dma_wait3A_121 : memref<1x200x32xf32, #tpu.memory_space<vmem>> -> memref<200x32xf32, #tpu.memory_space<vmem>>
    %dma_wait3A_123 = arith.constant 0 : i32
    %dma_wait3A_124 = tpu.memref_slice %arg7[%dma_wait3A_117, %dma_wait3A_123] : memref<50x200xi32, #tpu.memory_space<vmem>> -> memref<1x200xi32, #tpu.memory_space<vmem>>
    %dma_wait3A_125 = tpu.memref_squeeze %dma_wait3A_124 : memref<1x200xi32, #tpu.memory_space<vmem>> -> memref<200xi32, #tpu.memory_space<vmem>>
    %dma_wait3A_126 = arith.constant 0 : i32
    %dma_wait3A_127 = arith.constant 0 : i32
    %dma_wait3A_128 = tpu.memref_slice %arg9[%dma_wait3A_126, %dma_wait3A_127] : memref<10000x32xf32, #tpu.memory_space<vmem_shared>> -> memref<10000x32xf32, #tpu.memory_space<vmem_shared>>
    %dma_wait3A_129 = tpu.memref_slice %arg11[%dma_wait3A_118] : memref<5x!tpu.dma_semaphore, #tpu.memory_space<semaphore_mem>> -> memref<1x!tpu.dma_semaphore, #tpu.memory_space<semaphore_mem>>
    %dma_wait3A_130 = tpu.memref_squeeze %dma_wait3A_129 : memref<1x!tpu.dma_semaphore, #tpu.memory_space<semaphore_mem>> -> memref<!tpu.dma_semaphore, #tpu.memory_space<semaphore_mem>>
    tpu.wait_indirect_dma semaphore(%dma_wait3A_130 : memref<!tpu.dma_semaphore, #tpu.memory_space<semaphore_mem>>) src(%dma_wait3A_122 : memref<200x32xf32, #tpu.memory_space<vmem>>) dst(%dma_wait3A_128 : memref<10000x32xf32, #tpu.memory_space<vmem_shared>>)
    %dma_wait3A_131 = arith.constant 3 : i32
    %dma_wait3A_132 = arith.constant 48 : i32
    %dma_wait3A_133 = arith.constant 3 : i32
    %dma_wait3A_134 = arith.constant 0 : i32
    %dma_wait3A_135 = arith.constant 0 : i32
    %dma_wait3A_136 = tpu.memref_slice %arg8[%dma_wait3A_131, %dma_wait3A_134, %dma_wait3A_135] : memref<5x200x32xf32, #tpu.memory_space<vmem>> -> memref<1x200x32xf32, #tpu.memory_space<vmem>>
    %dma_wait3A_137 = tpu.memref_squeeze %dma_wait3A_136 : memref<1x200x32xf32, #tpu.memory_space<vmem>> -> memref<200x32xf32, #tpu.memory_space<vmem>>
    %dma_wait3A_138 = arith.constant 0 : i32
    %dma_wait3A_139 = tpu.memref_slice %arg7[%dma_wait3A_132, %dma_wait3A_138] : memref<50x200xi32, #tpu.memory_space<vmem>> -> memref<1x200xi32, #tpu.memory_space<vmem>>
    %dma_wait3A_140 = tpu.memref_squeeze %dma_wait3A_139 : memref<1x200xi32, #tpu.memory_space<vmem>> -> memref<200xi32, #tpu.memory_space<vmem>>
    %dma_wait3A_141 = arith.constant 0 : i32
    %dma_wait3A_142 = arith.constant 0 : i32
    %dma_wait3A_143 = tpu.memref_slice %arg9[%dma_wait3A_141, %dma_wait3A_142] : memref<10000x32xf32, #tpu.memory_space<vmem_shared>> -> memref<10000x32xf32, #tpu.memory_space<vmem_shared>>
    %dma_wait3A_144 = tpu.memref_slice %arg11[%dma_wait3A_133] : memref<5x!tpu.dma_semaphore, #tpu.memory_space<semaphore_mem>> -> memref<1x!tpu.dma_semaphore, #tpu.memory_space<semaphore_mem>>
    %dma_wait3A_145 = tpu.memref_squeeze %dma_wait3A_144 : memref<1x!tpu.dma_semaphore, #tpu.memory_space<semaphore_mem>> -> memref<!tpu.dma_semaphore, #tpu.memory_space<semaphore_mem>>
    tpu.wait_indirect_dma semaphore(%dma_wait3A_145 : memref<!tpu.dma_semaphore, #tpu.memory_space<semaphore_mem>>) src(%dma_wait3A_137 : memref<200x32xf32, #tpu.memory_space<vmem>>) dst(%dma_wait3A_143 : memref<10000x32xf32, #tpu.memory_space<vmem_shared>>)
    %dma_wait3A_146 = arith.constant 4 : i32
    %dma_wait3A_147 = arith.constant 49 : i32
    %dma_wait3A_148 = arith.constant 4 : i32
    %dma_wait3A_149 = arith.constant 0 : i32
    %dma_wait3A_150 = arith.constant 0 : i32
    %dma_wait3A_151 = tpu.memref_slice %arg8[%dma_wait3A_146, %dma_wait3A_149, %dma_wait3A_150] : memref<5x200x32xf32, #tpu.memory_space<vmem>> -> memref<1x200x32xf32, #tpu.memory_space<vmem>>
    %dma_wait3A_152 = tpu.memref_squeeze %dma_wait3A_151 : memref<1x200x32xf32, #tpu.memory_space<vmem>> -> memref<200x32xf32, #tpu.memory_space<vmem>>
    %dma_wait3A_153 = arith.constant 0 : i32
    %dma_wait3A_154 = tpu.memref_slice %arg7[%dma_wait3A_147, %dma_wait3A_153] : memref<50x200xi32, #tpu.memory_space<vmem>> -> memref<1x200xi32, #tpu.memory_space<vmem>>
    %dma_wait3A_155 = tpu.memref_squeeze %dma_wait3A_154 : memref<1x200xi32, #tpu.memory_space<vmem>> -> memref<200xi32, #tpu.memory_space<vmem>>
    %dma_wait3A_156 = arith.constant 0 : i32
    %dma_wait3A_157 = arith.constant 0 : i32
    %dma_wait3A_158 = tpu.memref_slice %arg9[%dma_wait3A_156, %dma_wait3A_157] : memref<10000x32xf32, #tpu.memory_space<vmem_shared>> -> memref<10000x32xf32, #tpu.memory_space<vmem_shared>>
    %dma_wait3A_159 = tpu.memref_slice %arg11[%dma_wait3A_148] : memref<5x!tpu.dma_semaphore, #tpu.memory_space<semaphore_mem>> -> memref<1x!tpu.dma_semaphore, #tpu.memory_space<semaphore_mem>>
    %dma_wait3A_160 = tpu.memref_squeeze %dma_wait3A_159 : memref<1x!tpu.dma_semaphore, #tpu.memory_space<semaphore_mem>> -> memref<!tpu.dma_semaphore, #tpu.memory_space<semaphore_mem>>
    tpu.wait_indirect_dma semaphore(%dma_wait3A_160 : memref<!tpu.dma_semaphore, #tpu.memory_space<semaphore_mem>>) src(%dma_wait3A_152 : memref<200x32xf32, #tpu.memory_space<vmem>>) dst(%dma_wait3A_158 : memref<10000x32xf32, #tpu.memory_space<vmem_shared>>)
    %barrier3A_161 = arith.constant 0 : index
    tpu.barrier barrier_id(%barrier3A_161)
    "tpu.region"() ({
      %run_scoped3A_162 = tpu.sem_alloc : memref<!tpu.dma_semaphore, #tpu.memory_space<semaphore_mem>>
      %dma_start3A_163 = arith.constant 0 : i32
      %dma_start3A_164 = tpu.memref_slice %arg5[%arg0, %mul3A_0, %dma_start3A_163] : memref<2x10000x32xf32, #tpu.memory_space<hbm>> -> memref<1x625x32xf32, #tpu.memory_space<hbm>>
      %dma_start3A_165 = tpu.memref_squeeze %dma_start3A_164 : memref<1x625x32xf32, #tpu.memory_space<hbm>> -> memref<625x32xf32, #tpu.memory_space<hbm>>
      %dma_start3A_166 = arith.constant 0 : i32
      %dma_start3A_167 = tpu.memref_slice %arg9[%mul3A_0, %dma_start3A_166] : memref<10000x32xf32, #tpu.memory_space<vmem_shared>> -> memref<625x32xf32, #tpu.memory_space<vmem_shared>>
      tpu.enqueue_dma source(%dma_start3A_167 : memref<625x32xf32, #tpu.memory_space<vmem_shared>>) target(%dma_start3A_165 : memref<625x32xf32, #tpu.memory_space<hbm>>) target_semaphore(%run_scoped3A_162 : memref<!tpu.dma_semaphore, #tpu.memory_space<semaphore_mem>>)
      %dma_wait3A_168 = arith.constant 0 : i32
      %dma_wait3A_169 = tpu.memref_slice %arg5[%arg0, %mul3A_0, %dma_wait3A_168] : memref<2x10000x32xf32, #tpu.memory_space<hbm>> -> memref<1x625x32xf32, #tpu.memory_space<hbm>>
      %dma_wait3A_170 = tpu.memref_squeeze %dma_wait3A_169 : memref<1x625x32xf32, #tpu.memory_space<hbm>> -> memref<625x32xf32, #tpu.memory_space<hbm>>
      %dma_wait3A_171 = arith.constant 0 : i32
      %dma_wait3A_172 = tpu.memref_slice %arg9[%mul3A_0, %dma_wait3A_171] : memref<10000x32xf32, #tpu.memory_space<vmem_shared>> -> memref<625x32xf32, #tpu.memory_space<vmem_shared>>
      tpu.wait_dma2 semaphore(%run_scoped3A_162 : memref<!tpu.dma_semaphore, #tpu.memory_space<semaphore_mem>>) src(%dma_wait3A_172 : memref<625x32xf32, #tpu.memory_space<vmem_shared>>) dst(%dma_wait3A_170 : memref<625x32xf32, #tpu.memory_space<hbm>>)
      tpu.yield
    }) : () -> ()
    return
  }
}

module attributes {stable_mosaic.version = 14 : i64} {
  func.func @body(%arg0: i32, %arg1: memref<2000x128xf32, #tpu.memory_space<vmem>>, %arg2: memref<2x2000x64xbf16, #tpu.memory_space<vmem>>, %arg3: memref<2000x8xf32, #tpu.memory_space<vmem>>, %arg4: memref<128x128xf32, #tpu.memory_space<vmem>>, %arg5: memref<128x128xf32, #tpu.memory_space<vmem>>, %arg6: memref<1x128xf32, #tpu.memory_space<vmem>>, %arg7: memref<16x128xf32, #tpu.memory_space<vmem>>, %arg8: memref<16x128xf32, #tpu.memory_space<vmem>>, %arg9: memref<2000x128xf32, #tpu.memory_space<vmem>>, %arg10: memref<2000x128xf32, #tpu.memory_space<vmem>>, %arg11: memref<2000x32xf32, #tpu.memory_space<vmem>>, %arg12: memref<2000x16xf32, #tpu.memory_space<vmem>>) attributes {dimension_semantics = [#tpu.dimension_semantics<arbitrary>], iteration_bounds = array<i64: 5>, scalar_prefetch = 0 : i64, scratch_operands = 0 : i64, tpu.core_type = #tpu.core_type<tc>, window_params = [{transform_indices = @transform_0, window_bounds = array<i64: 2000, 128>}, {transform_indices = @transform_1, window_bounds = array<i64: 2, 2000, 64>}, {transform_indices = @transform_2, window_bounds = array<i64: 2000, 8>}, {pipeline_mode = #tpu.pipeline_mode<synchronous>, transform_indices = @transform_3, window_bounds = array<i64: 128, 128>}, {pipeline_mode = #tpu.pipeline_mode<synchronous>, transform_indices = @transform_4, window_bounds = array<i64: 128, 128>}, {pipeline_mode = #tpu.pipeline_mode<synchronous>, transform_indices = @transform_5, window_bounds = array<i64: 1, 128>}, {pipeline_mode = #tpu.pipeline_mode<synchronous>, transform_indices = @transform_6, window_bounds = array<i64: 16, 128>}, {pipeline_mode = #tpu.pipeline_mode<synchronous>, transform_indices = @transform_7, window_bounds = array<i64: 16, 128>}, {transform_indices = @transform_8, window_bounds = array<i64: 2000, 128>}, {transform_indices = @transform_9, window_bounds = array<i64: 2000, 128>}, {transform_indices = @transform_10, window_bounds = array<i64: 2000, 32>}, {transform_indices = @transform_11, window_bounds = array<i64: 2000, 16>}]} {
    %get3A = arith.constant 0 : index
    %get3A_0 = arith.constant 0 : index
    %get3A_1 = arith.constant 0 : index
    %get3A_2 = vector.load %arg2[%get3A, %get3A_0, %get3A_1] : memref<2x2000x64xbf16, #tpu.memory_space<vmem>>, vector<1x2000x64xbf16>
    %get3A_3 = vector.shape_cast %get3A_2 : vector<1x2000x64xbf16> to vector<2000x64xbf16>
    %convert_element_type3A = arith.extf %get3A_3 : vector<2000x64xbf16> to vector<2000x64xf32>
    %get3A_4 = arith.constant 1 : index
    %get3A_5 = arith.constant 0 : index
    %get3A_6 = arith.constant 0 : index
    %get3A_7 = vector.load %arg2[%get3A_4, %get3A_5, %get3A_6] : memref<2x2000x64xbf16, #tpu.memory_space<vmem>>, vector<1x2000x64xbf16>
    %get3A_8 = vector.shape_cast %get3A_7 : vector<1x2000x64xbf16> to vector<2000x64xbf16>
    %convert_element_type3A_9 = arith.extf %get3A_8 : vector<2000x64xbf16> to vector<2000x64xf32>
    %concatenate3A = tpu.concatenate %convert_element_type3A, %convert_element_type3A_9 in 1 : vector<2000x64xf32>, vector<2000x64xf32> -> vector<2000x128xf32>
    %get3A_10 = arith.constant 0 : index
    %get3A_11 = arith.constant 0 : index
    %get3A_12 = vector.load %arg3[%get3A_10, %get3A_11] : memref<2000x8xf32, #tpu.memory_space<vmem>>, vector<2000x1xf32>
    %max3A = arith.constant 1.000000e+00 : f32
    %max3A_13 = vector.broadcast %max3A : f32 to vector<2000x1xf32>
    %max3A_14 = arith.maximumf %get3A_12, %max3A_13 : vector<2000x1xf32>
    %div3A = vector.broadcast %max3A_14 : vector<2000x1xf32> to vector<2000x128xf32>
    %div3A_15 = arith.divf %concatenate3A, %div3A : vector<2000x128xf32>
    %get3A_16 = arith.constant 0 : index
    %get3A_17 = arith.constant 0 : index
    %get3A_18 = vector.load %arg1[%get3A_16, %get3A_17] : memref<2000x128xf32, #tpu.memory_space<vmem>>, vector<2000x128xf32>
    %get3A_19 = arith.constant 0 : index
    %get3A_20 = arith.constant 0 : index
    %get3A_21 = vector.load %arg4[%get3A_19, %get3A_20] : memref<128x128xf32, #tpu.memory_space<vmem>>, vector<128x128xf32>
    %dot_general3A = arith.constant dense<0.000000e+00> : vector<2000x128xf32>
    %dot_general3A_22 = tpu.matmul %get3A_18, %get3A_21, %dot_general3A {dimension_numbers = #tpu.dot_dimension_numbers<[1], [1], [0], [0], [0, 0, 1, 0], [], []>, transpose_lhs_hint = false} : vector<2000x128xf32>, vector<128x128xf32>, vector<2000x128xf32> -> vector<2000x128xf32>
    %get3A_23 = arith.constant 0 : index
    %get3A_24 = arith.constant 0 : index
    %get3A_25 = vector.load %arg5[%get3A_23, %get3A_24] : memref<128x128xf32, #tpu.memory_space<vmem>>, vector<128x128xf32>
    %dot_general3A_26 = arith.constant dense<0.000000e+00> : vector<2000x128xf32>
    %dot_general3A_27 = tpu.matmul %div3A_15, %get3A_25, %dot_general3A_26 {dimension_numbers = #tpu.dot_dimension_numbers<[1], [1], [0], [0], [0, 0, 1, 0], [], []>, transpose_lhs_hint = false} : vector<2000x128xf32>, vector<128x128xf32>, vector<2000x128xf32> -> vector<2000x128xf32>
    %add3A = arith.addf %dot_general3A_22, %dot_general3A_27 : vector<2000x128xf32>
    %get3A_28 = arith.constant 0 : index
    %get3A_29 = arith.constant 0 : index
    %get3A_30 = vector.load %arg6[%get3A_28, %get3A_29] : memref<1x128xf32, #tpu.memory_space<vmem>>, vector<1x128xf32>
    %add3A_31 = vector.broadcast %get3A_30 : vector<1x128xf32> to vector<2000x128xf32>
    %add3A_32 = arith.addf %add3A, %add3A_31 : vector<2000x128xf32>
    %swap3A = arith.constant 0 : index
    %swap3A_33 = arith.constant 0 : index
    %swap3A_34 = vector.load %arg9[%swap3A, %swap3A_33] : memref<2000x128xf32, #tpu.memory_space<vmem>>, vector<2000x128xf32>
    tpu.vector_store %arg9[%swap3A, %swap3A_33], %add3A_32 {strides = array<i32>} : memref<2000x128xf32, #tpu.memory_space<vmem>>, vector<2000x128xf32>,
    %max3A_35 = arith.constant 0.000000e+00 : f32
    %max3A_36 = vector.broadcast %max3A_35 : f32 to vector<2000x128xf32>
    %max3A_37 = arith.maximumf %add3A_32, %max3A_36 : vector<2000x128xf32>
    %swap3A_38 = arith.constant 0 : index
    %swap3A_39 = arith.constant 0 : index
    %swap3A_40 = vector.load %arg10[%swap3A_38, %swap3A_39] : memref<2000x128xf32, #tpu.memory_space<vmem>>, vector<2000x128xf32>
    tpu.vector_store %arg10[%swap3A_38, %swap3A_39], %max3A_37 {strides = array<i32>} : memref<2000x128xf32, #tpu.memory_space<vmem>>, vector<2000x128xf32>,
    %get3A_41 = arith.constant 0 : index
    %get3A_42 = arith.constant 0 : index
    %get3A_43 = vector.load %arg8[%get3A_41, %get3A_42] : memref<16x128xf32, #tpu.memory_space<vmem>>, vector<16x128xf32>
    %dot_general3A_44 = arith.constant dense<0.000000e+00> : vector<2000x16xf32>
    %dot_general3A_45 = tpu.matmul %max3A_37, %get3A_43, %dot_general3A_44 {dimension_numbers = #tpu.dot_dimension_numbers<[1], [1], [0], [0], [0, 0, 1, 0], [], []>, transpose_lhs_hint = false} : vector<2000x128xf32>, vector<16x128xf32>, vector<2000x16xf32> -> vector<2000x16xf32>
    %get3A_46 = arith.constant 0 : index
    %get3A_47 = arith.constant 0 : index
    %get3A_48 = vector.load %arg7[%get3A_46, %get3A_47] : memref<16x128xf32, #tpu.memory_space<vmem>>, vector<16x128xf32>
    %dot_general3A_49 = arith.constant dense<0.000000e+00> : vector<2000x16xf32>
    %dot_general3A_50 = tpu.matmul %max3A_37, %get3A_48, %dot_general3A_49 {dimension_numbers = #tpu.dot_dimension_numbers<[1], [1], [0], [0], [0, 0, 1, 0], [], []>, transpose_lhs_hint = false} : vector<2000x128xf32>, vector<16x128xf32>, vector<2000x16xf32> -> vector<2000x16xf32>
    %swap3A_51 = arith.constant 0 : index
    %swap3A_52 = arith.constant 0 : index
    %swap3A_53 = vector.load %arg12[%swap3A_51, %swap3A_52] : memref<2000x16xf32, #tpu.memory_space<vmem>>, vector<2000x16xf32>
    tpu.vector_store %arg12[%swap3A_51, %swap3A_52], %dot_general3A_50 {strides = array<i32>} : memref<2000x16xf32, #tpu.memory_space<vmem>>, vector<2000x16xf32>,
    %broadcast_in_dim3A = arith.constant 1.000000e+00 : f32
    %broadcast_in_dim3A_54 = vector.broadcast %broadcast_in_dim3A : f32 to vector<2000x16xf32>
    %concatenate3A_55 = tpu.concatenate %dot_general3A_45, %broadcast_in_dim3A_54 in 1 : vector<2000x16xf32>, vector<2000x16xf32> -> vector<2000x32xf32>
    %swap3A_56 = arith.constant 0 : index
    %swap3A_57 = arith.constant 0 : index
    %swap3A_58 = vector.load %arg11[%swap3A_56, %swap3A_57] : memref<2000x32xf32, #tpu.memory_space<vmem>>, vector<2000x32xf32>
    tpu.vector_store %arg11[%swap3A_56, %swap3A_57], %concatenate3A_55 {strides = array<i32>} : memref<2000x32xf32, #tpu.memory_space<vmem>>, vector<2000x32xf32>,
    return
  }
  func.func @transform_0(%arg0: i32) -> (i32, i32) {
    %c0_i32 = arith.constant 0 : i32
    %c0_i32_0 = arith.constant 0 : i32
    return %arg0, %c0_i32 : i32, i32
  }
  func.func @transform_1(%arg0: i32) -> (i32, i32, i32) {
    %c0_i32 = arith.constant 0 : i32
    %c0_i32_0 = arith.constant 0 : i32
    %c0_i32_1 = arith.constant 0 : i32
    return %c0_i32, %arg0, %c0_i32_0 : i32, i32, i32
  }
  func.func @transform_2(%arg0: i32) -> (i32, i32) {
    %c0_i32 = arith.constant 0 : i32
    %c0_i32_0 = arith.constant 0 : i32
    return %arg0, %c0_i32 : i32, i32
  }
  func.func @transform_3(%arg0: i32) -> (i32, i32) {
    %c0_i32 = arith.constant 0 : i32
    %c0_i32_0 = arith.constant 0 : i32
    %c0_i32_1 = arith.constant 0 : i32
    return %c0_i32, %c0_i32_0 : i32, i32
  }
  func.func @transform_4(%arg0: i32) -> (i32, i32) {
    %c0_i32 = arith.constant 0 : i32
    %c0_i32_0 = arith.constant 0 : i32
    %c0_i32_1 = arith.constant 0 : i32
    return %c0_i32, %c0_i32_0 : i32, i32
  }
  func.func @transform_5(%arg0: i32) -> (i32, i32) {
    %c0_i32 = arith.constant 0 : i32
    %c0_i32_0 = arith.constant 0 : i32
    %c0_i32_1 = arith.constant 0 : i32
    return %c0_i32, %c0_i32_0 : i32, i32
  }
  func.func @transform_6(%arg0: i32) -> (i32, i32) {
    %c0_i32 = arith.constant 0 : i32
    %c0_i32_0 = arith.constant 0 : i32
    %c0_i32_1 = arith.constant 0 : i32
    return %c0_i32, %c0_i32_0 : i32, i32
  }
  func.func @transform_7(%arg0: i32) -> (i32, i32) {
    %c0_i32 = arith.constant 0 : i32
    %c0_i32_0 = arith.constant 0 : i32
    %c0_i32_1 = arith.constant 0 : i32
    return %c0_i32, %c0_i32_0 : i32, i32
  }
  func.func @transform_8(%arg0: i32) -> (i32, i32) {
    %c0_i32 = arith.constant 0 : i32
    %c0_i32_0 = arith.constant 0 : i32
    return %arg0, %c0_i32 : i32, i32
  }
  func.func @transform_9(%arg0: i32) -> (i32, i32) {
    %c0_i32 = arith.constant 0 : i32
    %c0_i32_0 = arith.constant 0 : i32
    return %arg0, %c0_i32 : i32, i32
  }
  func.func @transform_10(%arg0: i32) -> (i32, i32) {
    %c0_i32 = arith.constant 0 : i32
    %c0_i32_0 = arith.constant 0 : i32
    return %arg0, %c0_i32 : i32, i32
  }
  func.func @transform_11(%arg0: i32) -> (i32, i32) {
    %c0_i32 = arith.constant 0 : i32
    %c0_i32_0 = arith.constant 0 : i32
    return %arg0, %c0_i32 : i32, i32
  }
}

module attributes {stable_mosaic.version = 14 : i64} {
  func.func @body(%arg0: i32, %arg1: memref<2000x16xf32, #tpu.memory_space<vmem>>, %arg2: memref<2x2000x32xf32, #tpu.memory_space<vmem>>, %arg3: memref<1x16xf32, #tpu.memory_space<vmem>>, %arg4: memref<2000x16xf32, #tpu.memory_space<vmem>>) attributes {dimension_semantics = [#tpu.dimension_semantics<arbitrary>], iteration_bounds = array<i64: 5>, scalar_prefetch = 0 : i64, scratch_operands = 0 : i64, tpu.core_type = #tpu.core_type<tc>, window_params = [{transform_indices = @transform_0, window_bounds = array<i64: 2000, 16>}, {transform_indices = @transform_1, window_bounds = array<i64: 2, 2000, 32>}, {pipeline_mode = #tpu.pipeline_mode<synchronous>, transform_indices = @transform_2, window_bounds = array<i64: 1, 16>}, {transform_indices = @transform_3, window_bounds = array<i64: 2000, 16>}]} {
    %get3A = arith.constant 0 : index
    %get3A_0 = arith.constant 0 : index
    %get3A_1 = arith.constant 0 : index
    %get3A_2 = vector.load %arg2[%get3A, %get3A_0, %get3A_1] : memref<2x2000x32xf32, #tpu.memory_space<vmem>>, vector<1x2000x32xf32>
    %get3A_3 = vector.shape_cast %get3A_2 : vector<1x2000x32xf32> to vector<2000x32xf32>
    %get3A_4 = arith.constant 1 : index
    %get3A_5 = arith.constant 0 : index
    %get3A_6 = arith.constant 0 : index
    %get3A_7 = vector.load %arg2[%get3A_4, %get3A_5, %get3A_6] : memref<2x2000x32xf32, #tpu.memory_space<vmem>>, vector<1x2000x32xf32>
    %get3A_8 = vector.shape_cast %get3A_7 : vector<1x2000x32xf32> to vector<2000x32xf32>
    %add3A = arith.addf %get3A_3, %get3A_8 : vector<2000x32xf32>
    %slice3A = vector.extract_strided_slice %add3A {offsets = [0, 16], sizes = [2000, 1], strides = [1, 1]} : vector<2000x32xf32> to vector<2000x1xf32>
    %max3A = arith.constant 1.000000e+00 : f32
    %max3A_9 = vector.broadcast %max3A : f32 to vector<2000x1xf32>
    %max3A_10 = arith.maximumf %slice3A, %max3A_9 : vector<2000x1xf32>
    %get3A_11 = arith.constant 0 : index
    %get3A_12 = arith.constant 0 : index
    %get3A_13 = vector.load %arg1[%get3A_11, %get3A_12] : memref<2000x16xf32, #tpu.memory_space<vmem>>, vector<2000x16xf32>
    %slice3A_14 = vector.extract_strided_slice %add3A {offsets = [0, 0], sizes = [2000, 16], strides = [1, 1]} : vector<2000x32xf32> to vector<2000x16xf32>
    %div3A = vector.broadcast %max3A_10 : vector<2000x1xf32> to vector<2000x16xf32>
    %div3A_15 = arith.divf %slice3A_14, %div3A : vector<2000x16xf32>
    %add3A_16 = arith.addf %get3A_13, %div3A_15 : vector<2000x16xf32>
    %get3A_17 = arith.constant 0 : index
    %get3A_18 = arith.constant 0 : index
    %get3A_19 = vector.load %arg3[%get3A_17, %get3A_18] : memref<1x16xf32, #tpu.memory_space<vmem>>, vector<1x16xf32>
    %add3A_20 = vector.broadcast %get3A_19 : vector<1x16xf32> to vector<2000x16xf32>
    %add3A_21 = arith.addf %add3A_16, %add3A_20 : vector<2000x16xf32>
    %swap3A = arith.constant 0 : index
    %swap3A_22 = arith.constant 0 : index
    %swap3A_23 = vector.load %arg4[%swap3A, %swap3A_22] : memref<2000x16xf32, #tpu.memory_space<vmem>>, vector<2000x16xf32>
    tpu.vector_store %arg4[%swap3A, %swap3A_22], %add3A_21 {strides = array<i32>} : memref<2000x16xf32, #tpu.memory_space<vmem>>, vector<2000x16xf32>,
    return
  }
  func.func @transform_0(%arg0: i32) -> (i32, i32) {
    %c0_i32 = arith.constant 0 : i32
    %c0_i32_0 = arith.constant 0 : i32
    return %arg0, %c0_i32 : i32, i32
  }
  func.func @transform_1(%arg0: i32) -> (i32, i32, i32) {
    %c0_i32 = arith.constant 0 : i32
    %c0_i32_0 = arith.constant 0 : i32
    %c0_i32_1 = arith.constant 0 : i32
    return %c0_i32, %arg0, %c0_i32_0 : i32, i32, i32
  }
  func.func @transform_2(%arg0: i32) -> (i32, i32) {
    %c0_i32 = arith.constant 0 : i32
    %c0_i32_0 = arith.constant 0 : i32
    %c0_i32_1 = arith.constant 0 : i32
    return %c0_i32, %c0_i32_0 : i32, i32
  }
  func.func @transform_3(%arg0: i32) -> (i32, i32) {
    %c0_i32 = arith.constant 0 : i32
    %c0_i32_0 = arith.constant 0 : i32
    return %arg0, %c0_i32 : i32, i32
  }
}

</mosaic_0001>

<sc_bundles>
// kernel: kernel.6.cloned.1.call-start
scs
__scs_entry_jumppad:
0x0: {  	(pc) =	sbr.rel $0x88, $3  }
0x1: {  	(tag) =	ssettag $0x0;
	lr =	simm.s32 $0x1  }
0x2: {  	[smem:$0x3F99] =	sst lr;
	_ =	strace $0xD0000000  }
0x3: {  	_ = 	snop  }
0x4: {  	_ = 	snop  }
0x5: {  	_ = 	snop  }
0x6: {  	_ = 	snop  }
0x7: {  	_ = 	snop  }
__scs_overlays_trampoline_lowered:
0x8: {  	[smem:$0x3FA8] =	sst s0  }
0x9: {  	[smem:$0x3FA9] =	sst s1  }
0xa: {  	[smem:$0x3FAA] =	sst s2  }
0xb: {  	[smem:$0x3FAB] =	sst s3  }
0xc: {  	[smem:$0x3FAC] =	sst s4  }
0xd: {  	[smem:$0x3FAD] =	sst s5  }
0xe: {  	[smem:$0x3FAE] =	sst s6  }
0xf: {  	[smem:$0x3FAF] =	sst s7  }
0x10: {  	[smem:$0x3FB0] =	sst s8  }
0x11: {  	[smem:$0x3FB1] =	sst s9;
	s0 =	simm.s32 @!p0 $0x0  }
0x12: {  	s1 =	sld [smem:$0x3F97];
	s0 =	simm.s32 @p0 $0x1  }
0x13: {  	[smem:$0x3FB2] =	sst s0;
	s0 =	simm.s32 @!p1 $0x0  }
0x14: {  	s2 =	sld [smem:$0x3F96];
	s0 =	simm.s32 @p1 $0x1  }
0x15: {  	[smem:$0x3FB3] =	sst s0;
	s0 =	simm.s32 @!p2 $0x0  }
0x16: {  	s3 =	sld [smem:$0x3FDB];
	s0 =	simm.s32 @p2 $0x1  }
0x17: {  	s4 =	simm.s32 $0x1BF5;
	[smem:$0x3FB5] =	sst s0  }
0x18: {  	s0 =	sld [smem:$0x3F98];
	_ =	swait.ge [sflag:s4], $0x0  }
0x19: {  	s7 =	sld [smem:$0x3F99]  }
0x1a: {  	s8 =	sadd.s32 $0xFFFFE003, lr  }
0x1b: {  	s9 =	sadd.s32 $0xFFFFFEF7, lr;
	s5 =	simm.s32 $0xFFFFFFFF;
	p2 =	slt.u32 s8, $0xFFFFF086  }
0x1c: {  	p1 =	slt.u32 s9, $0xF7A;
	s5 =	simm.s32 @!p2 $0x0  }
0x1d: {  	s5 =	simm.s32 @p1 $0x1;
	p0 =	seq.s32 s7, s2  }
0x1e: {  	s7 =	smul.u32 @!p0 $0xF7A, s2;
	p2 =	seq.s32 @!p0 s5, $0x0  }
0x1f: {  	s9 =	smul.u32 $0xF7A, s1;
	s8 =	simm.s32 @!p0 $0x1BF5;
	p2 =	por !p2, p0  }
0x20: {  	[sflag:s8] =	ssyncset.s32 @!p0 $0xFFFFF086;
	s6 =	sadd.s32 @!p0 s3, s7;
	s7 =	simm.s32 @!p0 $0x108  }
0x21: {  	s3 =	sadd.s32 s3, s9;
	s6 =	sadd.s32 @!p0 $0x88, s6;
	s7 =	simm.s32 @p2 $0x1082  }
0x22: {  	[simem:s7], [sflag:s8] =	dma.local @!p0 [hbm:s6], $0xF7A  }
0x23: {  	s9 =	sor.u32 $0xD0000000, s2;
	s6 =	simm.s32 $0x108;
	_ =	swait.ge @!p0 [sflag:s8], $0x0  }
0x24: {  	s3 =	sadd.s32 $0x88, s3;
	s6 =	simm.s32 @!p1 $0x1082;
	[sflag:s4] =	ssyncset.s32 $0xFFFFF086  }
0x25: {  	[simem:s6], [sflag:s4] =	dma.local [hbm:s3], $0xF7A  }
0x26: {  	[smem:$0x3F99] =	sst s1;
	(tag) =	ssettag s2;
	_ =	strace s9  }
0x27: {  	s1 =	sld [smem:$0x3FA9]  }
0x28: {  	s2 =	sld [smem:$0x3FAA]  }
0x29: {  	s4 =	sld [smem:$0x3FAC]  }
0x2a: {  	p0 =	seq.s32 s5, $0x0;
	s5 =	sld [smem:$0x3FAD]  }
0x2b: {  	s6 =	sld [smem:$0x3FAE]  }
0x2c: {  	s7 =	sld [smem:$0x3FAF]  }
0x2d: {  	s3 =	simm.s32 $0x108;
	s8 =	sld [smem:$0x3FB0]  }
0x2e: {  	s3 =	simm.s32 @!p0 $0x1082;
	s9 =	sld [smem:$0x3FB1]  }
0x2f: {  	lr =	sadd.s32 s0, s3;
	s0 =	sld [smem:$0x3FA8]  }
0x30: {  	s3 =	sld [smem:$0x3FAB]  }
0x31: {  	[smem:$0x3FB4] =	sst s10  }
0x32: {  	s10 =	sld [smem:$0x3FB2];
	_ =	sdelay $0x3  }
0x33: {  	p0 =	seq.s32 s10, $0x1;
	s10 =	sld [smem:$0x3FB4];
	_ =	sdelay $0x3  }
0x34: {  	[smem:$0x3FB4] =	sst s10  }
0x35: {  	s10 =	sld [smem:$0x3FB3];
	_ =	sdelay $0x3  }
0x36: {  	p1 =	seq.s32 s10, $0x1;
	s10 =	sld [smem:$0x3FB4];
	_ =	sdelay $0x3  }
0x37: {  	[smem:$0x3FB4] =	sst s10  }
0x38: {  	s10 =	sld [smem:$0x3FB5]  }
0x39: {  	_ = 	snop;
	(pc) =	sbr.ind lr, $3  }
0x3a: {  	_ = 	snop  }
0x3b: {  	_ = 	snop  }
0x3c: {  	p2 =	seq.s32 s10, $0x1;
	s10 =	sld [smem:$0x3FB4]  }
0x3d: {  	_ =	shalt  }
0x3e: {  	_ =	shalt  }
0x3f: {  	_ =	shalt  }
0x40: {  	_ =	shalt  }
0x41: {  	_ =	shalt  }
0x42: {  	_ =	shalt  }
0x43: {  	_ =	shalt  }
0x44: {  	_ =	shalt  }
0x45: {  	_ =	shalt  }
0x46: {  	_ =	shalt  }
0x47: {  	_ =	shalt  }
0x48: {  	_ =	shalt  }
0x49: {  	_ =	shalt  }
0x4a: {  	_ =	shalt  }
0x4b: {  	_ =	shalt  }
0x4c: {  	_ =	shalt  }
0x4d: {  	_ =	shalt  }
0x4e: {  	_ =	shalt  }
0x4f: {  	_ =	shalt  }
0x50: {  	_ =	shalt  }
0x51: {  	_ =	shalt  }
0x52: {  	_ =	shalt  }
0x53: {  	_ =	shalt  }
0x54: {  	_ =	shalt  }
0x55: {  	_ =	shalt  }
0x56: {  	_ =	shalt  }
0x57: {  	_ =	shalt  }
0x58: {  	_ =	shalt  }
0x59: {  	_ =	shalt  }
0x5a: {  	_ =	shalt  }
0x5b: {  	_ =	shalt  }
0x5c: {  	_ =	shalt  }
0x5d: {  	_ =	shalt  }
0x5e: {  	_ =	shalt  }
0x5f: {  	_ =	shalt  }
0x60: {  	_ =	shalt  }
0x61: {  	_ =	shalt  }
0x62: {  	_ =	shalt  }
0x63: {  	_ =	shalt  }
0x64: {  	_ =	shalt  }
0x65: {  	_ =	shalt  }
0x66: {  	_ =	shalt  }
0x67: {  	_ =	shalt  }
0x68: {  	_ =	shalt  }
0x69: {  	_ =	shalt  }
0x6a: {  	_ =	shalt  }
0x6b: {  	_ =	shalt  }
0x6c: {  	_ =	shalt  }
0x6d: {  	_ =	shalt  }
0x6e: {  	_ =	shalt  }
0x6f: {  	_ =	shalt  }
0x70: {  	_ =	shalt  }
0x71: {  	_ =	shalt  }
0x72: {  	_ =	shalt  }
0x73: {  	_ =	shalt  }
0x74: {  	_ =	shalt  }
0x75: {  	_ =	shalt  }
0x76: {  	_ =	shalt  }
0x77: {  	_ =	shalt  }
0x78: {  	_ =	shalt  }
0x79: {  	_ =	shalt  }
0x7a: {  	_ =	shalt  }
0x7b: {  	_ =	shalt  }
0x7c: {  	_ =	shalt  }
0x7d: {  	_ =	shalt  }
0x7e: {  	_ =	shalt  }
0x7f: {  	_ =	shalt  }
0x80: {  	_ =	shalt  }
0x81: {  	_ =	shalt  }
0x82: {  	_ =	shalt  }
0x83: {  	_ =	shalt  }
0x84: {  	_ =	shalt  }
0x85: {  	_ =	shalt  }
0x86: {  	_ =	shalt  }
0x87: {  	_ =	shalt  }
.Lfunc_end0:
.L_simem_size_0:
called_computation_lowered:
.L_overlay_start_0:
0x88: {  	s2 =	sld [smem:$0x3FD9]  }
0x89: {  	s3 =	sld [smem:$0x3FFE];
	_ =	sdelay $0x1  }
0x8a: {  	s1 =	srdreg.scid  }
0x8b: {  	s0 =	sand.u32 $0x1, s1  }
0x8c: {  	s14 =	sshll.u32 s0, $0xA;
	s2 =	sadd.s32 s3, s2  }
0x8d: {  	s2 =	sadd.s32 s2, s14  }
0x8e: {  	[smem:$0x3FC0] =	sst s2  }
0x8f: {  	_ = 	snop  }
0x90: {  	s2 =	sld [smem:$0x3FD0];
	_ =	sdelay $0x2  }
0x91: {  	s15 =	simm.s32 $0xA;
	s4 =	simm.s32 $0x10  }
0x92: {  	[smem:s4], [sflag:s15] =	dma.local [hbm:s2], $0x1  }
0x93: {  	_ =	swait.eq [sflag:s15], $0x1  }
0x94: {  	s16 =	sld [smem:$0x10];
	[sflag:s15] =	ssyncset.done $0x0  }
0x95: {  	s17 =	sld [smem:$0x11];
	[sflag:s15] =	ssyncadd.s32 $0xFFFFFFFF  }
0x96: {  	s18 =	sld [smem:$0x12];
	(tm) =	ssettm $0x1  }
0x97: {  	s5 =	sld [smem:$0x3FFB];
	_ =	sdelay $0x3  }
0x98: {  	_ =	strace s5  }
0x99: {  	s5 =	sld [smem:$0x3FFC];
	_ =	sdelay $0x3  }
0x9a: {  	_ =	strace s5  }
0x9b: {  	s5 =	sld [smem:$0x3FFD];
	_ =	sdelay $0x3  }
0x9c: {  	_ =	strace s5  }
0x9d: {  	_ =	strace $0x8FFFFFFF  }
0x9e: {  	s19 =	sld [smem:$0x3FDB];
	_ =	sdelay $0x1  }
0x9f: {  	s6 =	simm.s32 $_scs_section_size  }
0xa0: {  	s7 =	simm.s32 $_size__tile_overlayer_lowered;
	s8 =	simm.s32 $_tile_overlayer_lowered  }
0xa1: {  	s22 =	simm.s32 $0x1BFF;
	s21 =	sshll.u32 s8, $0x1;
	s5 =	sadd.s32 s6, s19  }
0xa2: {  	s9 =	simm.s32 $0x0;
	s20 =	sshll.u32 s7, $0x1;
	s7 =	sadd.s32 s21, s5  }
0xa3: {  	[timem:s9], [sflag:s22] =	dma.local [hbm:s7], s20  }
0xa4: {  	_ =	swait.ge [sflag:s22], s20  }
0xa5: {  	s6 =	ssub.s32 $0x0, s20;
	[sflag:s22] =	ssyncset.done $0x0  }
0xa6: {  	[sflag:s22] =	ssyncadd.s32 s6;
	_ =	sdelay $0x1  }
0xa7: {  	s23 =	simm.s32 $0x1B8B  }
0xa8: {  	_ =	swait.ge [sflag:s23], $0x1  }
0xa9: {  	[sflag:s23] =	ssyncset.done $0x0  }
0xaa: {  	s25 =	simm.s32 $0x1B8E;
	s24 =	sld [smem:$0x3FFE];
	[sflag:s23] =	ssyncadd.s32 $0xFFFFFFFF  }
0xab: {  	s26 =	simm.s32 $execute0_lowered;
	[smem:$0x3FD2] =	sst s25  }
0xac: {  	s7 =	sshll.u32 s26, $0x1;
	_ =	strace $0x80000046;
	[dreg:$0x1] =	wrdreg $0xFFFFFFFF  }
0xad: {  	s28 =	simm.s32 $_size_execute0_lowered;
	s5 =	sadd.s32 s5, s7;
	[dreg:$0x0] =	wrdreg $0x0  }
0xae: {  	s7 =	sshll.u32 s28, $0x1;
	[dreg:$0x2] =	wrdreg s5  }
0xaf: {  	[dreg:$0x3] =	wrdreg s7  }
0xb0: {  	[dreg:$0x4] =	wrdreg $0xC0  }
0xb1: {  	_ =	task [dreg:s9], $0x5FFFF  }
0xb2: {  	[dreg:$0x1] =	wrdreg $0xFFFFFFFF  }
0xb3: {  	[dreg:$0x0] =	wrdreg $0x60  }
0xb4: {  	[dreg:$0x2] =	wrdreg s18  }
0xb5: {  	[dreg:$0x3] =	wrdreg s24  }
0xb6: {  	[dreg:$0x4] =	wrdreg s17  }
0xb7: {  	[dreg:$0x5] =	wrdreg s16  }
0xb8: {  	[dreg:$0x6] =	wrdreg $0x100400  }
0xb9: {  	[dreg:$0x7] =	wrdreg $0x153600  }
0xba: {  	[dreg:$0x8] =	wrdreg $0x9  }
0xbb: {  	_ =	task.clear_ibuf [dreg:s9], $0x9FFFF;
	_ =	strace $0x90000046  }
0xbc: {  	s29 =	simm.s32 $0x9;
	_ =	strace $0x80000048  }
0xbd: {  	_ =	swait.ge [sflag:s29], $0x1  }
0xbe: {  	[sflag:s29] =	ssyncadd.s32 $0xFFFFFFFF  }
0xbf: {  	_ =	strace $0x90000048  }
0xc0: {  	_ =	sfence  }
0xc1: {  	s30 =	sld [smem:$0x0];
	_ =	sdelay $0x2  }
0xc2: {  	s31 =	sshll.u32 s1, $0xD;
	s1 =	sshrl.u32 s1, $0x2  }
0xc3: {  	s3 =	sand.u32 $0x4000, s31;
	s1 =	sadd.s32 s1, s30  }
0xc4: {  	s0 =	sor.u32 s3, s0;
	s1 =	sshll.u32 s1, $0x11  }
0xc5: {  	s0 =	sor.u32 s1, s0  }
0xc6: {  	s0 =	sadd.s32 $0x8F2B, s0  }
0xc7: {  	[sflag:s0] =	ssyncadd.remote.s32 $0x1  }
0xc8: {  	_ =	sfence.sel $0xFFFF  }
0xc9: {  	[dreg:$0x0] =	wrdreg $0xFFFFFFFF;
	(pc) =	sbr.abs _section_cstart, $3  }
0xca: {  	[dreg:$0x1] =	wrdreg $0xFFFFFFFF  }
0xcb: {  	_ =	task.clear_ibuf [dreg:s9], $0x2FFFF;
	_ =	strace $0x9FFFFFFF  }
0xcc: {  	(tm) =	ssettm $0x7FFFFFFF  }
0xcd: {  	_ =	shalt  }
tec
execute0_lowered:
.L_overlay_start_1:
0x0: {  	(tag) =	ssettag $0x1  }
0x1: {  	s0 =	rddreg [dreg:$0x0]  }
0x2: {  	s1 =	rddreg [dreg:$0x1]  }
0x3: {  	s2 =	rddreg [dreg:$0x2]  }
0x4: {  	s6 =	rddreg [dreg:$0x3]  }
0x5: {  	s3 =	rddreg [dreg:$0x4]  }
0x6: {  	s4 =	rddreg [dreg:$0x5]  }
0x7: {  	s14 =	stileid.u32;
	s5 =	simm.s32 $0x0;
	s8 =	srdreg.scid  }
0x8: {  	s16 =	simm.s32 $0x10;
	s29 =	simm.s32 $0xEC40;
	s30 =	simm.s32 $0x1  }
0x9: {  	s31 =	simm.s32 $0x3;
	s7 =	smul.u32 $0x4E20, s14;
	[smem:$0x7FF] =	sst s5  }
0xa: {  	s8 =	sand.u32 $0x1, s8;
	s11 =	smul.u32 $0x9C40, s14;
	s12 =	sadd.s32 $0x15800, s1  }
0xb: {  	s19 =	sadd.s32 $0x16200, s1;
	s24 =	sshll.u32 s14, $0x6;
	s14 =	smul.u32 $0x1388, s14  }
0xc: {  	_ =	strace $0x80000047;
	s18 =	ssub.s32 $0x2, s8;
	[dreg:$0x7] =	wrdreg s12  }
0xd: {  	[dreg:$0x8] =	wrdreg s19;
	s13 =	smul.u32 $0x9C400, s8;
	p0 =	sne.s32 s8, $0x0  }
0xe: {  	s19 =	simm.s32 $0xA0;
	p1 =	seq.s32 s8, $0x0;
	s9 =	sshrl.u32 s7, $0x3  }
0xf: {  	s20 =	sshrl.u32 s18, $0x1;
	s22 =	sshrl.u32 s11, $0x1;
	s7 =	sshrl.u32 s7, $0x2  }
0x10: {  	s26 =	sshrl.u32 s14, $0x3;
	s10 =	sadd.s32 s9, s1;
	s1 =	sadd.s32 $0x16600, s1  }
0x11: {  	s21 =	ssub.s32 s18, s20;
	s23 =	sadd.s32 s22, s3;
	s9 =	sor.u32 $0x1C10, s24  }
0x12: {  	s7 =	sadd.s32 s7, s4;
	s11 =	sadd.s32 s11, s13;
	s28 =	sadd.s32 s6, s26  }
0x13: {  	s20 =	simm.s32 $0x9C40;
	s18 =	simm.s32 $0x7;
	[dreg:$0x9] =	wrdreg s1  }
0x14: {  	s22 =	simm.s32 $0x0;
	s15 =	sadd.s32 $0x1E00, s10;
	[dreg:$0xd] =	wrdreg s28  }
0x15: {  	s10 =	sadd.s32 $0xBA40, s10;
	s25 =	sshrl.u32 s11, $0x4;
	[dreg:$0xa] =	wrdreg s15  }
.Ltmp0:
0x16: {  	s1 =	smax.u32 s21, $0x1;
	[dreg:$0xb] =	wrdreg s10;
	(pc) =	sbr.rel .LBB2_1-.Ltmp0, $4  }
0x17: {  	s21 =	simm.s32 $0x9;
	s2 =	sadd.s32 s2, s25;
	[dreg:$0xe] =	wrdreg s1  }
0x18: {  	s15 =	sshrl.u32 s23, $0x3;
	s1 =	sshrl.u32 @!p0 s7, $0x3;
	[dreg:$0xc] =	wrdreg s2  }
0x19: {  	s23 =	simm.s32 $0xC440;
	s2 =	sadd.s32 s14, s4;
	[dreg:$0xf] =	wrdreg s1  }
0x1a: {  	v0 =	vmov s8;
	s1 =	simm.s32 $0x5;
	s24 =	sshrl.u32 @!p0 s2, $0x3;
	s2 =	simm.s32 $0x6  }
.LBB2_6:
0x1b: {  	s6 =	simm.s32 @p1 $0xB  }
0x1c: {  	_ =	swait.ge @p1 [sflag:s6], $0x500  }
0x1d: {  	[sflag:s6] =	ssyncset.done @p1 $0x0  }
0x1e: {  	[sflag:s6] =	ssyncadd.s32 @p1 $0xFFFFFB00;
	s6 =	simm.s32 @p1 $0x7  }
0x1f: {  	_ =	swait.ge @p1 [sflag:s6], $0x1400  }
0x20: {  	[sflag:s6] =	ssyncset.done @p1 $0x0  }
0x21: {  	[sflag:s6] =	ssyncadd.s32 @p1 $0xFFFFEC00;
	s6 =	simm.s32 @p1 $0xC  }
0x22: {  	_ =	swait.ge @p1 [sflag:s6], $0x500  }
0x23: {  	[sflag:s6] =	ssyncset.done @p1 $0x0  }
0x24: {  	[sflag:s6] =	ssyncadd.s32 @p1 $0xFFFFFB00;
	s6 =	simm.s32 @p1 $0x8  }
0x25: {  	_ =	swait.ge @p1 [sflag:s6], $0x1400  }
0x26: {  	[sflag:s6] =	ssyncset.done @p1 $0x0  }
0x27: {  	[sflag:s6] =	ssyncadd.s32 @p1 $0xFFFFEC00;
	s6 =	simm.s32 @p1 $0xD  }
0x28: {  	_ =	swait.ge @p1 [sflag:s6], $0x500  }
0x29: {  	[sflag:s6] =	ssyncset.done @p1 $0x0  }
0x2a: {  	[sflag:s6] =	ssyncadd.s32 @p1 $0xFFFFFB00;
	s6 =	simm.s32 @p1 $0x9  }
0x2b: {  	_ =	swait.ge @p1 [sflag:s6], $0x1400  }
0x2c: {  	[sflag:s6] =	ssyncset.done @p1 $0x0  }
0x2d: {  	[sflag:s6] =	ssyncadd.s32 @p1 $0xFFFFEC00;
	s6 =	simm.s32 @p1 $0xE  }
0x2e: {  	_ =	swait.ge @p1 [sflag:s6], $0x500  }
0x2f: {  	[sflag:s6] =	ssyncset.done @p1 $0x0  }
0x30: {  	[sflag:s6] =	ssyncadd.s32 @p1 $0xFFFFFB00;
	s6 =	simm.s32 @p1 $0xA  }
0x31: {  	_ =	swait.ge @p1 [sflag:s6], $0x1400  }
0x32: {  	[sflag:s6] =	ssyncset.done @p1 $0x0  }
0x33: {  	[sflag:s6] =	ssyncadd.s32 @p1 $0xFFFFEC00;
	s6 =	simm.s32 @p1 $0xF  }
0x34: {  	_ =	swait.ge @p1 [sflag:s6], $0x500  }
0x35: {  	[sflag:s6] =	ssyncset.done @p1 $0x0  }
0x36: {  	[sflag:s6] =	ssyncadd.s32 @p1 $0xFFFFFB00;
	s6 =	simm.s32 @!p1 $0x7  }
0x37: {  	_ =	swait.ge @!p1 [sflag:s6], $0x1400  }
0x38: {  	[sflag:s6] =	ssyncset.done @!p1 $0x0  }
0x39: {  	[sflag:s6] =	ssyncadd.s32 @!p1 $0xFFFFEC00;
	s6 =	simm.s32 @!p1 $0x8  }
0x3a: {  	_ =	swait.ge @!p1 [sflag:s6], $0x1400  }
0x3b: {  	[sflag:s6] =	ssyncset.done @!p1 $0x0  }
0x3c: {  	[sflag:s6] =	ssyncadd.s32 @!p1 $0xFFFFEC00;
	s6 =	simm.s32 @!p1 $0x9  }
0x3d: {  	_ =	swait.ge @!p1 [sflag:s6], $0x1400  }
0x3e: {  	[sflag:s6] =	ssyncset.done @!p1 $0x0  }
0x3f: {  	[sflag:s6] =	ssyncadd.s32 @!p1 $0xFFFFEC00;
	s6 =	simm.s32 @!p1 $0xA  }
0x40: {  	_ =	swait.ge @!p1 [sflag:s6], $0x1400  }
0x41: {  	[sflag:s6] =	ssyncset.done @!p1 $0x0  }
0x42: {  	[sflag:s6] =	ssyncadd.s32 @!p1 $0xFFFFEC00  }
0x43: {  	[bflag:$0x0] =	sbarrier.arrive $0xFFFF  }
0x44: {  	s28 =	rddreg [dreg:$0xc]  }
0x45: {  	[hbm:s28], [sflag:s9] =	dma.local [spmem:s15], $0x9C4  }
0x46: {  	_ =	swait.ge [sflag:s16], $0x9C4  }
0x47: {  	[sflag:s16] =	ssyncset.done $0x0  }
0x48: {  	s6 =	rddreg [dreg:$0xd];
	[sflag:s16] =	ssyncadd.s32 $0xFFFFF63C  }
0x49: {  	[hbm:s6], [sflag:s9] =	dma.local @!p0 [spmem:s24], $0x271  }
0x4a: {  	s6 =	simm.s32 @!p0 $0x10  }
0x4b: {  	_ =	swait.ge @!p0 [sflag:s6], $0x271  }
0x4c: {  	s22 =	sadd.s32 $0x1, s22;
	s7 =	rddreg [dreg:$0xe]  }
0x4d: {  	p2 =	sne.s32 s22, s7  }
.Ltmp1:
0x4e: {  	_ = 	snop;
	(pc) =	sbr.rel @!p2 .LBB2_7-.Ltmp1, $3  }
0x4f: {  	_ =	sdelay $0x1  }
0x50: {  	[sflag:s6] =	ssyncset.done @!p0 $0x0  }
0x51: {  	[sflag:s6] =	ssyncadd.s32 @!p0 $0xFFFFFD8F  }
.LBB2_1:
0x52: {  	s6 =	rddreg [dreg:$0x7]  }
0x53: {  	[spmem:s15], [sflag:s9] =	dma.local [hbm:s6], $0x9C4  }
0x54: {  	_ =	swait.ge [sflag:s16], $0x9C4  }
0x55: {  	[sflag:s16] =	ssyncset.done $0x0;
	s6 =	rddreg [dreg:$0x8]  }
0x56: {  	s7 =	rddreg [dreg:$0xf];
	[sflag:s16] =	ssyncadd.s32 $0xFFFFF63C  }
0x57: {  	[spmem:s7], [sflag:s9] =	dma.local @!p0 [hbm:s6], $0x271  }
0x58: {  	s6 =	simm.s32 @!p0 $0x10  }
0x59: {  	_ =	swait.ge @!p0 [sflag:s6], $0x271  }
0x5a: {  	s8 =	simm.s32 @!p0 $0x14E60;
	[sflag:s6] =	ssyncset.done @!p0 $0x0  }
0x5b: {  	s7 =	simm.s32 @!p0 $0x0;
	s10 =	rddreg [dreg:$0x9];
	[sflag:s6] =	ssyncadd.s32 @!p0 $0xFFFFFD8F  }
0x5c: {  	[tilespmem:s8], [sflag:$0x10] =	stream.linear.gather @!p0 [hbm4b:s10+s7], $0x500, $0x38;
	[tilespmem:$0x166E8] =	vst v63  }
0x5d: {  	_ =	swait.ge @!p0 [sflag:s6], $0x500  }
0x5e: {  	[sflag:s6] =	ssyncset.done @!p0 $0x0  }
0x5f: {  	s14 =	smul.u32 $0xCCCD, s5;
	[sflag:s6] =	ssyncadd.s32 @!p0 $0xFFFFFB00  }
0x60: {  	[bflag:$0x0] =	sbarrier.arrive $0xFFFF  }
0x61: {  	s6 =	sshrl.u32 s14, $0x13;
	s13 =	rddreg [dreg:$0xa]  }
0x62: {  	[tilespmem:s5], [sflag:$0x10] =	stream.linear.gather [hbm4b:s13+s5], $0x4E20, $0x38;
	[tilespmem:$0x166E8] =	vst v63  }
0x63: {  	s25 =	simm.s32 $0x4E20;
	s26 =	smul.u32 $0xA, s6;
	_ =	swait.ge [sflag:s16], $0x4E20  }
0x64: {  	s8 =	simm.s32 $0x2;
	s6 =	smul.u32 $0x280, s6;
	[sflag:s16] =	ssyncset.done $0x0  }
0x65: {  	s7 =	ssub.s32 $0x0, s26;
	s17 =	rddreg [dreg:$0xb];
	[sflag:s16] =	ssyncadd.s32 $0xFFFFB1E0  }
0x66: {  	[tilespmem:s25], [sflag:$0x10] =	stream.linear.gather [hbm4b:s17+s5], $0x4E20, $0x38;
	[tilespmem:$0x166E8] =	vst v63  }
0x67: {  	s6 =	sshrl.u32 s6, $0x2;
	s28 =	sand.u32 $0xFFFF, s7;
	_ =	swait.ge [sflag:s16], $0x4E20  }
0x68: {  	s7 =	simm.s32 $0x1;
	s11 =	sshll.u32 s28, $0x4;
	[sflag:s16] =	ssyncset.done $0x0  }
0x69: {  	s10 =	smul.u32 $0xCCCD, s7;
	s6 =	sadd.s32 s11, s6;
	[sflag:s16] =	ssyncadd.s32 $0xFFFFB1E0  }
.LBB2_2:
0x6a: {  	p2 =	sne.s32 s8, $0x4E1;
	v1 =	vld [tilespmem:s6+$0x0]  }
0x6b: {  	s10 =	sshrl.u32 s10, $0x13  }
0x6c: {  	s11 =	smul.u32 $0xA, s10  }
.Ltmp2:
0x6d: {  	(pc) =	sbr.rel @p2 .LBB2_2-.Ltmp2, $4  }
0x6e: {  	s10 =	smul.u32 $0x280, s10;
	s11 =	ssub.s32 s7, s11;
	s7 =	smov.u32 s8  }
0x6f: {  	s11 =	sand.u32 $0xFFFF, s11;
	v1 =	vshll.u32 v1, $0x1  }
0x70: {  	s12 =	sshrl.u32 s10, $0x2;
	s11 =	sshll.u32 s11, $0x4;
	v1 =	vor.u32 v0, v1  }
0x71: {  	s8 =	sadd.s32 $0x1, s8;
	s10 =	smul.u32 $0xCCCD, s7;
	[tilespmem:s6+$0x0] =	vst v1;
	s6 =	sadd.s32 s11, s12  }
0x72: {  	v1 =	vld [tilespmem:s6+$0x0]  }
0x73: {  	s8 =	sshrl.u32 s10, $0x13  }
0x74: {  	s10 =	smul.u32 $0xA, s8;
	_ =	sdelay $0x1  }
0x75: {  	s8 =	smul.u32 $0x280, s8;
	s7 =	ssub.s32 s7, s10  }
0x76: {  	s7 =	sand.u32 $0xFFFF, s7;
	v1 =	vshll.u32 v1, $0x1  }
0x77: {  	s8 =	sshrl.u32 s8, $0x2;
	s7 =	sshll.u32 s7, $0x4;
	v1 =	vor.u32 v0, v1  }
0x78: {  	s7 =	sadd.s32 s7, s8;
	[tilespmem:s6+$0x0] =	vst v1  }
0x79: {  	v1 =	vld [tilespmem:s7+$0x0];
	_ =	sdelay $0x4  }
0x7a: {  	v1 =	vshll.u32 v1, $0x1  }
0x7b: {  	v1 =	vor.u32 v0, v1  }
0x7c: {  	s25 =	simm.s32 $0x0;
	[tilespmem:s7+$0x0] =	vst v1  }
0x7d: {  	[tilespmem:s20], [sflag:$0x1] =	stream.indirect.gather [hbm4b:s0+s19], $0x20, s25, s19, $0xb8;
	[tilespmem:$0x166E8] =	vst v63  }
0x7e: {  	s13 =	simm.s32 $0xB040  }
0x7f: {  	[tilespmem:s13], [sflag:$0x2] =	stream.indirect.gather [hbm4b:s0+s19], $0x20, s19, s19, $0xb8;
	[tilespmem:$0x166E8] =	vst v63  }
0x80: {  	s14 =	simm.s32 $0x140  }
0x81: {  	[tilespmem:s23], [sflag:$0x3] =	stream.indirect.gather [hbm4b:s0+s19], $0x20, s14, s19, $0xb8;
	[tilespmem:$0x166E8] =	vst v63  }
0x82: {  	s17 =	simm.s32 $0x1E0;
	s26 =	simm.s32 $0xD840  }
0x83: {  	[tilespmem:s26], [sflag:$0x4] =	stream.indirect.gather [hbm4b:s0+s19], $0x20, s17, s19, $0xb8;
	[tilespmem:$0x166E8] =	vst v63  }
0x84: {  	s28 =	simm.s32 $0x280  }
0x85: {  	[tilespmem:s29], [sflag:$0x5] =	stream.indirect.gather [hbm4b:s0+s19], $0x20, s28, s19, $0xb8;
	[tilespmem:$0x166E8] =	vst v63  }
.LBB2_4:
0x86: {  	_ =	swait.ge [sflag:s30], $0x1400  }
0x87: {  	s26 =	sshra.s32 s25, $0x2;
	[sflag:s30] =	ssyncset.done $0x0  }
0x88: {  	s6 =	simm.s32 @p0 $0x2;
	s8 =	sadd.s32 $0x4E20, s26;
	[sflag:s30] =	ssyncadd.s32 $0xFFFFEC00  }
0x89: {  	[spmem:s3] =	stream.indirect.scatter.add.bf16 [tilespmem:s20], [sflag:$0x6], $0x20, s8, s19, $0xb8;
	[tilespmem:$0x166E8] =	vst v63  }
0x8a: {  	_ =	swait.ge @p0 [sflag:s6], $0x1400  }
0x8b: {  	[sflag:s6] =	ssyncset.done @p0 $0x0  }
0x8c: {  	[sflag:s6] =	ssyncadd.s32 @p0 $0xFFFFEC00;
	s6 =	sshra.s32 @p0 s25, $0x2  }
0x8d: {  	s7 =	simm.s32 @p0 $0xA0;
	s12 =	simm.s32 @p0 $0xB040;
	s10 =	sadd.s32 @p0 $0x4EC0, s6  }
0x8e: {  	[spmem:s3] =	stream.indirect.scatter.add.bf16 @p0 [tilespmem:s12], [sflag:$0x7], $0x20, s10, s7, $0xb8;
	[tilespmem:$0x166E8] =	vst v63  }
0x8f: {  	s28 =	simm.s32 @!p0 $0xA0;
	s14 =	simm.s32 @!p0 $0x14E60;
	s10 =	simm.s32 @!p0 $0x2  }
0x90: {  	[spmem:s4] =	stream.indirect.scatter.add.f32 @!p0 [tilespmem:s14], [sflag:$0xB], $0x8, s8, s28, $0xb8;
	[tilespmem:$0x166E8] =	vst v63  }
0x91: {  	_ =	swait.ge @!p0 [sflag:s10], $0x1400  }
0x92: {  	s8 =	sshra.s32 @!p0 s25, $0x2;
	[sflag:s10] =	ssyncset.done @!p0 $0x0  }
0x93: {  	s13 =	simm.s32 @!p0 $0xB040;
	[sflag:s10] =	ssyncadd.s32 @!p0 $0xFFFFEC00;
	s10 =	sadd.s32 @!p0 $0x4EC0, s8  }
0x94: {  	[spmem:s3] =	stream.indirect.scatter.add.bf16 @!p0 [tilespmem:s13], [sflag:$0x7], $0x20, s10, s28, $0xb8;
	[tilespmem:$0x166E8] =	vst v63  }
0x95: {  	_ = 	snop  }
0x96: {  	[spmem:s4] =	stream.indirect.scatter.add.f32 @!p0 [tilespmem:s14], [sflag:$0xC], $0x8, s10, s28, $0xb8;
	[tilespmem:$0x166E8] =	vst v63  }
0x97: {  	_ =	swait.ge [sflag:s31], $0x1400  }
0x98: {  	[sflag:s31] =	ssyncset.done $0x0  }
0x99: {  	s11 =	simm.s32 @p0 $0x4;
	s10 =	sadd.s32 $0x4F60, s26;
	[sflag:s31] =	ssyncadd.s32 $0xFFFFEC00  }
0x9a: {  	[spmem:s3] =	stream.indirect.scatter.add.bf16 [tilespmem:s23], [sflag:$0x8], $0x20, s10, s19, $0xb8;
	[tilespmem:$0x166E8] =	vst v63  }
0x9b: {  	_ =	swait.ge @p0 [sflag:s11], $0x1400  }
0x9c: {  	[sflag:s11] =	ssyncset.done @p0 $0x0  }
0x9d: {  	s17 =	sadd.s32 @p0 $0x5000, s6;
	[sflag:s11] =	ssyncadd.s32 @p0 $0xFFFFEC00;
	s11 =	simm.s32 @p0 $0xD840  }
0x9e: {  	[spmem:s3] =	stream.indirect.scatter.add.bf16 @p0 [tilespmem:s11], [sflag:$0x9], $0x20, s17, s7, $0xb8;
	[tilespmem:$0x166E8] =	vst v63  }
0x9f: {  	_ = 	snop  }
0xa0: {  	[spmem:s4] =	stream.indirect.scatter.add.f32 @!p0 [tilespmem:s14], [sflag:$0xD], $0x8, s10, s28, $0xb8;
	[tilespmem:$0x166E8] =	vst v63  }
0xa1: {  	s10 =	simm.s32 @!p0 $0x4  }
0xa2: {  	_ =	swait.ge @!p0 [sflag:s10], $0x1400  }
0xa3: {  	[sflag:s10] =	ssyncset.done @!p0 $0x0  }
0xa4: {  	s17 =	sadd.s32 @!p0 $0x5000, s8;
	[sflag:s10] =	ssyncadd.s32 @!p0 $0xFFFFEC00;
	s10 =	simm.s32 @!p0 $0xD840  }
0xa5: {  	[spmem:s3] =	stream.indirect.scatter.add.bf16 @!p0 [tilespmem:s10], [sflag:$0x9], $0x20, s17, s28, $0xb8;
	[tilespmem:$0x166E8] =	vst v63  }
0xa6: {  	_ = 	snop  }
0xa7: {  	[spmem:s4] =	stream.indirect.scatter.add.f32 @!p0 [tilespmem:s14], [sflag:$0xE], $0x8, s17, s28, $0xb8;
	[tilespmem:$0x166E8] =	vst v63  }
0xa8: {  	_ =	swait.ge [sflag:s1], $0x1400  }
0xa9: {  	[sflag:s1] =	ssyncset.done $0x0  }
0xaa: {  	p2 =	seq.s32 s25, $0x12C00;
	s17 =	sadd.s32 $0x50A0, s26;
	[sflag:s1] =	ssyncadd.s32 $0xFFFFEC00  }
0xab: {  	[spmem:s3] =	stream.indirect.scatter.add.bf16 [tilespmem:s29], [sflag:$0xA], $0x20, s17, s19, $0xb8;
	[tilespmem:$0x166E8] =	vst v63  }
.Ltmp3:
0xac: {  	_ = 	snop;
	(pc) =	sbr.rel @p2 .LBB2_6-.Ltmp3, $4  }
0xad: {  	[spmem:s4] =	stream.indirect.scatter.add.f32 @!p0 [tilespmem:s14], [sflag:$0xF], $0x8, s17, s28, $0xb8;
	[tilespmem:$0x166E8] =	vst v63  }
0xae: {  	_ =	swait.ge [sflag:s2], $0x1400  }
0xaf: {  	[sflag:s2] =	ssyncset.done $0x0  }
0xb0: {  	[sflag:s2] =	ssyncadd.s32 $0xFFFFEC00  }
0xb1: {  	s14 =	simm.s32 @!p0 $0xB  }
0xb2: {  	_ =	swait.ge @!p0 [sflag:s14], $0x500  }
0xb3: {  	[sflag:s14] =	ssyncset.done @!p0 $0x0  }
0xb4: {  	s17 =	sadd.s32 $0x320, s26;
	[sflag:s14] =	ssyncadd.s32 @!p0 $0xFFFFFB00  }
0xb5: {  	[tilespmem:s20], [sflag:$0x1] =	stream.indirect.gather [hbm4b:s0+s19], $0x20, s17, s19, $0xb8;
	[tilespmem:$0x166E8] =	vst v63  }
0xb6: {  	_ =	swait.ge [sflag:s18], $0x1400  }
0xb7: {  	[sflag:s18] =	ssyncset.done $0x0  }
0xb8: {  	s14 =	sadd.s32 @p0 $0x3C0, s6;
	[sflag:s18] =	ssyncadd.s32 $0xFFFFEC00  }
0xb9: {  	[tilespmem:s12], [sflag:$0x2] =	stream.indirect.gather @p0 [hbm4b:s0+s7], $0x20, s14, s7, $0xb8;
	[tilespmem:$0x166E8] =	vst v63  }
0xba: {  	s12 =	simm.s32 @p0 $0x8  }
0xbb: {  	_ =	swait.ge @p0 [sflag:s12], $0x1400  }
0xbc: {  	[sflag:s12] =	ssyncset.done @p0 $0x0  }
0xbd: {  	[sflag:s12] =	ssyncadd.s32 @p0 $0xFFFFEC00;
	s12 =	simm.s32 @!p0 $0xC  }
0xbe: {  	_ =	swait.ge @!p0 [sflag:s12], $0x500  }
0xbf: {  	[sflag:s12] =	ssyncset.done @!p0 $0x0  }
0xc0: {  	[sflag:s12] =	ssyncadd.s32 @!p0 $0xFFFFFB00;
	s12 =	sadd.s32 @!p0 $0x3C0, s8  }
0xc1: {  	[tilespmem:s13], [sflag:$0x2] =	stream.indirect.gather @!p0 [hbm4b:s0+s28], $0x20, s12, s28, $0xb8;
	[tilespmem:$0x166E8] =	vst v63  }
0xc2: {  	s12 =	simm.s32 @!p0 $0x8  }
0xc3: {  	_ =	swait.ge @!p0 [sflag:s12], $0x1400  }
0xc4: {  	[sflag:s12] =	ssyncset.done @!p0 $0x0  }
0xc5: {  	[sflag:s12] =	ssyncadd.s32 @!p0 $0xFFFFEC00;
	s12 =	simm.s32 @!p0 $0xD  }
0xc6: {  	_ =	swait.ge @!p0 [sflag:s12], $0x500  }
0xc7: {  	[sflag:s12] =	ssyncset.done @!p0 $0x0  }
0xc8: {  	s17 =	sadd.s32 $0x460, s26;
	[sflag:s12] =	ssyncadd.s32 @!p0 $0xFFFFFB00  }
0xc9: {  	[tilespmem:s23], [sflag:$0x3] =	stream.indirect.gather [hbm4b:s0+s19], $0x20, s17, s19, $0xb8;
	[tilespmem:$0x166E8] =	vst v63  }
0xca: {  	_ =	swait.ge [sflag:s21], $0x1400  }
0xcb: {  	[sflag:s21] =	ssyncset.done $0x0  }
0xcc: {  	s6 =	sadd.s32 @p0 $0x500, s6;
	[sflag:s21] =	ssyncadd.s32 $0xFFFFEC00  }
0xcd: {  	[tilespmem:s11], [sflag:$0x4] =	stream.indirect.gather @p0 [hbm4b:s0+s7], $0x20, s6, s7, $0xb8;
	[tilespmem:$0x166E8] =	vst v63  }
0xce: {  	s6 =	simm.s32 @p0 $0xA  }
0xcf: {  	_ =	swait.ge @p0 [sflag:s6], $0x1400  }
0xd0: {  	[sflag:s6] =	ssyncset.done @p0 $0x0  }
0xd1: {  	[sflag:s6] =	ssyncadd.s32 @p0 $0xFFFFEC00;
	s6 =	simm.s32 @!p0 $0xE  }
0xd2: {  	_ =	swait.ge @!p0 [sflag:s6], $0x500  }
0xd3: {  	[sflag:s6] =	ssyncset.done @!p0 $0x0  }
0xd4: {  	[sflag:s6] =	ssyncadd.s32 @!p0 $0xFFFFFB00;
	s6 =	sadd.s32 @!p0 $0x500, s8  }
0xd5: {  	[tilespmem:s10], [sflag:$0x4] =	stream.indirect.gather @!p0 [hbm4b:s0+s28], $0x20, s6, s28, $0xb8;
	[tilespmem:$0x166E8] =	vst v63  }
0xd6: {  	s6 =	simm.s32 @!p0 $0xA  }
0xd7: {  	_ =	swait.ge @!p0 [sflag:s6], $0x1400  }
0xd8: {  	[sflag:s6] =	ssyncset.done @!p0 $0x0  }
.Ltmp4:
0xd9: {  	[sflag:s6] =	ssyncadd.s32 @!p0 $0xFFFFEC00;
	s6 =	simm.s32 @!p0 $0xF;
	(pc) =	sbr.rel .LBB2_4-.Ltmp4, $4  }
0xda: {  	_ =	swait.ge @!p0 [sflag:s6], $0x500  }
0xdb: {  	[sflag:s6] =	ssyncset.done @!p0 $0x0  }
0xdc: {  	s25 =	sadd.s32 $0xC80, s25;
	s28 =	sadd.s32 $0x5A0, s26;
	[sflag:s6] =	ssyncadd.s32 @!p0 $0xFFFFFB00  }
0xdd: {  	[tilespmem:s29], [sflag:$0x5] =	stream.indirect.gather [hbm4b:s0+s19], $0x20, s28, s19, $0xb8;
	[tilespmem:$0x166E8] =	vst v63  }
.LBB2_7:
0xde: {  	_ =	sfence.sel $0x180000  }
0xdf: {  	[bflag:$0x0] =	sbarrier.arrive $0xFFFF  }
0xe0: {  	_ =	strace $0x90000047  }
0xe1: {  	s0 =	stileid.u32;
	[bflag:$0x2] =	sbarrier.arrive $0xFFFF  }
0xe2: {  	p0 =	sne.s32 s0, $0x0;
	s0 =	rddreg [dreg:$0x6]  }
0xe3: {  	s0 =	sadd.s32 @!p0 $0x100000, s0  }
0xe4: {  	[sflag:s0] =	ssyncadd.tile.s32 @!p0 $0x1;
	_ =	shalt  }
.Lfunc_end2:
_tile_overlayer_lowered:
.L_overlay_start_2:
0xe5: {  	(tag) =	ssettag $0x2  }
0xe6: {  	s0 =	rddreg [dreg:$0x0];
	s2 =	stileid.u32  }
0xe7: {  	s1 =	rddreg [dreg:$0x1];
	p0 =	sne.s32 s2, $0x0  }
0xe8: {  	s3 =	rddreg [dreg:$0x2];
	[bflag:$0x3] =	sbarrier.arrive $0xFFFF;
	s2 =	simm.s32 @!p0 $0x1C10  }
0xe9: {  	[timem:s3], [sflag:s2] =	dma.local @!p0 [hbm:s0], s1  }
0xea: {  	s0 =	simm.s32 @!p0 $0x10  }
0xeb: {  	_ =	swait.ge @!p0 [sflag:s0], s1  }
0xec: {  	s1 =	ssub.s32 @!p0 $0x0, s1;
	[sflag:s0] =	ssyncset.done @!p0 $0x0  }
0xed: {  	[sflag:s0] =	ssyncadd.s32 @!p0 s1  }
0xee: {  	[bflag:$0x3] =	sbarrier.arrive $0xFFFF  }
0xef: {  	_ =	shalt  }

// kernel: kernel.9.cloned.1.call-start
scs
__scs_entry_jumppad:
0x0: {  	(pc) =	sbr.rel $0x88, $3  }
0x1: {  	(tag) =	ssettag $0x0;
	lr =	simm.s32 $0x1  }
0x2: {  	[smem:$0x3F99] =	sst lr;
	_ =	strace $0xD0000000  }
0x3: {  	_ = 	snop  }
0x4: {  	_ = 	snop  }
0x5: {  	_ = 	snop  }
0x6: {  	_ = 	snop  }
0x7: {  	_ = 	snop  }
__scs_overlays_trampoline_lowered:
0x8: {  	[smem:$0x3FA8] =	sst s0  }
0x9: {  	[smem:$0x3FA9] =	sst s1  }
0xa: {  	[smem:$0x3FAA] =	sst s2  }
0xb: {  	[smem:$0x3FAB] =	sst s3  }
0xc: {  	[smem:$0x3FAC] =	sst s4  }
0xd: {  	[smem:$0x3FAD] =	sst s5  }
0xe: {  	[smem:$0x3FAE] =	sst s6  }
0xf: {  	[smem:$0x3FAF] =	sst s7  }
0x10: {  	[smem:$0x3FB0] =	sst s8  }
0x11: {  	[smem:$0x3FB1] =	sst s9;
	s0 =	simm.s32 @!p0 $0x0  }
0x12: {  	s1 =	sld [smem:$0x3F97];
	s0 =	simm.s32 @p0 $0x1  }
0x13: {  	[smem:$0x3FB2] =	sst s0;
	s0 =	simm.s32 @!p1 $0x0  }
0x14: {  	s2 =	sld [smem:$0x3F96];
	s0 =	simm.s32 @p1 $0x1  }
0x15: {  	[smem:$0x3FB3] =	sst s0;
	s0 =	simm.s32 @!p2 $0x0  }
0x16: {  	s3 =	sld [smem:$0x3FDB];
	s0 =	simm.s32 @p2 $0x1  }
0x17: {  	s4 =	simm.s32 $0x1BF5;
	[smem:$0x3FB5] =	sst s0  }
0x18: {  	s0 =	sld [smem:$0x3F98];
	_ =	swait.ge [sflag:s4], $0x0  }
0x19: {  	s7 =	sld [smem:$0x3F99]  }
0x1a: {  	s8 =	sadd.s32 $0xFFFFE003, lr  }
0x1b: {  	s9 =	sadd.s32 $0xFFFFFEF7, lr;
	s5 =	simm.s32 $0xFFFFFFFF;
	p2 =	slt.u32 s8, $0xFFFFF086  }
0x1c: {  	p1 =	slt.u32 s9, $0xF7A;
	s5 =	simm.s32 @!p2 $0x0  }
0x1d: {  	s5 =	simm.s32 @p1 $0x1;
	p0 =	seq.s32 s7, s2  }
0x1e: {  	s7 =	smul.u32 @!p0 $0xF7A, s2;
	p2 =	seq.s32 @!p0 s5, $0x0  }
0x1f: {  	s9 =	smul.u32 $0xF7A, s1;
	s8 =	simm.s32 @!p0 $0x1BF5;
	p2 =	por !p2, p0  }
0x20: {  	[sflag:s8] =	ssyncset.s32 @!p0 $0xFFFFF086;
	s6 =	sadd.s32 @!p0 s3, s7;
	s7 =	simm.s32 @!p0 $0x108  }
0x21: {  	s3 =	sadd.s32 s3, s9;
	s6 =	sadd.s32 @!p0 $0x88, s6;
	s7 =	simm.s32 @p2 $0x1082  }
0x22: {  	[simem:s7], [sflag:s8] =	dma.local @!p0 [hbm:s6], $0xF7A  }
0x23: {  	s9 =	sor.u32 $0xD0000000, s2;
	s6 =	simm.s32 $0x108;
	_ =	swait.ge @!p0 [sflag:s8], $0x0  }
0x24: {  	s3 =	sadd.s32 $0x88, s3;
	s6 =	simm.s32 @!p1 $0x1082;
	[sflag:s4] =	ssyncset.s32 $0xFFFFF086  }
0x25: {  	[simem:s6], [sflag:s4] =	dma.local [hbm:s3], $0xF7A  }
0x26: {  	[smem:$0x3F99] =	sst s1;
	(tag) =	ssettag s2;
	_ =	strace s9  }
0x27: {  	s1 =	sld [smem:$0x3FA9]  }
0x28: {  	s2 =	sld [smem:$0x3FAA]  }
0x29: {  	s4 =	sld [smem:$0x3FAC]  }
0x2a: {  	p0 =	seq.s32 s5, $0x0;
	s5 =	sld [smem:$0x3FAD]  }
0x2b: {  	s6 =	sld [smem:$0x3FAE]  }
0x2c: {  	s7 =	sld [smem:$0x3FAF]  }
0x2d: {  	s3 =	simm.s32 $0x108;
	s8 =	sld [smem:$0x3FB0]  }
0x2e: {  	s3 =	simm.s32 @!p0 $0x1082;
	s9 =	sld [smem:$0x3FB1]  }
0x2f: {  	lr =	sadd.s32 s0, s3;
	s0 =	sld [smem:$0x3FA8]  }
0x30: {  	s3 =	sld [smem:$0x3FAB]  }
0x31: {  	[smem:$0x3FB4] =	sst s10  }
0x32: {  	s10 =	sld [smem:$0x3FB2];
	_ =	sdelay $0x3  }
0x33: {  	p0 =	seq.s32 s10, $0x1;
	s10 =	sld [smem:$0x3FB4];
	_ =	sdelay $0x3  }
0x34: {  	[smem:$0x3FB4] =	sst s10  }
0x35: {  	s10 =	sld [smem:$0x3FB3];
	_ =	sdelay $0x3  }
0x36: {  	p1 =	seq.s32 s10, $0x1;
	s10 =	sld [smem:$0x3FB4];
	_ =	sdelay $0x3  }
0x37: {  	[smem:$0x3FB4] =	sst s10  }
0x38: {  	s10 =	sld [smem:$0x3FB5]  }
0x39: {  	_ = 	snop;
	(pc) =	sbr.ind lr, $3  }
0x3a: {  	_ = 	snop  }
0x3b: {  	_ = 	snop  }
0x3c: {  	p2 =	seq.s32 s10, $0x1;
	s10 =	sld [smem:$0x3FB4]  }
0x3d: {  	_ =	shalt  }
0x3e: {  	_ =	shalt  }
0x3f: {  	_ =	shalt  }
0x40: {  	_ =	shalt  }
0x41: {  	_ =	shalt  }
0x42: {  	_ =	shalt  }
0x43: {  	_ =	shalt  }
0x44: {  	_ =	shalt  }
0x45: {  	_ =	shalt  }
0x46: {  	_ =	shalt  }
0x47: {  	_ =	shalt  }
0x48: {  	_ =	shalt  }
0x49: {  	_ =	shalt  }
0x4a: {  	_ =	shalt  }
0x4b: {  	_ =	shalt  }
0x4c: {  	_ =	shalt  }
0x4d: {  	_ =	shalt  }
0x4e: {  	_ =	shalt  }
0x4f: {  	_ =	shalt  }
0x50: {  	_ =	shalt  }
0x51: {  	_ =	shalt  }
0x52: {  	_ =	shalt  }
0x53: {  	_ =	shalt  }
0x54: {  	_ =	shalt  }
0x55: {  	_ =	shalt  }
0x56: {  	_ =	shalt  }
0x57: {  	_ =	shalt  }
0x58: {  	_ =	shalt  }
0x59: {  	_ =	shalt  }
0x5a: {  	_ =	shalt  }
0x5b: {  	_ =	shalt  }
0x5c: {  	_ =	shalt  }
0x5d: {  	_ =	shalt  }
0x5e: {  	_ =	shalt  }
0x5f: {  	_ =	shalt  }
0x60: {  	_ =	shalt  }
0x61: {  	_ =	shalt  }
0x62: {  	_ =	shalt  }
0x63: {  	_ =	shalt  }
0x64: {  	_ =	shalt  }
0x65: {  	_ =	shalt  }
0x66: {  	_ =	shalt  }
0x67: {  	_ =	shalt  }
0x68: {  	_ =	shalt  }
0x69: {  	_ =	shalt  }
0x6a: {  	_ =	shalt  }
0x6b: {  	_ =	shalt  }
0x6c: {  	_ =	shalt  }
0x6d: {  	_ =	shalt  }
0x6e: {  	_ =	shalt  }
0x6f: {  	_ =	shalt  }
0x70: {  	_ =	shalt  }
0x71: {  	_ =	shalt  }
0x72: {  	_ =	shalt  }
0x73: {  	_ =	shalt  }
0x74: {  	_ =	shalt  }
0x75: {  	_ =	shalt  }
0x76: {  	_ =	shalt  }
0x77: {  	_ =	shalt  }
0x78: {  	_ =	shalt  }
0x79: {  	_ =	shalt  }
0x7a: {  	_ =	shalt  }
0x7b: {  	_ =	shalt  }
0x7c: {  	_ =	shalt  }
0x7d: {  	_ =	shalt  }
0x7e: {  	_ =	shalt  }
0x7f: {  	_ =	shalt  }
0x80: {  	_ =	shalt  }
0x81: {  	_ =	shalt  }
0x82: {  	_ =	shalt  }
0x83: {  	_ =	shalt  }
0x84: {  	_ =	shalt  }
0x85: {  	_ =	shalt  }
0x86: {  	_ =	shalt  }
0x87: {  	_ =	shalt  }
.Lfunc_end0:
.L_simem_size_0:
called_computation.1_lowered:
.L_overlay_start_0:
0x88: {  	s2 =	sld [smem:$0x3FD9]  }
0x89: {  	s3 =	sld [smem:$0x3FFE];
	_ =	sdelay $0x1  }
0x8a: {  	s1 =	srdreg.scid  }
0x8b: {  	s0 =	sand.u32 $0x1, s1  }
0x8c: {  	s14 =	sshll.u32 s0, $0xA;
	s2 =	sadd.s32 s3, s2  }
0x8d: {  	s2 =	sadd.s32 s2, s14  }
0x8e: {  	[smem:$0x3FC0] =	sst s2  }
0x8f: {  	_ = 	snop  }
0x90: {  	s2 =	sld [smem:$0x3FD0];
	_ =	sdelay $0x2  }
0x91: {  	s15 =	simm.s32 $0xA;
	s4 =	simm.s32 $0x10  }
0x92: {  	[smem:s4], [sflag:s15] =	dma.local [hbm:s2], $0x1  }
0x93: {  	_ =	swait.eq [sflag:s15], $0x1  }
0x94: {  	[sflag:s15] =	ssyncset.done $0x0  }
0x95: {  	[sflag:s15] =	ssyncadd.s32 $0xFFFFFFFF  }
0x96: {  	s16 =	sld [smem:$0x10];
	(tm) =	ssettm $0x1  }
0x97: {  	s17 =	sld [smem:$0x3FFB];
	_ =	sdelay $0x3  }
0x98: {  	_ =	strace s17  }
0x99: {  	s3 =	sld [smem:$0x3FFC];
	_ =	sdelay $0x3  }
0x9a: {  	_ =	strace s3  }
0x9b: {  	s3 =	sld [smem:$0x3FFD];
	_ =	sdelay $0x3  }
0x9c: {  	_ =	strace s3  }
0x9d: {  	_ =	strace $0x8FFFFFFF  }
0x9e: {  	s18 =	sld [smem:$0x3FDB];
	_ =	sdelay $0x1  }
0x9f: {  	s19 =	simm.s32 $_scs_section_size  }
0xa0: {  	s5 =	simm.s32 $_size__tile_overlayer_lowered;
	s6 =	simm.s32 $_tile_overlayer_lowered  }
0xa1: {  	s22 =	simm.s32 $0x1BFF;
	s21 =	sshll.u32 s6, $0x1;
	s3 =	sadd.s32 s19, s18  }
0xa2: {  	s7 =	simm.s32 $0x0;
	s20 =	sshll.u32 s5, $0x1;
	s5 =	sadd.s32 s21, s3  }
0xa3: {  	[timem:s7], [sflag:s22] =	dma.local [hbm:s5], s20  }
0xa4: {  	_ =	swait.ge [sflag:s22], s20  }
0xa5: {  	s4 =	ssub.s32 $0x0, s20;
	[sflag:s22] =	ssyncset.done $0x0  }
0xa6: {  	[sflag:s22] =	ssyncadd.s32 s4;
	_ =	sdelay $0x1  }
0xa7: {  	s23 =	simm.s32 $0x1B8B  }
0xa8: {  	_ =	swait.ge [sflag:s23], $0x1  }
0xa9: {  	[sflag:s23] =	ssyncset.done $0x0  }
0xaa: {  	s25 =	simm.s32 $0x1B8E;
	s24 =	sld [smem:$0x3FFE];
	[sflag:s23] =	ssyncadd.s32 $0xFFFFFFFF  }
0xab: {  	s26 =	simm.s32 $execute0_lowered;
	[smem:$0x3FD2] =	sst s25  }
0xac: {  	s5 =	sshll.u32 s26, $0x1;
	_ =	strace $0x80000049;
	[dreg:$0x1] =	wrdreg $0xFFFFFFFF  }
0xad: {  	s28 =	simm.s32 $_size_execute0_lowered;
	s3 =	sadd.s32 s3, s5;
	[dreg:$0x0] =	wrdreg $0x0  }
0xae: {  	s5 =	sshll.u32 s28, $0x1;
	[dreg:$0x2] =	wrdreg s3  }
0xaf: {  	[dreg:$0x3] =	wrdreg s5  }
0xb0: {  	[dreg:$0x4] =	wrdreg $0xC0  }
0xb1: {  	_ =	task [dreg:s7], $0x5FFFF  }
0xb2: {  	[dreg:$0x1] =	wrdreg $0xFFFFFFFF  }
0xb3: {  	[dreg:$0x0] =	wrdreg $0x60  }
0xb4: {  	[dreg:$0x2] =	wrdreg s24  }
0xb5: {  	[dreg:$0x3] =	wrdreg s16  }
0xb6: {  	[dreg:$0x4] =	wrdreg $0xCB200  }
0xb7: {  	[dreg:$0x5] =	wrdreg $0x9  }
0xb8: {  	_ =	task.clear_ibuf [dreg:s7], $0x6FFFF;
	_ =	strace $0x90000049  }
0xb9: {  	s29 =	simm.s32 $0x9;
	_ =	strace $0x8000004B  }
0xba: {  	_ =	swait.ge [sflag:s29], $0x1  }
0xbb: {  	[sflag:s29] =	ssyncadd.s32 $0xFFFFFFFF  }
0xbc: {  	_ =	strace $0x9000004B  }
0xbd: {  	_ =	sfence  }
0xbe: {  	s30 =	sld [smem:$0x0];
	_ =	sdelay $0x2  }
0xbf: {  	s31 =	sshll.u32 s1, $0xD;
	s1 =	sshrl.u32 s1, $0x2  }
0xc0: {  	s3 =	sand.u32 $0x4000, s31;
	s1 =	sadd.s32 s1, s30  }
0xc1: {  	s0 =	sor.u32 s3, s0;
	s1 =	sshll.u32 s1, $0x11  }
0xc2: {  	s0 =	sor.u32 s1, s0  }
0xc3: {  	s0 =	sadd.s32 $0x8F2B, s0  }
0xc4: {  	[sflag:s0] =	ssyncadd.remote.s32 $0x1  }
0xc5: {  	_ =	sfence.sel $0xFFFF  }
0xc6: {  	[dreg:$0x0] =	wrdreg $0xFFFFFFFF;
	(pc) =	sbr.abs _section_cstart, $3  }
0xc7: {  	[dreg:$0x1] =	wrdreg $0xFFFFFFFF  }
0xc8: {  	_ =	task.clear_ibuf [dreg:s7], $0x2FFFF;
	_ =	strace $0x9FFFFFFF  }
0xc9: {  	(tm) =	ssettm $0x7FFFFFFF  }
tec
execute0_lowered:
.L_overlay_start_1:
0x0: {  	(tag) =	ssettag $0x1  }
0x1: {  	s0 =	rddreg [dreg:$0x0]  }
0x2: {  	s3 =	rddreg [dreg:$0x2]  }
0x3: {  	s1 =	srdreg.scid;
	s8 =	stileid.u32  }
0x4: {  	s4 =	simm.s32 $0x0;
	s12 =	simm.s32 $0xB;
	s14 =	simm.s32 $0xC8  }
0x5: {  	s15 =	simm.s32 $0x4E20;
	s16 =	simm.s32 $0x6720;
	s18 =	simm.s32 $0x8020  }
0x6: {  	s20 =	simm.s32 $0x9920;
	s22 =	simm.s32 $0xB220;
	s23 =	simm.s32 $0x1  }
0x7: {  	s24 =	simm.s32 $0x2;
	s28 =	simm.s32 $0x5;
	s29 =	simm.s32 $0x6  }
0x8: {  	s30 =	simm.s32 $0x7;
	s31 =	simm.s32 $0x8;
	s21 =	simm.s32 $0x4D58  }
0x9: {  	s1 =	sand.u32 $0x1, s1;
	s2 =	sshll.u32 s8, $0x1;
	s6 =	smul.u32 $0x4E20, s8  }
0xa: {  	[smem:$0x7FF] =	sst s4;
	s5 =	sadd.s32 $0x15800, s0;
	s26 =	sshll.u32 s8, $0x6  }
0xb: {  	s2 =	sor.u32 s1, s2;
	s7 =	smul.u32 $0x4E200, s1;
	s1 =	ssub.s32 $0x2, s1  }
0xc: {  	_ =	strace $0x8000004A;
	s2 =	smul.u32 $0x2710, s2;
	s25 =	sshrl.u32 s1, $0x1  }
0xd: {  	s11 =	sadd.s32 s6, s3;
	s7 =	sadd.s32 s6, s7;
	s1 =	ssub.s32 s1, s25  }
0xe: {  	s6 =	sor.u32 $0x1C0B, s26;
	s11 =	sshrl.u32 s11, $0x3;
	s25 =	simm.s32 $0x3  }
0xf: {  	s26 =	simm.s32 $0x4;
	s2 =	sshrl.u32 s2, $0x3;
	s7 =	sshrl.u32 s7, $0x3  }
0x10: {  	s10 =	smax.u32 s1, $0x1;
	s1 =	simm.s32 $0xA;
	s2 =	sadd.s32 s2, s0  }
0x11: {  	s0 =	sadd.s32 s7, s0;
	s7 =	sadd.s32 $0x1E00, s2;
	s8 =	sadd.s32 $0xBA40, s2  }
0x12: {  	s9 =	sadd.s32 $0x1F600, s0;
	s0 =	simm.s32 $0x9;
	s2 =	simm.s32 $0x0  }
.LBB2_1:
0x13: {  	s13 =	rddreg [dreg:$0x1]  }
0x14: {  	[spmem:s11], [sflag:s6] =	dma.local [hbm:s13], $0x9C4  }
0x15: {  	_ =	swait.ge [sflag:s12], $0x9C4  }
0x16: {  	[sflag:s12] =	ssyncset.done $0x0  }
0x17: {  	[sflag:s12] =	ssyncadd.s32 $0xFFFFF63C  }
0x18: {  	[bflag:$0x0] =	sbarrier.arrive $0xFFFF  }
0x19: {  	[tilespmem:s4], [sflag:$0xB] =	stream.linear.gather [hbm4b:s7+s4], $0x2710, $0x38;
	[tilespmem:$0x11940] =	vst v63  }
0x1a: {  	_ =	swait.ge [sflag:s12], $0x2710  }
0x1b: {  	[sflag:s12] =	ssyncset.done $0x0  }
0x1c: {  	s19 =	simm.s32 $0x2710;
	[sflag:s12] =	ssyncadd.s32 $0xFFFFD8F0  }
0x1d: {  	[tilespmem:s19], [sflag:$0xB] =	stream.linear.gather [hbm4b:s8+s4], $0x2710, $0x38;
	[tilespmem:$0x11940] =	vst v63  }
0x1e: {  	_ =	swait.ge [sflag:s12], $0x2710  }
0x1f: {  	[sflag:s12] =	ssyncset.done $0x0  }
0x20: {  	[sflag:s12] =	ssyncadd.s32 $0xFFFFD8F0  }
0x21: {  	[tilespmem:s15], [sflag:$0x1] =	stream.indirect.gather [hbm4b:s5+s14], $0x20, s4, s14, $0xb8;
	[tilespmem:$0x11940] =	vst v63  }
0x22: {  	_ = 	snop  }
0x23: {  	[tilespmem:s16], [sflag:$0x2] =	stream.indirect.gather [hbm4b:s5+s14], $0x20, s14, s14, $0xb8;
	[tilespmem:$0x11940] =	vst v63  }
0x24: {  	s17 =	simm.s32 $0x190  }
0x25: {  	[tilespmem:s18], [sflag:$0x3] =	stream.indirect.gather [hbm4b:s5+s14], $0x20, s17, s14, $0xb8;
	[tilespmem:$0x11940] =	vst v63  }
0x26: {  	s19 =	simm.s32 $0x258  }
0x27: {  	[tilespmem:s20], [sflag:$0x4] =	stream.indirect.gather [hbm4b:s5+s14], $0x20, s19, s14, $0xb8;
	[tilespmem:$0x11940] =	vst v63  }
0x28: {  	s17 =	simm.s32 $0x320  }
0x29: {  	[tilespmem:s22], [sflag:$0x5] =	stream.indirect.gather [hbm4b:s5+s14], $0x20, s17, s14, $0xb8;
	[tilespmem:$0x11940] =	vst v63  }
0x2a: {  	_ =	swait.ge [sflag:s23], $0x1900  }
0x2b: {  	[sflag:s23] =	ssyncset.done $0x0  }
0x2c: {  	s19 =	simm.s32 $0x2710;
	[sflag:s23] =	ssyncadd.s32 $0xFFFFE700  }
0x2d: {  	[spmem:s3] =	stream.indirect.scatter.add.f32 [tilespmem:s15], [sflag:$0x6], $0x20, s19, s14, $0xb8;
	[tilespmem:$0x11940] =	vst v63  }
0x2e: {  	_ =	swait.ge [sflag:s24], $0x1900  }
0x2f: {  	[sflag:s24] =	ssyncset.done $0x0  }
0x30: {  	s17 =	simm.s32 $0x27D8;
	[sflag:s24] =	ssyncadd.s32 $0xFFFFE700  }
0x31: {  	[spmem:s3] =	stream.indirect.scatter.add.f32 [tilespmem:s16], [sflag:$0x7], $0x20, s17, s14, $0xb8;
	[tilespmem:$0x11940] =	vst v63  }
0x32: {  	_ =	swait.ge [sflag:s25], $0x1900  }
0x33: {  	[sflag:s25] =	ssyncset.done $0x0  }
0x34: {  	s19 =	simm.s32 $0x28A0;
	[sflag:s25] =	ssyncadd.s32 $0xFFFFE700  }
0x35: {  	[spmem:s3] =	stream.indirect.scatter.add.f32 [tilespmem:s18], [sflag:$0x8], $0x20, s19, s14, $0xb8;
	[tilespmem:$0x11940] =	vst v63  }
0x36: {  	_ =	swait.ge [sflag:s26], $0x1900  }
0x37: {  	[sflag:s26] =	ssyncset.done $0x0  }
0x38: {  	s17 =	simm.s32 $0x2968;
	[sflag:s26] =	ssyncadd.s32 $0xFFFFE700  }
0x39: {  	[spmem:s3] =	stream.indirect.scatter.add.f32 [tilespmem:s20], [sflag:$0x9], $0x20, s17, s14, $0xb8;
	[tilespmem:$0x11940] =	vst v63  }
0x3a: {  	_ =	swait.ge [sflag:s28], $0x1900  }
0x3b: {  	[sflag:s28] =	ssyncset.done $0x0  }
0x3c: {  	s19 =	simm.s32 $0x2A30;
	[sflag:s28] =	ssyncadd.s32 $0xFFFFE700  }
0x3d: {  	[spmem:s3] =	stream.indirect.scatter.add.f32 [tilespmem:s22], [sflag:$0xA], $0x20, s19, s14, $0xb8;
	[tilespmem:$0x11940] =	vst v63  }
0x3e: {  	_ =	swait.ge [sflag:s29], $0x1900  }
0x3f: {  	[sflag:s29] =	ssyncset.done $0x0  }
0x40: {  	s17 =	simm.s32 $0x3E8;
	[sflag:s29] =	ssyncadd.s32 $0xFFFFE700  }
0x41: {  	[tilespmem:s15], [sflag:$0x1] =	stream.indirect.gather [hbm4b:s5+s14], $0x20, s17, s14, $0xb8;
	[tilespmem:$0x11940] =	vst v63  }
0x42: {  	_ =	swait.ge [sflag:s30], $0x1900  }
0x43: {  	[sflag:s30] =	ssyncset.done $0x0  }
0x44: {  	s19 =	simm.s32 $0x4B0;
	[sflag:s30] =	ssyncadd.s32 $0xFFFFE700  }
0x45: {  	[tilespmem:s16], [sflag:$0x2] =	stream.indirect.gather [hbm4b:s5+s14], $0x20, s19, s14, $0xb8;
	[tilespmem:$0x11940] =	vst v63  }
0x46: {  	_ =	swait.ge [sflag:s31], $0x1900  }
0x47: {  	[sflag:s31] =	ssyncset.done $0x0  }
0x48: {  	s17 =	simm.s32 $0x578;
	[sflag:s31] =	ssyncadd.s32 $0xFFFFE700  }
0x49: {  	[tilespmem:s18], [sflag:$0x3] =	stream.indirect.gather [hbm4b:s5+s14], $0x20, s17, s14, $0xb8;
	[tilespmem:$0x11940] =	vst v63  }
0x4a: {  	_ =	swait.ge [sflag:s0], $0x1900  }
0x4b: {  	[sflag:s0] =	ssyncset.done $0x0  }
0x4c: {  	s19 =	simm.s32 $0x640;
	[sflag:s0] =	ssyncadd.s32 $0xFFFFE700  }
0x4d: {  	[tilespmem:s20], [sflag:$0x4] =	stream.indirect.gather [hbm4b:s5+s14], $0x20, s19, s14, $0xb8;
	[tilespmem:$0x11940] =	vst v63  }
0x4e: {  	_ =	swait.ge [sflag:s1], $0x1900  }
0x4f: {  	[sflag:s1] =	ssyncset.done $0x0  }
0x50: {  	s13 =	simm.s32 $0xFA0;
	s17 =	simm.s32 $0x708;
	[sflag:s1] =	ssyncadd.s32 $0xFFFFE700  }
.LBB2_2:
0x51: {  	[tilespmem:s22], [sflag:$0x5] =	stream.indirect.gather [hbm4b:s5+s14], $0x20, s17, s14, $0xb8;
	[tilespmem:$0x11940] =	vst v63  }
0x52: {  	s17 =	smov.u32 s13  }
0x53: {  	p0 =	sne.s32 s13, $0x7D00;
	s13 =	sadd.s32 $0xFA0, s13;
	_ =	swait.ge [sflag:s23], $0x1900  }
0x54: {  	s17 =	sshra.s32 s17, $0x2;
	[sflag:s23] =	ssyncset.done $0x0  }
0x55: {  	s19 =	sadd.s32 $0x2710, s17;
	[sflag:s23] =	ssyncadd.s32 $0xFFFFE700  }
0x56: {  	[spmem:s3] =	stream.indirect.scatter.add.f32 [tilespmem:s15], [sflag:$0x6], $0x20, s19, s14, $0xb8;
	[tilespmem:$0x11940] =	vst v63  }
0x57: {  	_ =	swait.ge [sflag:s24], $0x1900  }
0x58: {  	[sflag:s24] =	ssyncset.done $0x0  }
0x59: {  	s19 =	sadd.s32 $0x27D8, s17;
	[sflag:s24] =	ssyncadd.s32 $0xFFFFE700  }
0x5a: {  	[spmem:s3] =	stream.indirect.scatter.add.f32 [tilespmem:s16], [sflag:$0x7], $0x20, s19, s14, $0xb8;
	[tilespmem:$0x11940] =	vst v63  }
0x5b: {  	_ =	swait.ge [sflag:s25], $0x1900  }
0x5c: {  	[sflag:s25] =	ssyncset.done $0x0  }
0x5d: {  	s19 =	sadd.s32 $0x28A0, s17;
	[sflag:s25] =	ssyncadd.s32 $0xFFFFE700  }
0x5e: {  	[spmem:s3] =	stream.indirect.scatter.add.f32 [tilespmem:s18], [sflag:$0x8], $0x20, s19, s14, $0xb8;
	[tilespmem:$0x11940] =	vst v63  }
0x5f: {  	_ =	swait.ge [sflag:s26], $0x1900  }
0x60: {  	[sflag:s26] =	ssyncset.done $0x0  }
0x61: {  	s19 =	sadd.s32 $0x2968, s17;
	[sflag:s26] =	ssyncadd.s32 $0xFFFFE700  }
0x62: {  	[spmem:s3] =	stream.indirect.scatter.add.f32 [tilespmem:s20], [sflag:$0x9], $0x20, s19, s14, $0xb8;
	[tilespmem:$0x11940] =	vst v63  }
0x63: {  	_ =	swait.ge [sflag:s28], $0x1900  }
0x64: {  	[sflag:s28] =	ssyncset.done $0x0  }
0x65: {  	s19 =	sadd.s32 $0x2A30, s17;
	[sflag:s28] =	ssyncadd.s32 $0xFFFFE700  }
0x66: {  	[spmem:s3] =	stream.indirect.scatter.add.f32 [tilespmem:s22], [sflag:$0xA], $0x20, s19, s14, $0xb8;
	[tilespmem:$0x11940] =	vst v63  }
0x67: {  	_ =	swait.ge [sflag:s29], $0x1900  }
0x68: {  	[sflag:s29] =	ssyncset.done $0x0  }
0x69: {  	s19 =	sadd.s32 $0x3E8, s17;
	[sflag:s29] =	ssyncadd.s32 $0xFFFFE700  }
0x6a: {  	[tilespmem:s15], [sflag:$0x1] =	stream.indirect.gather [hbm4b:s5+s14], $0x20, s19, s14, $0xb8;
	[tilespmem:$0x11940] =	vst v63  }
0x6b: {  	_ =	swait.ge [sflag:s30], $0x1900  }
0x6c: {  	[sflag:s30] =	ssyncset.done $0x0  }
0x6d: {  	s19 =	sadd.s32 $0x4B0, s17;
	[sflag:s30] =	ssyncadd.s32 $0xFFFFE700  }
0x6e: {  	[tilespmem:s16], [sflag:$0x2] =	stream.indirect.gather [hbm4b:s5+s14], $0x20, s19, s14, $0xb8;
	[tilespmem:$0x11940] =	vst v63  }
0x6f: {  	_ =	swait.ge [sflag:s31], $0x1900  }
0x70: {  	[sflag:s31] =	ssyncset.done $0x0  }
0x71: {  	s19 =	sadd.s32 $0x578, s17;
	[sflag:s31] =	ssyncadd.s32 $0xFFFFE700  }
0x72: {  	[tilespmem:s18], [sflag:$0x3] =	stream.indirect.gather [hbm4b:s5+s14], $0x20, s19, s14, $0xb8;
	[tilespmem:$0x11940] =	vst v63  }
0x73: {  	_ =	swait.ge [sflag:s0], $0x1900  }
0x74: {  	[sflag:s0] =	ssyncset.done $0x0  }
.Ltmp0:
0x75: {  	s19 =	sadd.s32 $0x640, s17;
	[sflag:s0] =	ssyncadd.s32 $0xFFFFE700;
	(pc) =	sbr.rel @p0 .LBB2_2-.Ltmp0, $4  }
0x76: {  	[tilespmem:s20], [sflag:$0x4] =	stream.indirect.gather [hbm4b:s5+s14], $0x20, s19, s14, $0xb8;
	[tilespmem:$0x11940] =	vst v63  }
0x77: {  	_ =	swait.ge [sflag:s1], $0x1900  }
0x78: {  	[sflag:s1] =	ssyncset.done $0x0  }
0x79: {  	s17 =	sadd.s32 $0x708, s17;
	[sflag:s1] =	ssyncadd.s32 $0xFFFFE700  }
0x7a: {  	[tilespmem:s22], [sflag:$0x5] =	stream.indirect.gather [hbm4b:s5+s14], $0x20, s17, s14, $0xb8;
	[tilespmem:$0x11940] =	vst v63  }
0x7b: {  	_ =	swait.ge [sflag:s23], $0x1900  }
0x7c: {  	[sflag:s23] =	ssyncset.done $0x0  }
0x7d: {  	s13 =	simm.s32 $0x4A38;
	[sflag:s23] =	ssyncadd.s32 $0xFFFFE700  }
0x7e: {  	[spmem:s3] =	stream.indirect.scatter.add.f32 [tilespmem:s15], [sflag:$0x6], $0x20, s13, s14, $0xb8;
	[tilespmem:$0x11940] =	vst v63  }
0x7f: {  	_ =	swait.ge [sflag:s24], $0x1900  }
0x80: {  	[sflag:s24] =	ssyncset.done $0x0  }
0x81: {  	s19 =	simm.s32 $0x4B00;
	[sflag:s24] =	ssyncadd.s32 $0xFFFFE700  }
0x82: {  	[spmem:s3] =	stream.indirect.scatter.add.f32 [tilespmem:s16], [sflag:$0x7], $0x20, s19, s14, $0xb8;
	[tilespmem:$0x11940] =	vst v63  }
0x83: {  	_ =	swait.ge [sflag:s25], $0x1900  }
0x84: {  	[sflag:s25] =	ssyncset.done $0x0  }
0x85: {  	s17 =	simm.s32 $0x4BC8;
	[sflag:s25] =	ssyncadd.s32 $0xFFFFE700  }
0x86: {  	[spmem:s3] =	stream.indirect.scatter.add.f32 [tilespmem:s18], [sflag:$0x8], $0x20, s17, s14, $0xb8;
	[tilespmem:$0x11940] =	vst v63  }
0x87: {  	_ =	swait.ge [sflag:s26], $0x1900  }
0x88: {  	[sflag:s26] =	ssyncset.done $0x0  }
0x89: {  	s19 =	simm.s32 $0x4C90;
	[sflag:s26] =	ssyncadd.s32 $0xFFFFE700  }
0x8a: {  	[spmem:s3] =	stream.indirect.scatter.add.f32 [tilespmem:s20], [sflag:$0x9], $0x20, s19, s14, $0xb8;
	[tilespmem:$0x11940] =	vst v63  }
0x8b: {  	_ =	swait.ge [sflag:s28], $0x1900  }
0x8c: {  	[sflag:s28] =	ssyncset.done $0x0  }
0x8d: {  	[sflag:s28] =	ssyncadd.s32 $0xFFFFE700  }
0x8e: {  	[spmem:s3] =	stream.indirect.scatter.add.f32 [tilespmem:s22], [sflag:$0xA], $0x20, s21, s14, $0xb8;
	[tilespmem:$0x11940] =	vst v63  }
0x8f: {  	_ =	swait.ge [sflag:s29], $0x1900  }
0x90: {  	[sflag:s29] =	ssyncset.done $0x0  }
0x91: {  	[sflag:s29] =	ssyncadd.s32 $0xFFFFE700  }
0x92: {  	_ =	swait.ge [sflag:s30], $0x1900  }
0x93: {  	[sflag:s30] =	ssyncset.done $0x0  }
0x94: {  	[sflag:s30] =	ssyncadd.s32 $0xFFFFE700  }
0x95: {  	_ =	swait.ge [sflag:s31], $0x1900  }
0x96: {  	[sflag:s31] =	ssyncset.done $0x0  }
0x97: {  	[sflag:s31] =	ssyncadd.s32 $0xFFFFE700  }
0x98: {  	_ =	swait.ge [sflag:s0], $0x1900  }
0x99: {  	[sflag:s0] =	ssyncset.done $0x0  }
0x9a: {  	[sflag:s0] =	ssyncadd.s32 $0xFFFFE700  }
0x9b: {  	_ =	swait.ge [sflag:s1], $0x1900  }
0x9c: {  	s2 =	sadd.s32 $0x1, s2;
	[sflag:s1] =	ssyncset.done $0x0  }
0x9d: {  	p0 =	sne.s32 s2, s10;
	[sflag:s1] =	ssyncadd.s32 $0xFFFFE700  }
.Ltmp1:
0x9e: {  	[bflag:$0x0] =	sbarrier.arrive $0xFFFF;
	(pc) =	sbr.rel @p0 .LBB2_1-.Ltmp1, $4  }
0x9f: {  	[hbm:s9], [sflag:s6] =	dma.local [spmem:s11], $0x9C4  }
0xa0: {  	_ =	swait.ge [sflag:s12], $0x9C4  }
0xa1: {  	[sflag:s12] =	ssyncset.done $0x0  }
0xa2: {  	[sflag:s12] =	ssyncadd.s32 $0xFFFFF63C  }
0xa3: {  	_ =	sfence.sel $0x180000  }
0xa4: {  	[bflag:$0x0] =	sbarrier.arrive $0xFFFF  }
0xa5: {  	_ =	strace $0x9000004A  }
0xa6: {  	s0 =	stileid.u32;
	[bflag:$0x2] =	sbarrier.arrive $0xFFFF  }
0xa7: {  	p0 =	sne.s32 s0, $0x0;
	s0 =	rddreg [dreg:$0x3]  }
0xa8: {  	s0 =	sadd.s32 @!p0 $0x100000, s0  }
0xa9: {  	[sflag:s0] =	ssyncadd.tile.s32 @!p0 $0x1;
	_ =	shalt  }
.Lfunc_end2:
_tile_overlayer_lowered:
.L_overlay_start_2:
0xaa: {  	(tag) =	ssettag $0x2  }
0xab: {  	s0 =	rddreg [dreg:$0x0];
	s2 =	stileid.u32  }
0xac: {  	s1 =	rddreg [dreg:$0x1];
	p0 =	sne.s32 s2, $0x0  }
0xad: {  	s3 =	rddreg [dreg:$0x2];
	[bflag:$0x3] =	sbarrier.arrive $0xFFFF;
	s2 =	simm.s32 @!p0 $0x1C0B  }
0xae: {  	[timem:s3], [sflag:s2] =	dma.local @!p0 [hbm:s0], s1  }
0xaf: {  	s0 =	simm.s32 @!p0 $0xB  }
0xb0: {  	_ =	swait.ge @!p0 [sflag:s0], s1  }
0xb1: {  	s1 =	ssub.s32 @!p0 $0x0, s1;
	[sflag:s0] =	ssyncset.done @!p0 $0x0  }
0xb2: {  	[sflag:s0] =	ssyncadd.s32 @!p0 s1  }
0xb3: {  	[bflag:$0x3] =	sbarrier.arrive $0xFFFF  }
0xb4: {  	_ =	shalt  }

</sc_bundles>
